<compile_context>
chip_gen: v7x
topology: tpu7x:2x2x1
jax: 0.10.2.dev20260603
libtpu: 0.0.44.dev20260713+nightly
codegen_flags: <defaults>
</compile_context>

<pallas_src>
import jax
import jax.numpy as jnp
from jax import lax
from jax.experimental import pallas as pl
from jax.experimental.pallas import tpu as pltpu
from jax.experimental.pallas import tpu_sc as plsc

_NSEG = 512
_EPS = 1e-05
_TOT = 240
_SQW = 80
_CH = 80
_NC = 2
_NS = 16
_NW = _NC * _NS


def _sqrt_vec(v):
    sq = 0.5 * (1.0 + v)
    for _ in range(26):
        sq = 0.5 * (sq + v / sq)
    return sq


def _sc_phase1_body(x_hbm, batch_hbm, z1_hbm, z2_hbm,
                    pt1_hbm, pt2_hbm,
                    xb0, xb1, qb0, qb1, ix0, ix1,
                    si0, si1, sc0, sc1,
                    s1_sh, sq_sh):
    c = lax.axis_index("c")
    s = lax.axis_index("s")
    wid = c * _NS + s
    rows_per_w = x_hbm.shape[0] // _NW
    nchunk = rows_per_w // _CH
    base = wid * rows_per_w

    xbufs = (xb0, xb1)
    qbufs = (qb0, qb1)
    ixs = (ix0, ix1)
    sis = (si0, si1)
    scs = (sc0, sc1)

    def issue_in(k, slot):
        off = base + k * _CH
        pltpu.async_copy(x_hbm.at[pl.ds(off, _CH)], xbufs[slot], sis[slot])
        pltpu.async_copy(batch_hbm.at[pl.ds(off, _CH)], ixs[slot], sis[slot])

    def wait_in(slot):
        pltpu.make_async_copy(x_hbm.at[pl.ds(base, _CH)], xbufs[slot],
                              sis[slot]).wait()
        pltpu.make_async_copy(batch_hbm.at[pl.ds(base, _CH)], ixs[slot],
                              sis[slot]).wait()

    issue_in(0, 0)
    issue_in(1, 1)

    @pl.when(s == 0)
    def _():
        pltpu.sync_copy(z1_hbm, s1_sh)
        pltpu.sync_copy(z2_hbm, sq_sh)

    onec = jnp.ones((16,), jnp.float32)

    def initrow(r, _):
        qb0[r, pl.ds(64, 16)] = onec
        qb1[r, pl.ds(64, 16)] = onec
        return 0

    lax.fori_loop(0, _CH, initrow, 0)
    plsc.subcore_barrier()

    def p1_chunk(k, slot):
        wait_in(slot)

        def row(r, _):
            for csl in range(4):
                sl = pl.ds(csl * 16, 16)
                v = xbufs[slot][r, sl]
                qbufs[slot][r, sl] = v * v
            return 0

        lax.fori_loop(0, _CH, row, 0)
        pltpu.async_copy(xbufs[slot], s1_sh.at[ixs[slot]], scs[slot],
                         add=True)
        pltpu.async_copy(qbufs[slot], sq_sh.at[ixs[slot]], scs[slot],
                         add=True)
        pltpu.make_async_copy(xbufs[slot], s1_sh.at[ixs[slot]],
                              scs[slot]).wait()
        pltpu.make_async_copy(qbufs[slot], sq_sh.at[ixs[slot]],
                              scs[slot]).wait()

        @pl.when(k + 2 < nchunk)
        def _():
            issue_in(k + 2, slot)

    def p1_pair(j, _):
        p1_chunk(2 * j, 0)

        @pl.when(2 * j + 1 < nchunk)
        def _():
            p1_chunk(2 * j + 1, 1)

        return 0

    lax.fori_loop(0, (nchunk + 1) // 2, p1_pair, 0)
    plsc.subcore_barrier()

    @pl.when(s == 0)
    def _():
        pltpu.sync_copy(s1_sh, pt1_hbm.at[c])
        pltpu.sync_copy(sq_sh, pt2_hbm.at[c])


def _sc_phase2_body(x_hbm, batch_hbm, pt1_hbm, pt2_hbm, w_hbm, bc_hbm,
                    o_hbm,
                    xb0, xb1, qb0, qb1, ob0, ob1, ab0, ab1, ix0, ix1,
                    wbuf, bcbuf, rotbuf,
                    si0, si1, sc0, sc1, so0, so1,
                    a_sh, b_sh):
    c = lax.axis_index("c")
    s = lax.axis_index("s")
    wid = c * _NS + s
    rows_per_w = x_hbm.shape[0] // _NW
    nchunk = rows_per_w // _CH
    base = wid * rows_per_w

    xbufs = (xb0, xb1)
    obufs = (ob0, ob1)
    abufs = (ab0, ab1)
    ixs = (ix0, ix1)
    sis = (si0, si1)
    scs = (sc0, sc1)
    sos = (so0, so1)

    def issue_in(k, slot):
        off = base + k * _CH
        pltpu.async_copy(x_hbm.at[pl.ds(off, _CH)], xbufs[slot], sis[slot])
        pltpu.async_copy(batch_hbm.at[pl.ds(off, _CH)], ixs[slot], sis[slot])

    def wait_in(slot):
        pltpu.make_async_copy(x_hbm.at[pl.ds(base, _CH)], xbufs[slot],
                              sis[slot]).wait()
        pltpu.make_async_copy(batch_hbm.at[pl.ds(base, _CH)], ixs[slot],
                              sis[slot]).wait()

    pltpu.sync_copy(w_hbm, wbuf)
    pltpu.sync_copy(bc_hbm, bcbuf)

    seg0 = s * 32
    pltpu.sync_copy(pt1_hbm.at[0, pl.ds(seg0, 32)], xb0.at[pl.ds(0, 32)])
    pltpu.sync_copy(pt1_hbm.at[1, pl.ds(seg0, 32)], xb0.at[pl.ds(32, 32)])
    pltpu.sync_copy(pt2_hbm.at[0, pl.ds(seg0, 32)], qb0.at[pl.ds(0, 32)])
    pltpu.sync_copy(pt2_hbm.at[1, pl.ds(seg0, 32)], qb0.at[pl.ds(32, 32)])

    wregs = [wbuf[pl.ds(i * 16, 16)] for i in range(15)]
    bcregs = [bcbuf[pl.ds(i * 16, 16)] for i in range(15)]

    def seg(g, _):
        deg = qb0[g, pl.ds(64, 16)] + qb0[32 + g, pl.ds(64, 16)]
        dc = jnp.maximum(deg, 1.0)
        rdeg = 1.0 / (deg + 1e-12)
        s1sl = [xb0[g, pl.ds(i * 16, 16)] + xb0[32 + g, pl.ds(i * 16, 16)]
                for i in range(15)]
        msl = [t * rdeg for t in s1sl]
        vacc = jnp.zeros((16,), jnp.float32)
        for i in range(4):
            sq_i = qb0[g, pl.ds(i * 16, 16)] + qb0[32 + g, pl.ds(i * 16, 16)]
            vacc = vacc + (sq_i - 2.0 * msl[i] * s1sl[i]
                           + deg * msl[i] * msl[i])
        tot = vacc
        for sh in (8, 4, 2, 1):
            rotbuf[pl.ds(0, 16)] = tot
            rotbuf[pl.ds(16, 16)] = tot
            tot = tot + rotbuf[pl.ds(sh, 16)]
        norm = tot / (dc * 64.0)
        inv = 1.0 / (_sqrt_vec(norm) + _EPS)
        for i in range(4):
            a_i = inv * wregs[i]
            ab0[g, pl.ds(i * 16, 16)] = a_i
            ob0[g, pl.ds(i * 16, 16)] = bcregs[i] - msl[i] * a_i
        for i in range(4, 15):
            ob0[g, pl.ds(i * 16, 16)] = bcregs[i] - msl[i] * wregs[i]
        return 0

    lax.fori_loop(0, 32, seg, 0)
    pltpu.sync_copy(ab0.at[pl.ds(0, 32)], a_sh.at[pl.ds(seg0, 32)])
    pltpu.sync_copy(ob0.at[pl.ds(0, 32)], b_sh.at[pl.ds(seg0, 32)])
    issue_in(0, 0)
    issue_in(1, 1)
    plsc.subcore_barrier()

    w2regs = [wbuf[pl.ds(64 + i * 16, 16)] for i in range(11)]

    def p2_chunk(k, slot):
        wait_in(slot)

        @pl.when(k >= 2)
        def _():
            pltpu.make_async_copy(obufs[slot],
                                  o_hbm.at[pl.ds(base, _CH)],
                                  sos[slot]).wait()

        pltpu.async_copy(b_sh.at[ixs[slot]], obufs[slot], scs[slot])
        pltpu.async_copy(a_sh.at[ixs[slot]], abufs[slot], scs[slot])
        pltpu.make_async_copy(b_sh.at[ixs[slot]], obufs[slot],
                              scs[slot]).wait()
        pltpu.make_async_copy(a_sh.at[ixs[slot]], abufs[slot],
                              scs[slot]).wait()

        def row(r, _):
            for csl in range(4):
                sl = pl.ds(csl * 16, 16)
                v = xbufs[slot][r, sl] * abufs[slot][r, sl]
                plsc.addupdate(obufs[slot].at[r, sl], v)
            for i in range(11):
                sl = pl.ds(64 + i * 16, 16)
                v = xbufs[slot][r, sl] * w2regs[i]
                plsc.addupdate(obufs[slot].at[r, sl], v)
            return 0

        lax.fori_loop(0, _CH, row, 0)
        off = base + k * _CH
        pltpu.async_copy(obufs[slot], o_hbm.at[pl.ds(off, _CH)], sos[slot])

        @pl.when(k + 2 < nchunk)
        def _():
            issue_in(k + 2, slot)

    def p2_pair(j, _):
        p2_chunk(2 * j, 0)

        @pl.when(2 * j + 1 < nchunk)
        def _():
            p2_chunk(2 * j + 1, 1)

        return 0

    lax.fori_loop(0, (nchunk + 1) // 2, p2_pair, 0)
    pltpu.make_async_copy(obufs[0], o_hbm.at[pl.ds(base, _CH)], sos[0]).wait()
    pltpu.make_async_copy(obufs[1], o_hbm.at[pl.ds(base, _CH)], sos[1]).wait()


def kernel(x, batch, weight, bias):
    n, tot = x.shape
    assert tot == _TOT and n % (_NW * _CH) == 0

    wcol = jnp.concatenate([
        weight[0:64],
        jnp.repeat(weight[64:96], 3),
        jnp.repeat(weight[96:112], 5),
    ])
    bcol = jnp.concatenate([bias, jnp.zeros((tot - 64,), jnp.float32)])
    z1 = jnp.zeros((_NSEG, _TOT), jnp.float32)
    z2 = jnp.zeros((_NSEG, _SQW), jnp.float32)

    mesh = plsc.VectorSubcoreMesh(core_axis_name="c", subcore_axis_name="s")

    phase1 = pl.kernel(
        _sc_phase1_body,
        out_type=(
            jax.ShapeDtypeStruct((_NC, _NSEG, _TOT), jnp.float32),
            jax.ShapeDtypeStruct((_NC, _NSEG, _SQW), jnp.float32),
        ),
        mesh=mesh,
        compiler_params=pltpu.CompilerParams(use_tc_tiling_on_sc=False),
        scratch_types=[
            pltpu.VMEM((_CH, _TOT), jnp.float32),
            pltpu.VMEM((_CH, _TOT), jnp.float32),
            pltpu.VMEM((_CH, _SQW), jnp.float32),
            pltpu.VMEM((_CH, _SQW), jnp.float32),
            pltpu.VMEM((_CH,), jnp.int32),
            pltpu.VMEM((_CH,), jnp.int32),
            pltpu.SemaphoreType.DMA,
            pltpu.SemaphoreType.DMA,
            pltpu.SemaphoreType.DMA,
            pltpu.SemaphoreType.DMA,
            pltpu.VMEM_SHARED((_NSEG, _TOT), jnp.float32),
            pltpu.VMEM_SHARED((_NSEG, _SQW), jnp.float32),
        ],
    )
    pt1, pt2 = phase1(x, batch, z1, z2)

    phase2 = pl.kernel(
        _sc_phase2_body,
        out_type=jax.ShapeDtypeStruct((n, tot), jnp.float32),
        mesh=mesh,
        compiler_params=pltpu.CompilerParams(use_tc_tiling_on_sc=False),
        scratch_types=[
            pltpu.VMEM((_CH, _TOT), jnp.float32),
            pltpu.VMEM((_CH, _TOT), jnp.float32),
            pltpu.VMEM((_CH, _SQW), jnp.float32),
            pltpu.VMEM((_CH, _SQW), jnp.float32),
            pltpu.VMEM((_CH, _TOT), jnp.float32),
            pltpu.VMEM((_CH, _TOT), jnp.float32),
            pltpu.VMEM((_CH, 64), jnp.float32),
            pltpu.VMEM((_CH, 64), jnp.float32),
            pltpu.VMEM((_CH,), jnp.int32),
            pltpu.VMEM((_CH,), jnp.int32),
            pltpu.VMEM((_TOT,), jnp.float32),
            pltpu.VMEM((_TOT,), jnp.float32),
            pltpu.VMEM((32,), jnp.float32),
            pltpu.SemaphoreType.DMA,
            pltpu.SemaphoreType.DMA,
            pltpu.SemaphoreType.DMA,
            pltpu.SemaphoreType.DMA,
            pltpu.SemaphoreType.DMA,
            pltpu.SemaphoreType.DMA,
            pltpu.VMEM_SHARED((_NSEG, 64), jnp.float32),
            pltpu.VMEM_SHARED((_NSEG, _TOT), jnp.float32),
        ],
    )
    return phase2(x, batch, pt1, pt2, wcol, bcol)

# --- scband reference (transcript-rebuilt; emitter-appended) ---
"""Pipeline reference for scband-e3-layer-norm-71554155151878 (READ-ONLY COPY).

The authoritative reference and input builder live on the scoring server;
editing this copy changes nothing except your own understanding.
"""

import jax, jax.numpy as jnp
import numpy as np

MULS = [64, 32, 16]
DIMS = [1, 3, 5]
TOTAL = 240
NSEG = 512
EPS = 1e-05
SUBTRACT_MEAN = True
DIVIDE_NORM = False
N = 320000


def setup_inputs(seed: int = 0):
    key = jax.random.key(seed)
    k1, k2 = jax.random.split(key)
    x = jax.random.normal(k1, (N, TOTAL), dtype=jnp.float32)
    batch = jnp.sort(jax.random.randint(k2, (N,), 0, NSEG, dtype=jnp.int32))
    weight = jnp.ones((64 + 32 + 16,), dtype=jnp.float32)
    bias = jnp.zeros((64,), dtype=jnp.float32)
    return {"x": x, "batch": batch, "weight": weight, "bias": bias}


def reference(x, batch, weight, bias):
    n = x.shape[0]
    deg = jax.ops.segment_sum(jnp.ones((n,), dtype=x.dtype), batch, num_segments=NSEG)
    outs = []
    ix = 0
    ws = 0
    bs = 0
    for mul, dim in zip(MULS, DIMS):
        span = mul * dim
        field = x[:, ix:ix + span].reshape(n, mul, dim)
        if SUBTRACT_MEAN or dim == 1:
            s = jax.ops.segment_sum(field, batch, num_segments=NSEG)
            mean = s / (deg[:, None, None] + 1e-12)
            field = field - mean[batch]
        if DIVIDE_NORM or dim == 1:
            sq = jnp.abs(field) ** 2
            m = jax.ops.segment_sum(sq, batch, num_segments=NSEG) / jnp.clip(deg, 1.0)[:, None, None]
            norm = jnp.mean(m, axis=(1, 2), keepdims=True)
            field = field / (jnp.sqrt(norm)[batch] + EPS)
        w = weight[ws:ws + mul].reshape(1, mul, 1)
        field = field * w
        ws += mul
        if dim == 1:
            b = bias[bs:bs + mul].reshape(1, mul, 1)
            field = field + b
            bs += mul
        outs.append(field.reshape(n, span))
        ix += span
    return jnp.concatenate(outs, axis=-1)

if __name__ == "__main__":
    import jax
    _d = setup_inputs()
    print(jax.jit(kernel)(*tuple(_d.values())))

</pallas_src>

<mosaic_0001>
#map = affine_map<(d0, d1) -> (0, 0)>
#map1 = affine_map<(d0, d1) -> (0)>
#map2 = affine_map<(d0, d1) -> (0, 0, 0)>
module attributes {stable_mosaic.version = 14 : i64} {
  func.func @_sc_phase2_body(%arg0: i32, %arg1: i32, %arg2: memref<320000x240xf32, #tpu.memory_space<hbm>>, %arg3: memref<320000xi32, #tpu.memory_space<hbm>>, %arg4: memref<2x512x240xf32, #tpu.memory_space<hbm>>, %arg5: memref<2x512x80xf32, #tpu.memory_space<hbm>>, %arg6: memref<240xf32, #tpu.memory_space<hbm>>, %arg7: memref<240xf32, #tpu.memory_space<hbm>>, %arg8: memref<320000x240xf32, #tpu.memory_space<hbm>>, %arg9: memref<80x240xf32, #tpu.memory_space<vmem>>, %arg10: memref<80x240xf32, #tpu.memory_space<vmem>>, %arg11: memref<80x80xf32, #tpu.memory_space<vmem>>, %arg12: memref<80x80xf32, #tpu.memory_space<vmem>>, %arg13: memref<80x240xf32, #tpu.memory_space<vmem>>, %arg14: memref<80x240xf32, #tpu.memory_space<vmem>>, %arg15: memref<80x64xf32, #tpu.memory_space<vmem>>, %arg16: memref<80x64xf32, #tpu.memory_space<vmem>>, %arg17: memref<80xi32, #tpu.memory_space<vmem>>, %arg18: memref<80xi32, #tpu.memory_space<vmem>>, %arg19: memref<240xf32, #tpu.memory_space<vmem>>, %arg20: memref<240xf32, #tpu.memory_space<vmem>>, %arg21: memref<32xf32, #tpu.memory_space<vmem>>, %arg22: memref<!tpu.dma_semaphore, #tpu.memory_space<semaphore_mem>>, %arg23: memref<!tpu.dma_semaphore, #tpu.memory_space<semaphore_mem>>, %arg24: memref<!tpu.dma_semaphore, #tpu.memory_space<semaphore_mem>>, %arg25: memref<!tpu.dma_semaphore, #tpu.memory_space<semaphore_mem>>, %arg26: memref<!tpu.dma_semaphore, #tpu.memory_space<semaphore_mem>>, %arg27: memref<!tpu.dma_semaphore, #tpu.memory_space<semaphore_mem>>, %arg28: memref<512x64xf32, #tpu.memory_space<vmem_shared>>, %arg29: memref<512x240xf32, #tpu.memory_space<vmem_shared>>) attributes {dimension_semantics = [#tpu.dimension_semantics<core_parallel>, #tpu.dimension_semantics<subcore_parallel>], iteration_bounds = array<i64: 2, 16>, scalar_prefetch = 0 : i64, scratch_operands = 21 : i64, tpu.core_type = #tpu.core_type<sc_vector_subcore>, window_params = [{transform_indices = #map}, {transform_indices = #map1}, {transform_indices = #map2}, {transform_indices = #map2}, {transform_indices = #map1}, {transform_indices = #map1}, {transform_indices = #map}]} {
    %mul3A = arith.constant 16 : i32
    %mul3A_0 = arith.muli %arg0, %mul3A : i32
    %add3A = arith.addi %mul3A_0, %arg1 : i32
    %mul3A_1 = arith.constant 10000 : i32
    %mul3A_2 = arith.muli %add3A, %mul3A_1 : i32
    "tpu.region"() ({
      %run_scoped3A_165 = tpu.sem_alloc : memref<!tpu.dma_semaphore, #tpu.memory_space<semaphore_mem>>
      tpu.enqueue_dma source(%arg6 : memref<240xf32, #tpu.memory_space<hbm>>) target(%arg19 : memref<240xf32, #tpu.memory_space<vmem>>) target_semaphore(%run_scoped3A_165 : memref<!tpu.dma_semaphore, #tpu.memory_space<semaphore_mem>>)
      tpu.wait_dma2 semaphore(%run_scoped3A_165 : memref<!tpu.dma_semaphore, #tpu.memory_space<semaphore_mem>>) src(%arg6 : memref<240xf32, #tpu.memory_space<hbm>>) dst(%arg19 : memref<240xf32, #tpu.memory_space<vmem>>)
      tpu.yield
    }) : () -> ()
    "tpu.region"() ({
      %run_scoped3A_165 = tpu.sem_alloc : memref<!tpu.dma_semaphore, #tpu.memory_space<semaphore_mem>>
      tpu.enqueue_dma source(%arg7 : memref<240xf32, #tpu.memory_space<hbm>>) target(%arg20 : memref<240xf32, #tpu.memory_space<vmem>>) target_semaphore(%run_scoped3A_165 : memref<!tpu.dma_semaphore, #tpu.memory_space<semaphore_mem>>)
      tpu.wait_dma2 semaphore(%run_scoped3A_165 : memref<!tpu.dma_semaphore, #tpu.memory_space<semaphore_mem>>) src(%arg7 : memref<240xf32, #tpu.memory_space<hbm>>) dst(%arg20 : memref<240xf32, #tpu.memory_space<vmem>>)
      tpu.yield
    }) : () -> ()
    %mul3A_3 = arith.constant 32 : i32
    %mul3A_4 = arith.muli %arg1, %mul3A_3 : i32
    %run_scoped3A = arith.constant 0 : i32
    "tpu.region"() ({
      %run_scoped3A_165 = tpu.sem_alloc : memref<!tpu.dma_semaphore, #tpu.memory_space<semaphore_mem>>
      %dma_start3A_166 = arith.constant 0 : i32
      %dma_start3A_167 = arith.constant 0 : i32
      %dma_start3A_168 = tpu.memref_slice %arg9[%dma_start3A_166, %dma_start3A_167] : memref<80x240xf32, #tpu.memory_space<vmem>> -> memref<32x240xf32, #tpu.memory_space<vmem>>
      %dma_start3A_169 = arith.constant 0 : i32
      %dma_start3A_170 = tpu.memref_slice %arg4[%run_scoped3A, %mul3A_4, %dma_start3A_169] : memref<2x512x240xf32, #tpu.memory_space<hbm>> -> memref<1x32x240xf32, #tpu.memory_space<hbm>>
      %dma_start3A_171 = tpu.memref_squeeze %dma_start3A_170 : memref<1x32x240xf32, #tpu.memory_space<hbm>> -> memref<32x240xf32, #tpu.memory_space<hbm>>
      %dma_start3A_172 = arith.constant 0 : i32
      %dma_start3A_173 = arith.constant 0 : i32
      %dma_start3A_174 = tpu.memref_slice %arg9[%dma_start3A_172, %dma_start3A_173] : memref<80x240xf32, #tpu.memory_space<vmem>> -> memref<32x240xf32, #tpu.memory_space<vmem>>
      %dma_start3A_175 = arith.constant 0 : i32
      %dma_start3A_176 = tpu.memref_slice %arg4[%run_scoped3A, %mul3A_4, %dma_start3A_175] : memref<2x512x240xf32, #tpu.memory_space<hbm>> -> memref<1x32x240xf32, #tpu.memory_space<hbm>>
      %dma_start3A_177 = tpu.memref_squeeze %dma_start3A_176 : memref<1x32x240xf32, #tpu.memory_space<hbm>> -> memref<32x240xf32, #tpu.memory_space<hbm>>
      tpu.enqueue_dma source(%dma_start3A_177 : memref<32x240xf32, #tpu.memory_space<hbm>>) target(%dma_start3A_174 : memref<32x240xf32, #tpu.memory_space<vmem>>) target_semaphore(%run_scoped3A_165 : memref<!tpu.dma_semaphore, #tpu.memory_space<semaphore_mem>>)
      %dma_wait3A_178 = arith.constant 0 : i32
      %dma_wait3A_179 = arith.constant 0 : i32
      %dma_wait3A_180 = tpu.memref_slice %arg9[%dma_wait3A_178, %dma_wait3A_179] : memref<80x240xf32, #tpu.memory_space<vmem>> -> memref<32x240xf32, #tpu.memory_space<vmem>>
      %dma_wait3A_181 = arith.constant 0 : i32
      %dma_wait3A_182 = tpu.memref_slice %arg4[%run_scoped3A, %mul3A_4, %dma_wait3A_181] : memref<2x512x240xf32, #tpu.memory_space<hbm>> -> memref<1x32x240xf32, #tpu.memory_space<hbm>>
      %dma_wait3A_183 = tpu.memref_squeeze %dma_wait3A_182 : memref<1x32x240xf32, #tpu.memory_space<hbm>> -> memref<32x240xf32, #tpu.memory_space<hbm>>
      %dma_wait3A_184 = arith.constant 0 : i32
      %dma_wait3A_185 = arith.constant 0 : i32
      %dma_wait3A_186 = tpu.memref_slice %arg9[%dma_wait3A_184, %dma_wait3A_185] : memref<80x240xf32, #tpu.memory_space<vmem>> -> memref<32x240xf32, #tpu.memory_space<vmem>>
      %dma_wait3A_187 = arith.constant 0 : i32
      %dma_wait3A_188 = tpu.memref_slice %arg4[%run_scoped3A, %mul3A_4, %dma_wait3A_187] : memref<2x512x240xf32, #tpu.memory_space<hbm>> -> memref<1x32x240xf32, #tpu.memory_space<hbm>>
      %dma_wait3A_189 = tpu.memref_squeeze %dma_wait3A_188 : memref<1x32x240xf32, #tpu.memory_space<hbm>> -> memref<32x240xf32, #tpu.memory_space<hbm>>
      tpu.wait_dma2 semaphore(%run_scoped3A_165 : memref<!tpu.dma_semaphore, #tpu.memory_space<semaphore_mem>>) src(%dma_wait3A_189 : memref<32x240xf32, #tpu.memory_space<hbm>>) dst(%dma_wait3A_186 : memref<32x240xf32, #tpu.memory_space<vmem>>)
      tpu.yield
    }) : () -> ()
    %run_scoped3A_5 = arith.constant 1 : i32
    "tpu.region"() ({
      %run_scoped3A_165 = tpu.sem_alloc : memref<!tpu.dma_semaphore, #tpu.memory_space<semaphore_mem>>
      %dma_start3A_166 = arith.constant 32 : i32
      %dma_start3A_167 = arith.constant 0 : i32
      %dma_start3A_168 = tpu.memref_slice %arg9[%dma_start3A_166, %dma_start3A_167] : memref<80x240xf32, #tpu.memory_space<vmem>> -> memref<32x240xf32, #tpu.memory_space<vmem>>
      %dma_start3A_169 = arith.constant 0 : i32
      %dma_start3A_170 = tpu.memref_slice %arg4[%run_scoped3A_5, %mul3A_4, %dma_start3A_169] : memref<2x512x240xf32, #tpu.memory_space<hbm>> -> memref<1x32x240xf32, #tpu.memory_space<hbm>>
      %dma_start3A_171 = tpu.memref_squeeze %dma_start3A_170 : memref<1x32x240xf32, #tpu.memory_space<hbm>> -> memref<32x240xf32, #tpu.memory_space<hbm>>
      %dma_start3A_172 = arith.constant 32 : i32
      %dma_start3A_173 = arith.constant 0 : i32
      %dma_start3A_174 = tpu.memref_slice %arg9[%dma_start3A_172, %dma_start3A_173] : memref<80x240xf32, #tpu.memory_space<vmem>> -> memref<32x240xf32, #tpu.memory_space<vmem>>
      %dma_start3A_175 = arith.constant 0 : i32
      %dma_start3A_176 = tpu.memref_slice %arg4[%run_scoped3A_5, %mul3A_4, %dma_start3A_175] : memref<2x512x240xf32, #tpu.memory_space<hbm>> -> memref<1x32x240xf32, #tpu.memory_space<hbm>>
      %dma_start3A_177 = tpu.memref_squeeze %dma_start3A_176 : memref<1x32x240xf32, #tpu.memory_space<hbm>> -> memref<32x240xf32, #tpu.memory_space<hbm>>
      tpu.enqueue_dma source(%dma_start3A_177 : memref<32x240xf32, #tpu.memory_space<hbm>>) target(%dma_start3A_174 : memref<32x240xf32, #tpu.memory_space<vmem>>) target_semaphore(%run_scoped3A_165 : memref<!tpu.dma_semaphore, #tpu.memory_space<semaphore_mem>>)
      %dma_wait3A_178 = arith.constant 32 : i32
      %dma_wait3A_179 = arith.constant 0 : i32
      %dma_wait3A_180 = tpu.memref_slice %arg9[%dma_wait3A_178, %dma_wait3A_179] : memref<80x240xf32, #tpu.memory_space<vmem>> -> memref<32x240xf32, #tpu.memory_space<vmem>>
      %dma_wait3A_181 = arith.constant 0 : i32
      %dma_wait3A_182 = tpu.memref_slice %arg4[%run_scoped3A_5, %mul3A_4, %dma_wait3A_181] : memref<2x512x240xf32, #tpu.memory_space<hbm>> -> memref<1x32x240xf32, #tpu.memory_space<hbm>>
      %dma_wait3A_183 = tpu.memref_squeeze %dma_wait3A_182 : memref<1x32x240xf32, #tpu.memory_space<hbm>> -> memref<32x240xf32, #tpu.memory_space<hbm>>
      %dma_wait3A_184 = arith.constant 32 : i32
      %dma_wait3A_185 = arith.constant 0 : i32
      %dma_wait3A_186 = tpu.memref_slice %arg9[%dma_wait3A_184, %dma_wait3A_185] : memref<80x240xf32, #tpu.memory_space<vmem>> -> memref<32x240xf32, #tpu.memory_space<vmem>>
      %dma_wait3A_187 = arith.constant 0 : i32
      %dma_wait3A_188 = tpu.memref_slice %arg4[%run_scoped3A_5, %mul3A_4, %dma_wait3A_187] : memref<2x512x240xf32, #tpu.memory_space<hbm>> -> memref<1x32x240xf32, #tpu.memory_space<hbm>>
      %dma_wait3A_189 = tpu.memref_squeeze %dma_wait3A_188 : memref<1x32x240xf32, #tpu.memory_space<hbm>> -> memref<32x240xf32, #tpu.memory_space<hbm>>
      tpu.wait_dma2 semaphore(%run_scoped3A_165 : memref<!tpu.dma_semaphore, #tpu.memory_space<semaphore_mem>>) src(%dma_wait3A_189 : memref<32x240xf32, #tpu.memory_space<hbm>>) dst(%dma_wait3A_186 : memref<32x240xf32, #tpu.memory_space<vmem>>)
      tpu.yield
    }) : () -> ()
    %run_scoped3A_6 = arith.constant 0 : i32
    "tpu.region"() ({
      %run_scoped3A_165 = tpu.sem_alloc : memref<!tpu.dma_semaphore, #tpu.memory_space<semaphore_mem>>
      %dma_start3A_166 = arith.constant 0 : i32
      %dma_start3A_167 = arith.constant 0 : i32
      %dma_start3A_168 = tpu.memref_slice %arg11[%dma_start3A_166, %dma_start3A_167] : memref<80x80xf32, #tpu.memory_space<vmem>> -> memref<32x80xf32, #tpu.memory_space<vmem>>
      %dma_start3A_169 = arith.constant 0 : i32
      %dma_start3A_170 = tpu.memref_slice %arg5[%run_scoped3A_6, %mul3A_4, %dma_start3A_169] : memref<2x512x80xf32, #tpu.memory_space<hbm>> -> memref<1x32x80xf32, #tpu.memory_space<hbm>>
      %dma_start3A_171 = tpu.memref_squeeze %dma_start3A_170 : memref<1x32x80xf32, #tpu.memory_space<hbm>> -> memref<32x80xf32, #tpu.memory_space<hbm>>
      %dma_start3A_172 = arith.constant 0 : i32
      %dma_start3A_173 = arith.constant 0 : i32
      %dma_start3A_174 = tpu.memref_slice %arg11[%dma_start3A_172, %dma_start3A_173] : memref<80x80xf32, #tpu.memory_space<vmem>> -> memref<32x80xf32, #tpu.memory_space<vmem>>
      %dma_start3A_175 = arith.constant 0 : i32
      %dma_start3A_176 = tpu.memref_slice %arg5[%run_scoped3A_6, %mul3A_4, %dma_start3A_175] : memref<2x512x80xf32, #tpu.memory_space<hbm>> -> memref<1x32x80xf32, #tpu.memory_space<hbm>>
      %dma_start3A_177 = tpu.memref_squeeze %dma_start3A_176 : memref<1x32x80xf32, #tpu.memory_space<hbm>> -> memref<32x80xf32, #tpu.memory_space<hbm>>
      tpu.enqueue_dma source(%dma_start3A_177 : memref<32x80xf32, #tpu.memory_space<hbm>>) target(%dma_start3A_174 : memref<32x80xf32, #tpu.memory_space<vmem>>) target_semaphore(%run_scoped3A_165 : memref<!tpu.dma_semaphore, #tpu.memory_space<semaphore_mem>>)
      %dma_wait3A_178 = arith.constant 0 : i32
      %dma_wait3A_179 = arith.constant 0 : i32
      %dma_wait3A_180 = tpu.memref_slice %arg11[%dma_wait3A_178, %dma_wait3A_179] : memref<80x80xf32, #tpu.memory_space<vmem>> -> memref<32x80xf32, #tpu.memory_space<vmem>>
      %dma_wait3A_181 = arith.constant 0 : i32
      %dma_wait3A_182 = tpu.memref_slice %arg5[%run_scoped3A_6, %mul3A_4, %dma_wait3A_181] : memref<2x512x80xf32, #tpu.memory_space<hbm>> -> memref<1x32x80xf32, #tpu.memory_space<hbm>>
      %dma_wait3A_183 = tpu.memref_squeeze %dma_wait3A_182 : memref<1x32x80xf32, #tpu.memory_space<hbm>> -> memref<32x80xf32, #tpu.memory_space<hbm>>
      %dma_wait3A_184 = arith.constant 0 : i32
      %dma_wait3A_185 = arith.constant 0 : i32
      %dma_wait3A_186 = tpu.memref_slice %arg11[%dma_wait3A_184, %dma_wait3A_185] : memref<80x80xf32, #tpu.memory_space<vmem>> -> memref<32x80xf32, #tpu.memory_space<vmem>>
      %dma_wait3A_187 = arith.constant 0 : i32
      %dma_wait3A_188 = tpu.memref_slice %arg5[%run_scoped3A_6, %mul3A_4, %dma_wait3A_187] : memref<2x512x80xf32, #tpu.memory_space<hbm>> -> memref<1x32x80xf32, #tpu.memory_space<hbm>>
      %dma_wait3A_189 = tpu.memref_squeeze %dma_wait3A_188 : memref<1x32x80xf32, #tpu.memory_space<hbm>> -> memref<32x80xf32, #tpu.memory_space<hbm>>
      tpu.wait_dma2 semaphore(%run_scoped3A_165 : memref<!tpu.dma_semaphore, #tpu.memory_space<semaphore_mem>>) src(%dma_wait3A_189 : memref<32x80xf32, #tpu.memory_space<hbm>>) dst(%dma_wait3A_186 : memref<32x80xf32, #tpu.memory_space<vmem>>)
      tpu.yield
    }) : () -> ()
    %run_scoped3A_7 = arith.constant 1 : i32
    "tpu.region"() ({
      %run_scoped3A_165 = tpu.sem_alloc : memref<!tpu.dma_semaphore, #tpu.memory_space<semaphore_mem>>
      %dma_start3A_166 = arith.constant 32 : i32
      %dma_start3A_167 = arith.constant 0 : i32
      %dma_start3A_168 = tpu.memref_slice %arg11[%dma_start3A_166, %dma_start3A_167] : memref<80x80xf32, #tpu.memory_space<vmem>> -> memref<32x80xf32, #tpu.memory_space<vmem>>
      %dma_start3A_169 = arith.constant 0 : i32
      %dma_start3A_170 = tpu.memref_slice %arg5[%run_scoped3A_7, %mul3A_4, %dma_start3A_169] : memref<2x512x80xf32, #tpu.memory_space<hbm>> -> memref<1x32x80xf32, #tpu.memory_space<hbm>>
      %dma_start3A_171 = tpu.memref_squeeze %dma_start3A_170 : memref<1x32x80xf32, #tpu.memory_space<hbm>> -> memref<32x80xf32, #tpu.memory_space<hbm>>
      %dma_start3A_172 = arith.constant 32 : i32
      %dma_start3A_173 = arith.constant 0 : i32
      %dma_start3A_174 = tpu.memref_slice %arg11[%dma_start3A_172, %dma_start3A_173] : memref<80x80xf32, #tpu.memory_space<vmem>> -> memref<32x80xf32, #tpu.memory_space<vmem>>
      %dma_start3A_175 = arith.constant 0 : i32
      %dma_start3A_176 = tpu.memref_slice %arg5[%run_scoped3A_7, %mul3A_4, %dma_start3A_175] : memref<2x512x80xf32, #tpu.memory_space<hbm>> -> memref<1x32x80xf32, #tpu.memory_space<hbm>>
      %dma_start3A_177 = tpu.memref_squeeze %dma_start3A_176 : memref<1x32x80xf32, #tpu.memory_space<hbm>> -> memref<32x80xf32, #tpu.memory_space<hbm>>
      tpu.enqueue_dma source(%dma_start3A_177 : memref<32x80xf32, #tpu.memory_space<hbm>>) target(%dma_start3A_174 : memref<32x80xf32, #tpu.memory_space<vmem>>) target_semaphore(%run_scoped3A_165 : memref<!tpu.dma_semaphore, #tpu.memory_space<semaphore_mem>>)
      %dma_wait3A_178 = arith.constant 32 : i32
      %dma_wait3A_179 = arith.constant 0 : i32
      %dma_wait3A_180 = tpu.memref_slice %arg11[%dma_wait3A_178, %dma_wait3A_179] : memref<80x80xf32, #tpu.memory_space<vmem>> -> memref<32x80xf32, #tpu.memory_space<vmem>>
      %dma_wait3A_181 = arith.constant 0 : i32
      %dma_wait3A_182 = tpu.memref_slice %arg5[%run_scoped3A_7, %mul3A_4, %dma_wait3A_181] : memref<2x512x80xf32, #tpu.memory_space<hbm>> -> memref<1x32x80xf32, #tpu.memory_space<hbm>>
      %dma_wait3A_183 = tpu.memref_squeeze %dma_wait3A_182 : memref<1x32x80xf32, #tpu.memory_space<hbm>> -> memref<32x80xf32, #tpu.memory_space<hbm>>
      %dma_wait3A_184 = arith.constant 32 : i32
      %dma_wait3A_185 = arith.constant 0 : i32
      %dma_wait3A_186 = tpu.memref_slice %arg11[%dma_wait3A_184, %dma_wait3A_185] : memref<80x80xf32, #tpu.memory_space<vmem>> -> memref<32x80xf32, #tpu.memory_space<vmem>>
      %dma_wait3A_187 = arith.constant 0 : i32
      %dma_wait3A_188 = tpu.memref_slice %arg5[%run_scoped3A_7, %mul3A_4, %dma_wait3A_187] : memref<2x512x80xf32, #tpu.memory_space<hbm>> -> memref<1x32x80xf32, #tpu.memory_space<hbm>>
      %dma_wait3A_189 = tpu.memref_squeeze %dma_wait3A_188 : memref<1x32x80xf32, #tpu.memory_space<hbm>> -> memref<32x80xf32, #tpu.memory_space<hbm>>
      tpu.wait_dma2 semaphore(%run_scoped3A_165 : memref<!tpu.dma_semaphore, #tpu.memory_space<semaphore_mem>>) src(%dma_wait3A_189 : memref<32x80xf32, #tpu.memory_space<hbm>>) dst(%dma_wait3A_186 : memref<32x80xf32, #tpu.memory_space<vmem>>)
      tpu.yield
    }) : () -> ()
    %get3A = arith.constant 0 : index
    %get3A_8 = tpu.vector_load %arg19[%get3A] {strides = array<i32>} : memref<240xf32, #tpu.memory_space<vmem>>, vector<16xf32>,
    %get3A_9 = vector.shape_cast %get3A_8 : vector<16xf32> to vector<16xf32>
    %get3A_10 = arith.constant 16 : index
    %get3A_11 = tpu.vector_load %arg19[%get3A_10] {strides = array<i32>} : memref<240xf32, #tpu.memory_space<vmem>>, vector<16xf32>,
    %get3A_12 = vector.shape_cast %get3A_11 : vector<16xf32> to vector<16xf32>
    %get3A_13 = arith.constant 32 : index
    %get3A_14 = tpu.vector_load %arg19[%get3A_13] {strides = array<i32>} : memref<240xf32, #tpu.memory_space<vmem>>, vector<16xf32>,
    %get3A_15 = vector.shape_cast %get3A_14 : vector<16xf32> to vector<16xf32>
    %get3A_16 = arith.constant 48 : index
    %get3A_17 = tpu.vector_load %arg19[%get3A_16] {strides = array<i32>} : memref<240xf32, #tpu.memory_space<vmem>>, vector<16xf32>,
    %get3A_18 = vector.shape_cast %get3A_17 : vector<16xf32> to vector<16xf32>
    %get3A_19 = arith.constant 64 : index
    %get3A_20 = tpu.vector_load %arg19[%get3A_19] {strides = array<i32>} : memref<240xf32, #tpu.memory_space<vmem>>, vector<16xf32>,
    %get3A_21 = vector.shape_cast %get3A_20 : vector<16xf32> to vector<16xf32>
    %get3A_22 = arith.constant 80 : index
    %get3A_23 = tpu.vector_load %arg19[%get3A_22] {strides = array<i32>} : memref<240xf32, #tpu.memory_space<vmem>>, vector<16xf32>,
    %get3A_24 = vector.shape_cast %get3A_23 : vector<16xf32> to vector<16xf32>
    %get3A_25 = arith.constant 96 : index
    %get3A_26 = tpu.vector_load %arg19[%get3A_25] {strides = array<i32>} : memref<240xf32, #tpu.memory_space<vmem>>, vector<16xf32>,
    %get3A_27 = vector.shape_cast %get3A_26 : vector<16xf32> to vector<16xf32>
    %get3A_28 = arith.constant 112 : index
    %get3A_29 = tpu.vector_load %arg19[%get3A_28] {strides = array<i32>} : memref<240xf32, #tpu.memory_space<vmem>>, vector<16xf32>,
    %get3A_30 = vector.shape_cast %get3A_29 : vector<16xf32> to vector<16xf32>
    %get3A_31 = arith.constant 128 : index
    %get3A_32 = tpu.vector_load %arg19[%get3A_31] {strides = array<i32>} : memref<240xf32, #tpu.memory_space<vmem>>, vector<16xf32>,
    %get3A_33 = vector.shape_cast %get3A_32 : vector<16xf32> to vector<16xf32>
    %get3A_34 = arith.constant 144 : index
    %get3A_35 = tpu.vector_load %arg19[%get3A_34] {strides = array<i32>} : memref<240xf32, #tpu.memory_space<vmem>>, vector<16xf32>,
    %get3A_36 = vector.shape_cast %get3A_35 : vector<16xf32> to vector<16xf32>
    %get3A_37 = arith.constant 160 : index
    %get3A_38 = tpu.vector_load %arg19[%get3A_37] {strides = array<i32>} : memref<240xf32, #tpu.memory_space<vmem>>, vector<16xf32>,
    %get3A_39 = vector.shape_cast %get3A_38 : vector<16xf32> to vector<16xf32>
    %get3A_40 = arith.constant 176 : index
    %get3A_41 = tpu.vector_load %arg19[%get3A_40] {strides = array<i32>} : memref<240xf32, #tpu.memory_space<vmem>>, vector<16xf32>,
    %get3A_42 = vector.shape_cast %get3A_41 : vector<16xf32> to vector<16xf32>
    %get3A_43 = arith.constant 192 : index
    %get3A_44 = tpu.vector_load %arg19[%get3A_43] {strides = array<i32>} : memref<240xf32, #tpu.memory_space<vmem>>, vector<16xf32>,
    %get3A_45 = vector.shape_cast %get3A_44 : vector<16xf32> to vector<16xf32>
    %get3A_46 = arith.constant 208 : index
    %get3A_47 = tpu.vector_load %arg19[%get3A_46] {strides = array<i32>} : memref<240xf32, #tpu.memory_space<vmem>>, vector<16xf32>,
    %get3A_48 = vector.shape_cast %get3A_47 : vector<16xf32> to vector<16xf32>
    %get3A_49 = arith.constant 224 : index
    %get3A_50 = tpu.vector_load %arg19[%get3A_49] {strides = array<i32>} : memref<240xf32, #tpu.memory_space<vmem>>, vector<16xf32>,
    %get3A_51 = vector.shape_cast %get3A_50 : vector<16xf32> to vector<16xf32>
    %get3A_52 = arith.constant 0 : index
    %get3A_53 = tpu.vector_load %arg20[%get3A_52] {strides = array<i32>} : memref<240xf32, #tpu.memory_space<vmem>>, vector<16xf32>,
    %get3A_54 = vector.shape_cast %get3A_53 : vector<16xf32> to vector<16xf32>
    %get3A_55 = arith.constant 16 : index
    %get3A_56 = tpu.vector_load %arg20[%get3A_55] {strides = array<i32>} : memref<240xf32, #tpu.memory_space<vmem>>, vector<16xf32>,
    %get3A_57 = vector.shape_cast %get3A_56 : vector<16xf32> to vector<16xf32>
    %get3A_58 = arith.constant 32 : index
    %get3A_59 = tpu.vector_load %arg20[%get3A_58] {strides = array<i32>} : memref<240xf32, #tpu.memory_space<vmem>>, vector<16xf32>,
    %get3A_60 = vector.shape_cast %get3A_59 : vector<16xf32> to vector<16xf32>
    %get3A_61 = arith.constant 48 : index
    %get3A_62 = tpu.vector_load %arg20[%get3A_61] {strides = array<i32>} : memref<240xf32, #tpu.memory_space<vmem>>, vector<16xf32>,
    %get3A_63 = vector.shape_cast %get3A_62 : vector<16xf32> to vector<16xf32>
    %get3A_64 = arith.constant 64 : index
    %get3A_65 = tpu.vector_load %arg20[%get3A_64] {strides = array<i32>} : memref<240xf32, #tpu.memory_space<vmem>>, vector<16xf32>,
    %get3A_66 = vector.shape_cast %get3A_65 : vector<16xf32> to vector<16xf32>
    %get3A_67 = arith.constant 80 : index
    %get3A_68 = tpu.vector_load %arg20[%get3A_67] {strides = array<i32>} : memref<240xf32, #tpu.memory_space<vmem>>, vector<16xf32>,
    %get3A_69 = vector.shape_cast %get3A_68 : vector<16xf32> to vector<16xf32>
    %get3A_70 = arith.constant 96 : index
    %get3A_71 = tpu.vector_load %arg20[%get3A_70] {strides = array<i32>} : memref<240xf32, #tpu.memory_space<vmem>>, vector<16xf32>,
    %get3A_72 = vector.shape_cast %get3A_71 : vector<16xf32> to vector<16xf32>
    %get3A_73 = arith.constant 112 : index
    %get3A_74 = tpu.vector_load %arg20[%get3A_73] {strides = array<i32>} : memref<240xf32, #tpu.memory_space<vmem>>, vector<16xf32>,
    %get3A_75 = vector.shape_cast %get3A_74 : vector<16xf32> to vector<16xf32>
    %get3A_76 = arith.constant 128 : index
    %get3A_77 = tpu.vector_load %arg20[%get3A_76] {strides = array<i32>} : memref<240xf32, #tpu.memory_space<vmem>>, vector<16xf32>,
    %get3A_78 = vector.shape_cast %get3A_77 : vector<16xf32> to vector<16xf32>
    %get3A_79 = arith.constant 144 : index
    %get3A_80 = tpu.vector_load %arg20[%get3A_79] {strides = array<i32>} : memref<240xf32, #tpu.memory_space<vmem>>, vector<16xf32>,
    %get3A_81 = vector.shape_cast %get3A_80 : vector<16xf32> to vector<16xf32>
    %get3A_82 = arith.constant 160 : index
    %get3A_83 = tpu.vector_load %arg20[%get3A_82] {strides = array<i32>} : memref<240xf32, #tpu.memory_space<vmem>>, vector<16xf32>,
    %get3A_84 = vector.shape_cast %get3A_83 : vector<16xf32> to vector<16xf32>
    %get3A_85 = arith.constant 176 : index
    %get3A_86 = tpu.vector_load %arg20[%get3A_85] {strides = array<i32>} : memref<240xf32, #tpu.memory_space<vmem>>, vector<16xf32>,
    %get3A_87 = vector.shape_cast %get3A_86 : vector<16xf32> to vector<16xf32>
    %get3A_88 = arith.constant 192 : index
    %get3A_89 = tpu.vector_load %arg20[%get3A_88] {strides = array<i32>} : memref<240xf32, #tpu.memory_space<vmem>>, vector<16xf32>,
    %get3A_90 = vector.shape_cast %get3A_89 : vector<16xf32> to vector<16xf32>
    %get3A_91 = arith.constant 208 : index
    %get3A_92 = tpu.vector_load %arg20[%get3A_91] {strides = array<i32>} : memref<240xf32, #tpu.memory_space<vmem>>, vector<16xf32>,
    %get3A_93 = vector.shape_cast %get3A_92 : vector<16xf32> to vector<16xf32>
    %get3A_94 = arith.constant 224 : index
    %get3A_95 = tpu.vector_load %arg20[%get3A_94] {strides = array<i32>} : memref<240xf32, #tpu.memory_space<vmem>>, vector<16xf32>,
    %get3A_96 = vector.shape_cast %get3A_95 : vector<16xf32> to vector<16xf32>
    %scan3A = arith.constant 0 : i32
    %scan3A_97 = arith.constant 0 : i32
    %scan3A_98 = arith.constant 32 : i32
    %scan3A_99 = arith.addi %scan3A_97, %scan3A_98 : i32
    %scan3A_100 = arith.constant 1 : i32
    %scan3A_101 = scf.for %scan3A_165 = %scan3A_97 to %scan3A_99 step %scan3A_100 iter_args(%scan3A_166 = %scan3A) -> (i32)  : i32 {
      %get3A_167 = arith.index_cast %scan3A_165 : i32 to index
      %get3A_168 = arith.constant 64 : index
      %get3A_169 = tpu.vector_load %arg11[%get3A_167, %get3A_168] {strides = array<i32>} : memref<80x80xf32, #tpu.memory_space<vmem>>, vector<1x16xf32>,
      %get3A_170 = vector.shape_cast %get3A_169 : vector<1x16xf32> to vector<16xf32>
      %add3A_171 = arith.constant 32 : i32
      %add3A_172 = arith.addi %add3A_171, %scan3A_165 : i32
      %get3A_173 = arith.index_cast %add3A_172 : i32 to index
      %get3A_174 = arith.constant 64 : index
      %get3A_175 = tpu.vector_load %arg11[%get3A_173, %get3A_174] {strides = array<i32>} : memref<80x80xf32, #tpu.memory_space<vmem>>, vector<1x16xf32>,
      %get3A_176 = vector.shape_cast %get3A_175 : vector<1x16xf32> to vector<16xf32>
      %add3A_177 = arith.addf %get3A_170, %get3A_176 : vector<16xf32>
      %max3A = arith.constant 1.000000e+00 : f32
      %max3A_178 = vector.broadcast %max3A : f32 to vector<16xf32>
      %max3A_179 = arith.maximumf %add3A_177, %max3A_178 : vector<16xf32>
      %add3A_180 = arith.constant 9.99999996E-13 : f32
      %add3A_181 = vector.broadcast %add3A_180 : f32 to vector<16xf32>
      %add3A_182 = arith.addf %add3A_177, %add3A_181 : vector<16xf32>
      %div3A = arith.constant 1.000000e+00 : f32
      %div3A_183 = vector.broadcast %div3A : f32 to vector<16xf32>
      %div3A_184 = arith.divf %div3A_183, %add3A_182 : vector<16xf32>
      %get3A_185 = arith.index_cast %scan3A_165 : i32 to index
      %get3A_186 = arith.constant 0 : index
      %get3A_187 = tpu.vector_load %arg9[%get3A_185, %get3A_186] {strides = array<i32>} : memref<80x240xf32, #tpu.memory_space<vmem>>, vector<1x16xf32>,
      %get3A_188 = vector.shape_cast %get3A_187 : vector<1x16xf32> to vector<16xf32>
      %add3A_189 = arith.constant 32 : i32
      %add3A_190 = arith.addi %add3A_189, %scan3A_165 : i32
      %get3A_191 = arith.index_cast %add3A_190 : i32 to index
      %get3A_192 = arith.constant 0 : index
      %get3A_193 = tpu.vector_load %arg9[%get3A_191, %get3A_192] {strides = array<i32>} : memref<80x240xf32, #tpu.memory_space<vmem>>, vector<1x16xf32>,
      %get3A_194 = vector.shape_cast %get3A_193 : vector<1x16xf32> to vector<16xf32>
      %add3A_195 = arith.addf %get3A_188, %get3A_194 : vector<16xf32>
      %get3A_196 = arith.index_cast %scan3A_165 : i32 to index
      %get3A_197 = arith.constant 16 : index
      %get3A_198 = tpu.vector_load %arg9[%get3A_196, %get3A_197] {strides = array<i32>} : memref<80x240xf32, #tpu.memory_space<vmem>>, vector<1x16xf32>,
      %get3A_199 = vector.shape_cast %get3A_198 : vector<1x16xf32> to vector<16xf32>
      %add3A_200 = arith.constant 32 : i32
      %add3A_201 = arith.addi %add3A_200, %scan3A_165 : i32
      %get3A_202 = arith.index_cast %add3A_201 : i32 to index
      %get3A_203 = arith.constant 16 : index
      %get3A_204 = tpu.vector_load %arg9[%get3A_202, %get3A_203] {strides = array<i32>} : memref<80x240xf32, #tpu.memory_space<vmem>>, vector<1x16xf32>,
      %get3A_205 = vector.shape_cast %get3A_204 : vector<1x16xf32> to vector<16xf32>
      %add3A_206 = arith.addf %get3A_199, %get3A_205 : vector<16xf32>
      %get3A_207 = arith.index_cast %scan3A_165 : i32 to index
      %get3A_208 = arith.constant 32 : index
      %get3A_209 = tpu.vector_load %arg9[%get3A_207, %get3A_208] {strides = array<i32>} : memref<80x240xf32, #tpu.memory_space<vmem>>, vector<1x16xf32>,
      %get3A_210 = vector.shape_cast %get3A_209 : vector<1x16xf32> to vector<16xf32>
      %add3A_211 = arith.constant 32 : i32
      %add3A_212 = arith.addi %add3A_211, %scan3A_165 : i32
      %get3A_213 = arith.index_cast %add3A_212 : i32 to index
      %get3A_214 = arith.constant 32 : index
      %get3A_215 = tpu.vector_load %arg9[%get3A_213, %get3A_214] {strides = array<i32>} : memref<80x240xf32, #tpu.memory_space<vmem>>, vector<1x16xf32>,
      %get3A_216 = vector.shape_cast %get3A_215 : vector<1x16xf32> to vector<16xf32>
      %add3A_217 = arith.addf %get3A_210, %get3A_216 : vector<16xf32>
      %get3A_218 = arith.index_cast %scan3A_165 : i32 to index
      %get3A_219 = arith.constant 48 : index
      %get3A_220 = tpu.vector_load %arg9[%get3A_218, %get3A_219] {strides = array<i32>} : memref<80x240xf32, #tpu.memory_space<vmem>>, vector<1x16xf32>,
      %get3A_221 = vector.shape_cast %get3A_220 : vector<1x16xf32> to vector<16xf32>
      %add3A_222 = arith.constant 32 : i32
      %add3A_223 = arith.addi %add3A_222, %scan3A_165 : i32
      %get3A_224 = arith.index_cast %add3A_223 : i32 to index
      %get3A_225 = arith.constant 48 : index
      %get3A_226 = tpu.vector_load %arg9[%get3A_224, %get3A_225] {strides = array<i32>} : memref<80x240xf32, #tpu.memory_space<vmem>>, vector<1x16xf32>,
      %get3A_227 = vector.shape_cast %get3A_226 : vector<1x16xf32> to vector<16xf32>
      %add3A_228 = arith.addf %get3A_221, %get3A_227 : vector<16xf32>
      %get3A_229 = arith.index_cast %scan3A_165 : i32 to index
      %get3A_230 = arith.constant 64 : index
      %get3A_231 = tpu.vector_load %arg9[%get3A_229, %get3A_230] {strides = array<i32>} : memref<80x240xf32, #tpu.memory_space<vmem>>, vector<1x16xf32>,
      %get3A_232 = vector.shape_cast %get3A_231 : vector<1x16xf32> to vector<16xf32>
      %add3A_233 = arith.constant 32 : i32
      %add3A_234 = arith.addi %add3A_233, %scan3A_165 : i32
      %get3A_235 = arith.index_cast %add3A_234 : i32 to index
      %get3A_236 = arith.constant 64 : index
      %get3A_237 = tpu.vector_load %arg9[%get3A_235, %get3A_236] {strides = array<i32>} : memref<80x240xf32, #tpu.memory_space<vmem>>, vector<1x16xf32>,
      %get3A_238 = vector.shape_cast %get3A_237 : vector<1x16xf32> to vector<16xf32>
      %add3A_239 = arith.addf %get3A_232, %get3A_238 : vector<16xf32>
      %get3A_240 = arith.index_cast %scan3A_165 : i32 to index
      %get3A_241 = arith.constant 80 : index
      %get3A_242 = tpu.vector_load %arg9[%get3A_240, %get3A_241] {strides = array<i32>} : memref<80x240xf32, #tpu.memory_space<vmem>>, vector<1x16xf32>,
      %get3A_243 = vector.shape_cast %get3A_242 : vector<1x16xf32> to vector<16xf32>
      %add3A_244 = arith.constant 32 : i32
      %add3A_245 = arith.addi %add3A_244, %scan3A_165 : i32
      %get3A_246 = arith.index_cast %add3A_245 : i32 to index
      %get3A_247 = arith.constant 80 : index
      %get3A_248 = tpu.vector_load %arg9[%get3A_246, %get3A_247] {strides = array<i32>} : memref<80x240xf32, #tpu.memory_space<vmem>>, vector<1x16xf32>,
      %get3A_249 = vector.shape_cast %get3A_248 : vector<1x16xf32> to vector<16xf32>
      %add3A_250 = arith.addf %get3A_243, %get3A_249 : vector<16xf32>
      %get3A_251 = arith.index_cast %scan3A_165 : i32 to index
      %get3A_252 = arith.constant 96 : index
      %get3A_253 = tpu.vector_load %arg9[%get3A_251, %get3A_252] {strides = array<i32>} : memref<80x240xf32, #tpu.memory_space<vmem>>, vector<1x16xf32>,
      %get3A_254 = vector.shape_cast %get3A_253 : vector<1x16xf32> to vector<16xf32>
      %add3A_255 = arith.constant 32 : i32
      %add3A_256 = arith.addi %add3A_255, %scan3A_165 : i32
      %get3A_257 = arith.index_cast %add3A_256 : i32 to index
      %get3A_258 = arith.constant 96 : index
      %get3A_259 = tpu.vector_load %arg9[%get3A_257, %get3A_258] {strides = array<i32>} : memref<80x240xf32, #tpu.memory_space<vmem>>, vector<1x16xf32>,
      %get3A_260 = vector.shape_cast %get3A_259 : vector<1x16xf32> to vector<16xf32>
      %add3A_261 = arith.addf %get3A_254, %get3A_260 : vector<16xf32>
      %get3A_262 = arith.index_cast %scan3A_165 : i32 to index
      %get3A_263 = arith.constant 112 : index
      %get3A_264 = tpu.vector_load %arg9[%get3A_262, %get3A_263] {strides = array<i32>} : memref<80x240xf32, #tpu.memory_space<vmem>>, vector<1x16xf32>,
      %get3A_265 = vector.shape_cast %get3A_264 : vector<1x16xf32> to vector<16xf32>
      %add3A_266 = arith.constant 32 : i32
      %add3A_267 = arith.addi %add3A_266, %scan3A_165 : i32
      %get3A_268 = arith.index_cast %add3A_267 : i32 to index
      %get3A_269 = arith.constant 112 : index
      %get3A_270 = tpu.vector_load %arg9[%get3A_268, %get3A_269] {strides = array<i32>} : memref<80x240xf32, #tpu.memory_space<vmem>>, vector<1x16xf32>,
      %get3A_271 = vector.shape_cast %get3A_270 : vector<1x16xf32> to vector<16xf32>
      %add3A_272 = arith.addf %get3A_265, %get3A_271 : vector<16xf32>
      %get3A_273 = arith.index_cast %scan3A_165 : i32 to index
      %get3A_274 = arith.constant 128 : index
      %get3A_275 = tpu.vector_load %arg9[%get3A_273, %get3A_274] {strides = array<i32>} : memref<80x240xf32, #tpu.memory_space<vmem>>, vector<1x16xf32>,
      %get3A_276 = vector.shape_cast %get3A_275 : vector<1x16xf32> to vector<16xf32>
      %add3A_277 = arith.constant 32 : i32
      %add3A_278 = arith.addi %add3A_277, %scan3A_165 : i32
      %get3A_279 = arith.index_cast %add3A_278 : i32 to index
      %get3A_280 = arith.constant 128 : index
      %get3A_281 = tpu.vector_load %arg9[%get3A_279, %get3A_280] {strides = array<i32>} : memref<80x240xf32, #tpu.memory_space<vmem>>, vector<1x16xf32>,
      %get3A_282 = vector.shape_cast %get3A_281 : vector<1x16xf32> to vector<16xf32>
      %add3A_283 = arith.addf %get3A_276, %get3A_282 : vector<16xf32>
      %get3A_284 = arith.index_cast %scan3A_165 : i32 to index
      %get3A_285 = arith.constant 144 : index
      %get3A_286 = tpu.vector_load %arg9[%get3A_284, %get3A_285] {strides = array<i32>} : memref<80x240xf32, #tpu.memory_space<vmem>>, vector<1x16xf32>,
      %get3A_287 = vector.shape_cast %get3A_286 : vector<1x16xf32> to vector<16xf32>
      %add3A_288 = arith.constant 32 : i32
      %add3A_289 = arith.addi %add3A_288, %scan3A_165 : i32
      %get3A_290 = arith.index_cast %add3A_289 : i32 to index
      %get3A_291 = arith.constant 144 : index
      %get3A_292 = tpu.vector_load %arg9[%get3A_290, %get3A_291] {strides = array<i32>} : memref<80x240xf32, #tpu.memory_space<vmem>>, vector<1x16xf32>,
      %get3A_293 = vector.shape_cast %get3A_292 : vector<1x16xf32> to vector<16xf32>
      %add3A_294 = arith.addf %get3A_287, %get3A_293 : vector<16xf32>
      %get3A_295 = arith.index_cast %scan3A_165 : i32 to index
      %get3A_296 = arith.constant 160 : index
      %get3A_297 = tpu.vector_load %arg9[%get3A_295, %get3A_296] {strides = array<i32>} : memref<80x240xf32, #tpu.memory_space<vmem>>, vector<1x16xf32>,
      %get3A_298 = vector.shape_cast %get3A_297 : vector<1x16xf32> to vector<16xf32>
      %add3A_299 = arith.constant 32 : i32
      %add3A_300 = arith.addi %add3A_299, %scan3A_165 : i32
      %get3A_301 = arith.index_cast %add3A_300 : i32 to index
      %get3A_302 = arith.constant 160 : index
      %get3A_303 = tpu.vector_load %arg9[%get3A_301, %get3A_302] {strides = array<i32>} : memref<80x240xf32, #tpu.memory_space<vmem>>, vector<1x16xf32>,
      %get3A_304 = vector.shape_cast %get3A_303 : vector<1x16xf32> to vector<16xf32>
      %add3A_305 = arith.addf %get3A_298, %get3A_304 : vector<16xf32>
      %get3A_306 = arith.index_cast %scan3A_165 : i32 to index
      %get3A_307 = arith.constant 176 : index
      %get3A_308 = tpu.vector_load %arg9[%get3A_306, %get3A_307] {strides = array<i32>} : memref<80x240xf32, #tpu.memory_space<vmem>>, vector<1x16xf32>,
      %get3A_309 = vector.shape_cast %get3A_308 : vector<1x16xf32> to vector<16xf32>
      %add3A_310 = arith.constant 32 : i32
      %add3A_311 = arith.addi %add3A_310, %scan3A_165 : i32
      %get3A_312 = arith.index_cast %add3A_311 : i32 to index
      %get3A_313 = arith.constant 176 : index
      %get3A_314 = tpu.vector_load %arg9[%get3A_312, %get3A_313] {strides = array<i32>} : memref<80x240xf32, #tpu.memory_space<vmem>>, vector<1x16xf32>,
      %get3A_315 = vector.shape_cast %get3A_314 : vector<1x16xf32> to vector<16xf32>
      %add3A_316 = arith.addf %get3A_309, %get3A_315 : vector<16xf32>
      %get3A_317 = arith.index_cast %scan3A_165 : i32 to index
      %get3A_318 = arith.constant 192 : index
      %get3A_319 = tpu.vector_load %arg9[%get3A_317, %get3A_318] {strides = array<i32>} : memref<80x240xf32, #tpu.memory_space<vmem>>, vector<1x16xf32>,
      %get3A_320 = vector.shape_cast %get3A_319 : vector<1x16xf32> to vector<16xf32>
      %add3A_321 = arith.constant 32 : i32
      %add3A_322 = arith.addi %add3A_321, %scan3A_165 : i32
      %get3A_323 = arith.index_cast %add3A_322 : i32 to index
      %get3A_324 = arith.constant 192 : index
      %get3A_325 = tpu.vector_load %arg9[%get3A_323, %get3A_324] {strides = array<i32>} : memref<80x240xf32, #tpu.memory_space<vmem>>, vector<1x16xf32>,
      %get3A_326 = vector.shape_cast %get3A_325 : vector<1x16xf32> to vector<16xf32>
      %add3A_327 = arith.addf %get3A_320, %get3A_326 : vector<16xf32>
      %get3A_328 = arith.index_cast %scan3A_165 : i32 to index
      %get3A_329 = arith.constant 208 : index
      %get3A_330 = tpu.vector_load %arg9[%get3A_328, %get3A_329] {strides = array<i32>} : memref<80x240xf32, #tpu.memory_space<vmem>>, vector<1x16xf32>,
      %get3A_331 = vector.shape_cast %get3A_330 : vector<1x16xf32> to vector<16xf32>
      %add3A_332 = arith.constant 32 : i32
      %add3A_333 = arith.addi %add3A_332, %scan3A_165 : i32
      %get3A_334 = arith.index_cast %add3A_333 : i32 to index
      %get3A_335 = arith.constant 208 : index
      %get3A_336 = tpu.vector_load %arg9[%get3A_334, %get3A_335] {strides = array<i32>} : memref<80x240xf32, #tpu.memory_space<vmem>>, vector<1x16xf32>,
      %get3A_337 = vector.shape_cast %get3A_336 : vector<1x16xf32> to vector<16xf32>
      %add3A_338 = arith.addf %get3A_331, %get3A_337 : vector<16xf32>
      %get3A_339 = arith.index_cast %scan3A_165 : i32 to index
      %get3A_340 = arith.constant 224 : index
      %get3A_341 = tpu.vector_load %arg9[%get3A_339, %get3A_340] {strides = array<i32>} : memref<80x240xf32, #tpu.memory_space<vmem>>, vector<1x16xf32>,
      %get3A_342 = vector.shape_cast %get3A_341 : vector<1x16xf32> to vector<16xf32>
      %add3A_343 = arith.constant 32 : i32
      %add3A_344 = arith.addi %add3A_343, %scan3A_165 : i32
      %get3A_345 = arith.index_cast %add3A_344 : i32 to index
      %get3A_346 = arith.constant 224 : index
      %get3A_347 = tpu.vector_load %arg9[%get3A_345, %get3A_346] {strides = array<i32>} : memref<80x240xf32, #tpu.memory_space<vmem>>, vector<1x16xf32>,
      %get3A_348 = vector.shape_cast %get3A_347 : vector<1x16xf32> to vector<16xf32>
      %add3A_349 = arith.addf %get3A_342, %get3A_348 : vector<16xf32>
      %mul3A_350 = arith.mulf %add3A_195, %div3A_184 : vector<16xf32>
      %mul3A_351 = arith.mulf %add3A_206, %div3A_184 : vector<16xf32>
      %mul3A_352 = arith.mulf %add3A_217, %div3A_184 : vector<16xf32>
      %mul3A_353 = arith.mulf %add3A_228, %div3A_184 : vector<16xf32>
      %mul3A_354 = arith.mulf %add3A_239, %div3A_184 : vector<16xf32>
      %mul3A_355 = arith.mulf %add3A_250, %div3A_184 : vector<16xf32>
      %mul3A_356 = arith.mulf %add3A_261, %div3A_184 : vector<16xf32>
      %mul3A_357 = arith.mulf %add3A_272, %div3A_184 : vector<16xf32>
      %mul3A_358 = arith.mulf %add3A_283, %div3A_184 : vector<16xf32>
      %mul3A_359 = arith.mulf %add3A_294, %div3A_184 : vector<16xf32>
      %mul3A_360 = arith.mulf %add3A_305, %div3A_184 : vector<16xf32>
      %mul3A_361 = arith.mulf %add3A_316, %div3A_184 : vector<16xf32>
      %mul3A_362 = arith.mulf %add3A_327, %div3A_184 : vector<16xf32>
      %mul3A_363 = arith.mulf %add3A_338, %div3A_184 : vector<16xf32>
      %mul3A_364 = arith.mulf %add3A_349, %div3A_184 : vector<16xf32>
      %broadcast_in_dim3A = arith.constant 0.000000e+00 : f32
      %broadcast_in_dim3A_365 = vector.broadcast %broadcast_in_dim3A : f32 to vector<16xf32>
      %get3A_366 = arith.index_cast %scan3A_165 : i32 to index
      %get3A_367 = arith.constant 0 : index
      %get3A_368 = tpu.vector_load %arg11[%get3A_366, %get3A_367] {strides = array<i32>} : memref<80x80xf32, #tpu.memory_space<vmem>>, vector<1x16xf32>,
      %get3A_369 = vector.shape_cast %get3A_368 : vector<1x16xf32> to vector<16xf32>
      %add3A_370 = arith.constant 32 : i32
      %add3A_371 = arith.addi %add3A_370, %scan3A_165 : i32
      %get3A_372 = arith.index_cast %add3A_371 : i32 to index
      %get3A_373 = arith.constant 0 : index
      %get3A_374 = tpu.vector_load %arg11[%get3A_372, %get3A_373] {strides = array<i32>} : memref<80x80xf32, #tpu.memory_space<vmem>>, vector<1x16xf32>,
      %get3A_375 = vector.shape_cast %get3A_374 : vector<1x16xf32> to vector<16xf32>
      %add3A_376 = arith.addf %get3A_369, %get3A_375 : vector<16xf32>
      %mul3A_377 = arith.constant 2.000000e+00 : f32
      %mul3A_378 = vector.broadcast %mul3A_377 : f32 to vector<16xf32>
      %mul3A_379 = arith.mulf %mul3A_378, %mul3A_350 : vector<16xf32>
      %mul3A_380 = arith.mulf %mul3A_379, %add3A_195 : vector<16xf32>
      %sub3A = arith.subf %add3A_376, %mul3A_380 : vector<16xf32>
      %mul3A_381 = arith.mulf %add3A_177, %mul3A_350 : vector<16xf32>
      %mul3A_382 = arith.mulf %mul3A_381, %mul3A_350 : vector<16xf32>
      %add3A_383 = arith.addf %sub3A, %mul3A_382 : vector<16xf32>
      %add3A_384 = arith.addf %broadcast_in_dim3A_365, %add3A_383 : vector<16xf32>
      %get3A_385 = arith.index_cast %scan3A_165 : i32 to index
      %get3A_386 = arith.constant 16 : index
      %get3A_387 = tpu.vector_load %arg11[%get3A_385, %get3A_386] {strides = array<i32>} : memref<80x80xf32, #tpu.memory_space<vmem>>, vector<1x16xf32>,
      %get3A_388 = vector.shape_cast %get3A_387 : vector<1x16xf32> to vector<16xf32>
      %add3A_389 = arith.constant 32 : i32
      %add3A_390 = arith.addi %add3A_389, %scan3A_165 : i32
      %get3A_391 = arith.index_cast %add3A_390 : i32 to index
      %get3A_392 = arith.constant 16 : index
      %get3A_393 = tpu.vector_load %arg11[%get3A_391, %get3A_392] {strides = array<i32>} : memref<80x80xf32, #tpu.memory_space<vmem>>, vector<1x16xf32>,
      %get3A_394 = vector.shape_cast %get3A_393 : vector<1x16xf32> to vector<16xf32>
      %add3A_395 = arith.addf %get3A_388, %get3A_394 : vector<16xf32>
      %mul3A_396 = arith.constant 2.000000e+00 : f32
      %mul3A_397 = vector.broadcast %mul3A_396 : f32 to vector<16xf32>
      %mul3A_398 = arith.mulf %mul3A_397, %mul3A_351 : vector<16xf32>
      %mul3A_399 = arith.mulf %mul3A_398, %add3A_206 : vector<16xf32>
      %sub3A_400 = arith.subf %add3A_395, %mul3A_399 : vector<16xf32>
      %mul3A_401 = arith.mulf %add3A_177, %mul3A_351 : vector<16xf32>
      %mul3A_402 = arith.mulf %mul3A_401, %mul3A_351 : vector<16xf32>
      %add3A_403 = arith.addf %sub3A_400, %mul3A_402 : vector<16xf32>
      %add3A_404 = arith.addf %add3A_384, %add3A_403 : vector<16xf32>
      %get3A_405 = arith.index_cast %scan3A_165 : i32 to index
      %get3A_406 = arith.constant 32 : index
      %get3A_407 = tpu.vector_load %arg11[%get3A_405, %get3A_406] {strides = array<i32>} : memref<80x80xf32, #tpu.memory_space<vmem>>, vector<1x16xf32>,
      %get3A_408 = vector.shape_cast %get3A_407 : vector<1x16xf32> to vector<16xf32>
      %add3A_409 = arith.constant 32 : i32
      %add3A_410 = arith.addi %add3A_409, %scan3A_165 : i32
      %get3A_411 = arith.index_cast %add3A_410 : i32 to index
      %get3A_412 = arith.constant 32 : index
      %get3A_413 = tpu.vector_load %arg11[%get3A_411, %get3A_412] {strides = array<i32>} : memref<80x80xf32, #tpu.memory_space<vmem>>, vector<1x16xf32>,
      %get3A_414 = vector.shape_cast %get3A_413 : vector<1x16xf32> to vector<16xf32>
      %add3A_415 = arith.addf %get3A_408, %get3A_414 : vector<16xf32>
      %mul3A_416 = arith.constant 2.000000e+00 : f32
      %mul3A_417 = vector.broadcast %mul3A_416 : f32 to vector<16xf32>
      %mul3A_418 = arith.mulf %mul3A_417, %mul3A_352 : vector<16xf32>
      %mul3A_419 = arith.mulf %mul3A_418, %add3A_217 : vector<16xf32>
      %sub3A_420 = arith.subf %add3A_415, %mul3A_419 : vector<16xf32>
      %mul3A_421 = arith.mulf %add3A_177, %mul3A_352 : vector<16xf32>
      %mul3A_422 = arith.mulf %mul3A_421, %mul3A_352 : vector<16xf32>
      %add3A_423 = arith.addf %sub3A_420, %mul3A_422 : vector<16xf32>
      %add3A_424 = arith.addf %add3A_404, %add3A_423 : vector<16xf32>
      %get3A_425 = arith.index_cast %scan3A_165 : i32 to index
      %get3A_426 = arith.constant 48 : index
      %get3A_427 = tpu.vector_load %arg11[%get3A_425, %get3A_426] {strides = array<i32>} : memref<80x80xf32, #tpu.memory_space<vmem>>, vector<1x16xf32>,
      %get3A_428 = vector.shape_cast %get3A_427 : vector<1x16xf32> to vector<16xf32>
      %add3A_429 = arith.constant 32 : i32
      %add3A_430 = arith.addi %add3A_429, %scan3A_165 : i32
      %get3A_431 = arith.index_cast %add3A_430 : i32 to index
      %get3A_432 = arith.constant 48 : index
      %get3A_433 = tpu.vector_load %arg11[%get3A_431, %get3A_432] {strides = array<i32>} : memref<80x80xf32, #tpu.memory_space<vmem>>, vector<1x16xf32>,
      %get3A_434 = vector.shape_cast %get3A_433 : vector<1x16xf32> to vector<16xf32>
      %add3A_435 = arith.addf %get3A_428, %get3A_434 : vector<16xf32>
      %mul3A_436 = arith.constant 2.000000e+00 : f32
      %mul3A_437 = vector.broadcast %mul3A_436 : f32 to vector<16xf32>
      %mul3A_438 = arith.mulf %mul3A_437, %mul3A_353 : vector<16xf32>
      %mul3A_439 = arith.mulf %mul3A_438, %add3A_228 : vector<16xf32>
      %sub3A_440 = arith.subf %add3A_435, %mul3A_439 : vector<16xf32>
      %mul3A_441 = arith.mulf %add3A_177, %mul3A_353 : vector<16xf32>
      %mul3A_442 = arith.mulf %mul3A_441, %mul3A_353 : vector<16xf32>
      %add3A_443 = arith.addf %sub3A_440, %mul3A_442 : vector<16xf32>
      %add3A_444 = arith.addf %add3A_424, %add3A_443 : vector<16xf32>
      %swap3A = arith.constant 0 : index
      %swap3A_445 = tpu.vector_load %arg21[%swap3A] {strides = array<i32>} : memref<32xf32, #tpu.memory_space<vmem>>, vector<16xf32>,
      %swap3A_446 = vector.shape_cast %swap3A_445 : vector<16xf32> to vector<16xf32>
      %swap3A_447 = vector.shape_cast %add3A_444 : vector<16xf32> to vector<16xf32>
      tpu.vector_store %arg21[%swap3A], %swap3A_447 {strides = array<i32>} : memref<32xf32, #tpu.memory_space<vmem>>, vector<16xf32>,
      %swap3A_448 = arith.constant 16 : index
      %swap3A_449 = tpu.vector_load %arg21[%swap3A_448] {strides = array<i32>} : memref<32xf32, #tpu.memory_space<vmem>>, vector<16xf32>,
      %swap3A_450 = vector.shape_cast %swap3A_449 : vector<16xf32> to vector<16xf32>
      %swap3A_451 = vector.shape_cast %add3A_444 : vector<16xf32> to vector<16xf32>
      tpu.vector_store %arg21[%swap3A_448], %swap3A_451 {strides = array<i32>} : memref<32xf32, #tpu.memory_space<vmem>>, vector<16xf32>,
      %get3A_452 = arith.constant 8 : index
      %get3A_453 = tpu.vector_load %arg21[%get3A_452] {strides = array<i32>} : memref<32xf32, #tpu.memory_space<vmem>>, vector<16xf32>,
      %get3A_454 = vector.shape_cast %get3A_453 : vector<16xf32> to vector<16xf32>
      %add3A_455 = arith.addf %add3A_444, %get3A_454 : vector<16xf32>
      %swap3A_456 = arith.constant 0 : index
      %swap3A_457 = tpu.vector_load %arg21[%swap3A_456] {strides = array<i32>} : memref<32xf32, #tpu.memory_space<vmem>>, vector<16xf32>,
      %swap3A_458 = vector.shape_cast %swap3A_457 : vector<16xf32> to vector<16xf32>
      %swap3A_459 = vector.shape_cast %add3A_455 : vector<16xf32> to vector<16xf32>
      tpu.vector_store %arg21[%swap3A_456], %swap3A_459 {strides = array<i32>} : memref<32xf32, #tpu.memory_space<vmem>>, vector<16xf32>,
      %swap3A_460 = arith.constant 16 : index
      %swap3A_461 = tpu.vector_load %arg21[%swap3A_460] {strides = array<i32>} : memref<32xf32, #tpu.memory_space<vmem>>, vector<16xf32>,
      %swap3A_462 = vector.shape_cast %swap3A_461 : vector<16xf32> to vector<16xf32>
      %swap3A_463 = vector.shape_cast %add3A_455 : vector<16xf32> to vector<16xf32>
      tpu.vector_store %arg21[%swap3A_460], %swap3A_463 {strides = array<i32>} : memref<32xf32, #tpu.memory_space<vmem>>, vector<16xf32>,
      %get3A_464 = arith.constant 4 : index
      %get3A_465 = tpu.vector_load %arg21[%get3A_464] {strides = array<i32>} : memref<32xf32, #tpu.memory_space<vmem>>, vector<16xf32>,
      %get3A_466 = vector.shape_cast %get3A_465 : vector<16xf32> to vector<16xf32>
      %add3A_467 = arith.addf %add3A_455, %get3A_466 : vector<16xf32>
      %swap3A_468 = arith.constant 0 : index
      %swap3A_469 = tpu.vector_load %arg21[%swap3A_468] {strides = array<i32>} : memref<32xf32, #tpu.memory_space<vmem>>, vector<16xf32>,
      %swap3A_470 = vector.shape_cast %swap3A_469 : vector<16xf32> to vector<16xf32>
      %swap3A_471 = vector.shape_cast %add3A_467 : vector<16xf32> to vector<16xf32>
      tpu.vector_store %arg21[%swap3A_468], %swap3A_471 {strides = array<i32>} : memref<32xf32, #tpu.memory_space<vmem>>, vector<16xf32>,
      %swap3A_472 = arith.constant 16 : index
      %swap3A_473 = tpu.vector_load %arg21[%swap3A_472] {strides = array<i32>} : memref<32xf32, #tpu.memory_space<vmem>>, vector<16xf32>,
      %swap3A_474 = vector.shape_cast %swap3A_473 : vector<16xf32> to vector<16xf32>
      %swap3A_475 = vector.shape_cast %add3A_467 : vector<16xf32> to vector<16xf32>
      tpu.vector_store %arg21[%swap3A_472], %swap3A_475 {strides = array<i32>} : memref<32xf32, #tpu.memory_space<vmem>>, vector<16xf32>,
      %get3A_476 = arith.constant 2 : index
      %get3A_477 = tpu.vector_load %arg21[%get3A_476] {strides = array<i32>} : memref<32xf32, #tpu.memory_space<vmem>>, vector<16xf32>,
      %get3A_478 = vector.shape_cast %get3A_477 : vector<16xf32> to vector<16xf32>
      %add3A_479 = arith.addf %add3A_467, %get3A_478 : vector<16xf32>
      %swap3A_480 = arith.constant 0 : index
      %swap3A_481 = tpu.vector_load %arg21[%swap3A_480] {strides = array<i32>} : memref<32xf32, #tpu.memory_space<vmem>>, vector<16xf32>,
      %swap3A_482 = vector.shape_cast %swap3A_481 : vector<16xf32> to vector<16xf32>
      %swap3A_483 = vector.shape_cast %add3A_479 : vector<16xf32> to vector<16xf32>
      tpu.vector_store %arg21[%swap3A_480], %swap3A_483 {strides = array<i32>} : memref<32xf32, #tpu.memory_space<vmem>>, vector<16xf32>,
      %swap3A_484 = arith.constant 16 : index
      %swap3A_485 = tpu.vector_load %arg21[%swap3A_484] {strides = array<i32>} : memref<32xf32, #tpu.memory_space<vmem>>, vector<16xf32>,
      %swap3A_486 = vector.shape_cast %swap3A_485 : vector<16xf32> to vector<16xf32>
      %swap3A_487 = vector.shape_cast %add3A_479 : vector<16xf32> to vector<16xf32>
      tpu.vector_store %arg21[%swap3A_484], %swap3A_487 {strides = array<i32>} : memref<32xf32, #tpu.memory_space<vmem>>, vector<16xf32>,
      %get3A_488 = arith.constant 1 : index
      %get3A_489 = tpu.vector_load %arg21[%get3A_488] {strides = array<i32>} : memref<32xf32, #tpu.memory_space<vmem>>, vector<16xf32>,
      %get3A_490 = vector.shape_cast %get3A_489 : vector<16xf32> to vector<16xf32>
      %add3A_491 = arith.addf %add3A_479, %get3A_490 : vector<16xf32>
      %mul3A_492 = arith.constant 6.400000e+01 : f32
      %mul3A_493 = vector.broadcast %mul3A_492 : f32 to vector<16xf32>
      %mul3A_494 = arith.mulf %max3A_179, %mul3A_493 : vector<16xf32>
      %div3A_495 = arith.divf %add3A_491, %mul3A_494 : vector<16xf32>
      %add3A_496 = arith.constant 1.000000e+00 : f32
      %add3A_497 = vector.broadcast %add3A_496 : f32 to vector<16xf32>
      %add3A_498 = arith.addf %add3A_497, %div3A_495 : vector<16xf32>
      %mul3A_499 = arith.constant 5.000000e-01 : f32
      %mul3A_500 = vector.broadcast %mul3A_499 : f32 to vector<16xf32>
      %mul3A_501 = arith.mulf %mul3A_500, %add3A_498 : vector<16xf32>
      %div3A_502 = arith.divf %div3A_495, %mul3A_501 : vector<16xf32>
      %add3A_503 = arith.addf %mul3A_501, %div3A_502 : vector<16xf32>
      %mul3A_504 = arith.constant 5.000000e-01 : f32
      %mul3A_505 = vector.broadcast %mul3A_504 : f32 to vector<16xf32>
      %mul3A_506 = arith.mulf %mul3A_505, %add3A_503 : vector<16xf32>
      %div3A_507 = arith.divf %div3A_495, %mul3A_506 : vector<16xf32>
      %add3A_508 = arith.addf %mul3A_506, %div3A_507 : vector<16xf32>
      %mul3A_509 = arith.constant 5.000000e-01 : f32
      %mul3A_510 = vector.broadcast %mul3A_509 : f32 to vector<16xf32>
      %mul3A_511 = arith.mulf %mul3A_510, %add3A_508 : vector<16xf32>
      %div3A_512 = arith.divf %div3A_495, %mul3A_511 : vector<16xf32>
      %add3A_513 = arith.addf %mul3A_511, %div3A_512 : vector<16xf32>
      %mul3A_514 = arith.constant 5.000000e-01 : f32
      %mul3A_515 = vector.broadcast %mul3A_514 : f32 to vector<16xf32>
      %mul3A_516 = arith.mulf %mul3A_515, %add3A_513 : vector<16xf32>
      %div3A_517 = arith.divf %div3A_495, %mul3A_516 : vector<16xf32>
      %add3A_518 = arith.addf %mul3A_516, %div3A_517 : vector<16xf32>
      %mul3A_519 = arith.constant 5.000000e-01 : f32
      %mul3A_520 = vector.broadcast %mul3A_519 : f32 to vector<16xf32>
      %mul3A_521 = arith.mulf %mul3A_520, %add3A_518 : vector<16xf32>
      %div3A_522 = arith.divf %div3A_495, %mul3A_521 : vector<16xf32>
      %add3A_523 = arith.addf %mul3A_521, %div3A_522 : vector<16xf32>
      %mul3A_524 = arith.constant 5.000000e-01 : f32
      %mul3A_525 = vector.broadcast %mul3A_524 : f32 to vector<16xf32>
      %mul3A_526 = arith.mulf %mul3A_525, %add3A_523 : vector<16xf32>
      %div3A_527 = arith.divf %div3A_495, %mul3A_526 : vector<16xf32>
      %add3A_528 = arith.addf %mul3A_526, %div3A_527 : vector<16xf32>
      %mul3A_529 = arith.constant 5.000000e-01 : f32
      %mul3A_530 = vector.broadcast %mul3A_529 : f32 to vector<16xf32>
      %mul3A_531 = arith.mulf %mul3A_530, %add3A_528 : vector<16xf32>
      %div3A_532 = arith.divf %div3A_495, %mul3A_531 : vector<16xf32>
      %add3A_533 = arith.addf %mul3A_531, %div3A_532 : vector<16xf32>
      %mul3A_534 = arith.constant 5.000000e-01 : f32
      %mul3A_535 = vector.broadcast %mul3A_534 : f32 to vector<16xf32>
      %mul3A_536 = arith.mulf %mul3A_535, %add3A_533 : vector<16xf32>
      %div3A_537 = arith.divf %div3A_495, %mul3A_536 : vector<16xf32>
      %add3A_538 = arith.addf %mul3A_536, %div3A_537 : vector<16xf32>
      %mul3A_539 = arith.constant 5.000000e-01 : f32
      %mul3A_540 = vector.broadcast %mul3A_539 : f32 to vector<16xf32>
      %mul3A_541 = arith.mulf %mul3A_540, %add3A_538 : vector<16xf32>
      %div3A_542 = arith.divf %div3A_495, %mul3A_541 : vector<16xf32>
      %add3A_543 = arith.addf %mul3A_541, %div3A_542 : vector<16xf32>
      %mul3A_544 = arith.constant 5.000000e-01 : f32
      %mul3A_545 = vector.broadcast %mul3A_544 : f32 to vector<16xf32>
      %mul3A_546 = arith.mulf %mul3A_545, %add3A_543 : vector<16xf32>
      %div3A_547 = arith.divf %div3A_495, %mul3A_546 : vector<16xf32>
      %add3A_548 = arith.addf %mul3A_546, %div3A_547 : vector<16xf32>
      %mul3A_549 = arith.constant 5.000000e-01 : f32
      %mul3A_550 = vector.broadcast %mul3A_549 : f32 to vector<16xf32>
      %mul3A_551 = arith.mulf %mul3A_550, %add3A_548 : vector<16xf32>
      %div3A_552 = arith.divf %div3A_495, %mul3A_551 : vector<16xf32>
      %add3A_553 = arith.addf %mul3A_551, %div3A_552 : vector<16xf32>
      %mul3A_554 = arith.constant 5.000000e-01 : f32
      %mul3A_555 = vector.broadcast %mul3A_554 : f32 to vector<16xf32>
      %mul3A_556 = arith.mulf %mul3A_555, %add3A_553 : vector<16xf32>
      %div3A_557 = arith.divf %div3A_495, %mul3A_556 : vector<16xf32>
      %add3A_558 = arith.addf %mul3A_556, %div3A_557 : vector<16xf32>
      %mul3A_559 = arith.constant 5.000000e-01 : f32
      %mul3A_560 = vector.broadcast %mul3A_559 : f32 to vector<16xf32>
      %mul3A_561 = arith.mulf %mul3A_560, %add3A_558 : vector<16xf32>
      %div3A_562 = arith.divf %div3A_495, %mul3A_561 : vector<16xf32>
      %add3A_563 = arith.addf %mul3A_561, %div3A_562 : vector<16xf32>
      %mul3A_564 = arith.constant 5.000000e-01 : f32
      %mul3A_565 = vector.broadcast %mul3A_564 : f32 to vector<16xf32>
      %mul3A_566 = arith.mulf %mul3A_565, %add3A_563 : vector<16xf32>
      %div3A_567 = arith.divf %div3A_495, %mul3A_566 : vector<16xf32>
      %add3A_568 = arith.addf %mul3A_566, %div3A_567 : vector<16xf32>
      %mul3A_569 = arith.constant 5.000000e-01 : f32
      %mul3A_570 = vector.broadcast %mul3A_569 : f32 to vector<16xf32>
      %mul3A_571 = arith.mulf %mul3A_570, %add3A_568 : vector<16xf32>
      %div3A_572 = arith.divf %div3A_495, %mul3A_571 : vector<16xf32>
      %add3A_573 = arith.addf %mul3A_571, %div3A_572 : vector<16xf32>
      %mul3A_574 = arith.constant 5.000000e-01 : f32
      %mul3A_575 = vector.broadcast %mul3A_574 : f32 to vector<16xf32>
      %mul3A_576 = arith.mulf %mul3A_575, %add3A_573 : vector<16xf32>
      %div3A_577 = arith.divf %div3A_495, %mul3A_576 : vector<16xf32>
      %add3A_578 = arith.addf %mul3A_576, %div3A_577 : vector<16xf32>
      %mul3A_579 = arith.constant 5.000000e-01 : f32
      %mul3A_580 = vector.broadcast %mul3A_579 : f32 to vector<16xf32>
      %mul3A_581 = arith.mulf %mul3A_580, %add3A_578 : vector<16xf32>
      %div3A_582 = arith.divf %div3A_495, %mul3A_581 : vector<16xf32>
      %add3A_583 = arith.addf %mul3A_581, %div3A_582 : vector<16xf32>
      %mul3A_584 = arith.constant 5.000000e-01 : f32
      %mul3A_585 = vector.broadcast %mul3A_584 : f32 to vector<16xf32>
      %mul3A_586 = arith.mulf %mul3A_585, %add3A_583 : vector<16xf32>
      %div3A_587 = arith.divf %div3A_495, %mul3A_586 : vector<16xf32>
      %add3A_588 = arith.addf %mul3A_586, %div3A_587 : vector<16xf32>
      %mul3A_589 = arith.constant 5.000000e-01 : f32
      %mul3A_590 = vector.broadcast %mul3A_589 : f32 to vector<16xf32>
      %mul3A_591 = arith.mulf %mul3A_590, %add3A_588 : vector<16xf32>
      %div3A_592 = arith.divf %div3A_495, %mul3A_591 : vector<16xf32>
      %add3A_593 = arith.addf %mul3A_591, %div3A_592 : vector<16xf32>
      %mul3A_594 = arith.constant 5.000000e-01 : f32
      %mul3A_595 = vector.broadcast %mul3A_594 : f32 to vector<16xf32>
      %mul3A_596 = arith.mulf %mul3A_595, %add3A_593 : vector<16xf32>
      %div3A_597 = arith.divf %div3A_495, %mul3A_596 : vector<16xf32>
      %add3A_598 = arith.addf %mul3A_596, %div3A_597 : vector<16xf32>
      %mul3A_599 = arith.constant 5.000000e-01 : f32
      %mul3A_600 = vector.broadcast %mul3A_599 : f32 to vector<16xf32>
      %mul3A_601 = arith.mulf %mul3A_600, %add3A_598 : vector<16xf32>
      %div3A_602 = arith.divf %div3A_495, %mul3A_601 : vector<16xf32>
      %add3A_603 = arith.addf %mul3A_601, %div3A_602 : vector<16xf32>
      %mul3A_604 = arith.constant 5.000000e-01 : f32
      %mul3A_605 = vector.broadcast %mul3A_604 : f32 to vector<16xf32>
      %mul3A_606 = arith.mulf %mul3A_605, %add3A_603 : vector<16xf32>
      %div3A_607 = arith.divf %div3A_495, %mul3A_606 : vector<16xf32>
      %add3A_608 = arith.addf %mul3A_606, %div3A_607 : vector<16xf32>
      %mul3A_609 = arith.constant 5.000000e-01 : f32
      %mul3A_610 = vector.broadcast %mul3A_609 : f32 to vector<16xf32>
      %mul3A_611 = arith.mulf %mul3A_610, %add3A_608 : vector<16xf32>
      %div3A_612 = arith.divf %div3A_495, %mul3A_611 : vector<16xf32>
      %add3A_613 = arith.addf %mul3A_611, %div3A_612 : vector<16xf32>
      %mul3A_614 = arith.constant 5.000000e-01 : f32
      %mul3A_615 = vector.broadcast %mul3A_614 : f32 to vector<16xf32>
      %mul3A_616 = arith.mulf %mul3A_615, %add3A_613 : vector<16xf32>
      %div3A_617 = arith.divf %div3A_495, %mul3A_616 : vector<16xf32>
      %add3A_618 = arith.addf %mul3A_616, %div3A_617 : vector<16xf32>
      %mul3A_619 = arith.constant 5.000000e-01 : f32
      %mul3A_620 = vector.broadcast %mul3A_619 : f32 to vector<16xf32>
      %mul3A_621 = arith.mulf %mul3A_620, %add3A_618 : vector<16xf32>
      %div3A_622 = arith.divf %div3A_495, %mul3A_621 : vector<16xf32>
      %add3A_623 = arith.addf %mul3A_621, %div3A_622 : vector<16xf32>
      %mul3A_624 = arith.constant 5.000000e-01 : f32
      %mul3A_625 = vector.broadcast %mul3A_624 : f32 to vector<16xf32>
      %mul3A_626 = arith.mulf %mul3A_625, %add3A_623 : vector<16xf32>
      %div3A_627 = arith.divf %div3A_495, %mul3A_626 : vector<16xf32>
      %add3A_628 = arith.addf %mul3A_626, %div3A_627 : vector<16xf32>
      %mul3A_629 = arith.constant 5.000000e-01 : f32
      %mul3A_630 = vector.broadcast %mul3A_629 : f32 to vector<16xf32>
      %mul3A_631 = arith.mulf %mul3A_630, %add3A_628 : vector<16xf32>
      %add3A_632 = arith.constant 9.99999974E-6 : f32
      %add3A_633 = vector.broadcast %add3A_632 : f32 to vector<16xf32>
      %add3A_634 = arith.addf %mul3A_631, %add3A_633 : vector<16xf32>
      %div3A_635 = arith.constant 1.000000e+00 : f32
      %div3A_636 = vector.broadcast %div3A_635 : f32 to vector<16xf32>
      %div3A_637 = arith.divf %div3A_636, %add3A_634 : vector<16xf32>
      %mul3A_638 = arith.mulf %div3A_637, %get3A_9 : vector<16xf32>
      %swap3A_639 = arith.index_cast %scan3A_165 : i32 to index
      %swap3A_640 = arith.constant 0 : index
      %swap3A_641 = tpu.vector_load %arg15[%swap3A_639, %swap3A_640] {strides = array<i32>} : memref<80x64xf32, #tpu.memory_space<vmem>>, vector<1x16xf32>,
      %swap3A_642 = vector.shape_cast %swap3A_641 : vector<1x16xf32> to vector<16xf32>
      %swap3A_643 = vector.shape_cast %mul3A_638 : vector<16xf32> to vector<1x16xf32>
      tpu.vector_store %arg15[%swap3A_639, %swap3A_640], %swap3A_643 {strides = array<i32>} : memref<80x64xf32, #tpu.memory_space<vmem>>, vector<1x16xf32>,
      %mul3A_644 = arith.mulf %mul3A_350, %mul3A_638 : vector<16xf32>
      %sub3A_645 = arith.subf %get3A_54, %mul3A_644 : vector<16xf32>
      %swap3A_646 = arith.index_cast %scan3A_165 : i32 to index
      %swap3A_647 = arith.constant 0 : index
      %swap3A_648 = tpu.vector_load %arg13[%swap3A_646, %swap3A_647] {strides = array<i32>} : memref<80x240xf32, #tpu.memory_space<vmem>>, vector<1x16xf32>,
      %swap3A_649 = vector.shape_cast %swap3A_648 : vector<1x16xf32> to vector<16xf32>
      %swap3A_650 = vector.shape_cast %sub3A_645 : vector<16xf32> to vector<1x16xf32>
      tpu.vector_store %arg13[%swap3A_646, %swap3A_647], %swap3A_650 {strides = array<i32>} : memref<80x240xf32, #tpu.memory_space<vmem>>, vector<1x16xf32>,
      %mul3A_651 = arith.mulf %div3A_637, %get3A_12 : vector<16xf32>
      %swap3A_652 = arith.index_cast %scan3A_165 : i32 to index
      %swap3A_653 = arith.constant 16 : index
      %swap3A_654 = tpu.vector_load %arg15[%swap3A_652, %swap3A_653] {strides = array<i32>} : memref<80x64xf32, #tpu.memory_space<vmem>>, vector<1x16xf32>,
      %swap3A_655 = vector.shape_cast %swap3A_654 : vector<1x16xf32> to vector<16xf32>
      %swap3A_656 = vector.shape_cast %mul3A_651 : vector<16xf32> to vector<1x16xf32>
      tpu.vector_store %arg15[%swap3A_652, %swap3A_653], %swap3A_656 {strides = array<i32>} : memref<80x64xf32, #tpu.memory_space<vmem>>, vector<1x16xf32>,
      %mul3A_657 = arith.mulf %mul3A_351, %mul3A_651 : vector<16xf32>
      %sub3A_658 = arith.subf %get3A_57, %mul3A_657 : vector<16xf32>
      %swap3A_659 = arith.index_cast %scan3A_165 : i32 to index
      %swap3A_660 = arith.constant 16 : index
      %swap3A_661 = tpu.vector_load %arg13[%swap3A_659, %swap3A_660] {strides = array<i32>} : memref<80x240xf32, #tpu.memory_space<vmem>>, vector<1x16xf32>,
      %swap3A_662 = vector.shape_cast %swap3A_661 : vector<1x16xf32> to vector<16xf32>
      %swap3A_663 = vector.shape_cast %sub3A_658 : vector<16xf32> to vector<1x16xf32>
      tpu.vector_store %arg13[%swap3A_659, %swap3A_660], %swap3A_663 {strides = array<i32>} : memref<80x240xf32, #tpu.memory_space<vmem>>, vector<1x16xf32>,
      %mul3A_664 = arith.mulf %div3A_637, %get3A_15 : vector<16xf32>
      %swap3A_665 = arith.index_cast %scan3A_165 : i32 to index
      %swap3A_666 = arith.constant 32 : index
      %swap3A_667 = tpu.vector_load %arg15[%swap3A_665, %swap3A_666] {strides = array<i32>} : memref<80x64xf32, #tpu.memory_space<vmem>>, vector<1x16xf32>,
      %swap3A_668 = vector.shape_cast %swap3A_667 : vector<1x16xf32> to vector<16xf32>
      %swap3A_669 = vector.shape_cast %mul3A_664 : vector<16xf32> to vector<1x16xf32>
      tpu.vector_store %arg15[%swap3A_665, %swap3A_666], %swap3A_669 {strides = array<i32>} : memref<80x64xf32, #tpu.memory_space<vmem>>, vector<1x16xf32>,
      %mul3A_670 = arith.mulf %mul3A_352, %mul3A_664 : vector<16xf32>
      %sub3A_671 = arith.subf %get3A_60, %mul3A_670 : vector<16xf32>
      %swap3A_672 = arith.index_cast %scan3A_165 : i32 to index
      %swap3A_673 = arith.constant 32 : index
      %swap3A_674 = tpu.vector_load %arg13[%swap3A_672, %swap3A_673] {strides = array<i32>} : memref<80x240xf32, #tpu.memory_space<vmem>>, vector<1x16xf32>,
      %swap3A_675 = vector.shape_cast %swap3A_674 : vector<1x16xf32> to vector<16xf32>
      %swap3A_676 = vector.shape_cast %sub3A_671 : vector<16xf32> to vector<1x16xf32>
      tpu.vector_store %arg13[%swap3A_672, %swap3A_673], %swap3A_676 {strides = array<i32>} : memref<80x240xf32, #tpu.memory_space<vmem>>, vector<1x16xf32>,
      %mul3A_677 = arith.mulf %div3A_637, %get3A_18 : vector<16xf32>
      %swap3A_678 = arith.index_cast %scan3A_165 : i32 to index
      %swap3A_679 = arith.constant 48 : index
      %swap3A_680 = tpu.vector_load %arg15[%swap3A_678, %swap3A_679] {strides = array<i32>} : memref<80x64xf32, #tpu.memory_space<vmem>>, vector<1x16xf32>,
      %swap3A_681 = vector.shape_cast %swap3A_680 : vector<1x16xf32> to vector<16xf32>
      %swap3A_682 = vector.shape_cast %mul3A_677 : vector<16xf32> to vector<1x16xf32>
      tpu.vector_store %arg15[%swap3A_678, %swap3A_679], %swap3A_682 {strides = array<i32>} : memref<80x64xf32, #tpu.memory_space<vmem>>, vector<1x16xf32>,
      %mul3A_683 = arith.mulf %mul3A_353, %mul3A_677 : vector<16xf32>
      %sub3A_684 = arith.subf %get3A_63, %mul3A_683 : vector<16xf32>
      %swap3A_685 = arith.index_cast %scan3A_165 : i32 to index
      %swap3A_686 = arith.constant 48 : index
      %swap3A_687 = tpu.vector_load %arg13[%swap3A_685, %swap3A_686] {strides = array<i32>} : memref<80x240xf32, #tpu.memory_space<vmem>>, vector<1x16xf32>,
      %swap3A_688 = vector.shape_cast %swap3A_687 : vector<1x16xf32> to vector<16xf32>
      %swap3A_689 = vector.shape_cast %sub3A_684 : vector<16xf32> to vector<1x16xf32>
      tpu.vector_store %arg13[%swap3A_685, %swap3A_686], %swap3A_689 {strides = array<i32>} : memref<80x240xf32, #tpu.memory_space<vmem>>, vector<1x16xf32>,
      %mul3A_690 = arith.mulf %mul3A_354, %get3A_21 : vector<16xf32>
      %sub3A_691 = arith.subf %get3A_66, %mul3A_690 : vector<16xf32>
      %swap3A_692 = arith.index_cast %scan3A_165 : i32 to index
      %swap3A_693 = arith.constant 64 : index
      %swap3A_694 = tpu.vector_load %arg13[%swap3A_692, %swap3A_693] {strides = array<i32>} : memref<80x240xf32, #tpu.memory_space<vmem>>, vector<1x16xf32>,
      %swap3A_695 = vector.shape_cast %swap3A_694 : vector<1x16xf32> to vector<16xf32>
      %swap3A_696 = vector.shape_cast %sub3A_691 : vector<16xf32> to vector<1x16xf32>
      tpu.vector_store %arg13[%swap3A_692, %swap3A_693], %swap3A_696 {strides = array<i32>} : memref<80x240xf32, #tpu.memory_space<vmem>>, vector<1x16xf32>,
      %mul3A_697 = arith.mulf %mul3A_355, %get3A_24 : vector<16xf32>
      %sub3A_698 = arith.subf %get3A_69, %mul3A_697 : vector<16xf32>
      %swap3A_699 = arith.index_cast %scan3A_165 : i32 to index
      %swap3A_700 = arith.constant 80 : index
      %swap3A_701 = tpu.vector_load %arg13[%swap3A_699, %swap3A_700] {strides = array<i32>} : memref<80x240xf32, #tpu.memory_space<vmem>>, vector<1x16xf32>,
      %swap3A_702 = vector.shape_cast %swap3A_701 : vector<1x16xf32> to vector<16xf32>
      %swap3A_703 = vector.shape_cast %sub3A_698 : vector<16xf32> to vector<1x16xf32>
      tpu.vector_store %arg13[%swap3A_699, %swap3A_700], %swap3A_703 {strides = array<i32>} : memref<80x240xf32, #tpu.memory_space<vmem>>, vector<1x16xf32>,
      %mul3A_704 = arith.mulf %mul3A_356, %get3A_27 : vector<16xf32>
      %sub3A_705 = arith.subf %get3A_72, %mul3A_704 : vector<16xf32>
      %swap3A_706 = arith.index_cast %scan3A_165 : i32 to index
      %swap3A_707 = arith.constant 96 : index
      %swap3A_708 = tpu.vector_load %arg13[%swap3A_706, %swap3A_707] {strides = array<i32>} : memref<80x240xf32, #tpu.memory_space<vmem>>, vector<1x16xf32>,
      %swap3A_709 = vector.shape_cast %swap3A_708 : vector<1x16xf32> to vector<16xf32>
      %swap3A_710 = vector.shape_cast %sub3A_705 : vector<16xf32> to vector<1x16xf32>
      tpu.vector_store %arg13[%swap3A_706, %swap3A_707], %swap3A_710 {strides = array<i32>} : memref<80x240xf32, #tpu.memory_space<vmem>>, vector<1x16xf32>,
      %mul3A_711 = arith.mulf %mul3A_357, %get3A_30 : vector<16xf32>
      %sub3A_712 = arith.subf %get3A_75, %mul3A_711 : vector<16xf32>
      %swap3A_713 = arith.index_cast %scan3A_165 : i32 to index
      %swap3A_714 = arith.constant 112 : index
      %swap3A_715 = tpu.vector_load %arg13[%swap3A_713, %swap3A_714] {strides = array<i32>} : memref<80x240xf32, #tpu.memory_space<vmem>>, vector<1x16xf32>,
      %swap3A_716 = vector.shape_cast %swap3A_715 : vector<1x16xf32> to vector<16xf32>
      %swap3A_717 = vector.shape_cast %sub3A_712 : vector<16xf32> to vector<1x16xf32>
      tpu.vector_store %arg13[%swap3A_713, %swap3A_714], %swap3A_717 {strides = array<i32>} : memref<80x240xf32, #tpu.memory_space<vmem>>, vector<1x16xf32>,
      %mul3A_718 = arith.mulf %mul3A_358, %get3A_33 : vector<16xf32>
      %sub3A_719 = arith.subf %get3A_78, %mul3A_718 : vector<16xf32>
      %swap3A_720 = arith.index_cast %scan3A_165 : i32 to index
      %swap3A_721 = arith.constant 128 : index
      %swap3A_722 = tpu.vector_load %arg13[%swap3A_720, %swap3A_721] {strides = array<i32>} : memref<80x240xf32, #tpu.memory_space<vmem>>, vector<1x16xf32>,
      %swap3A_723 = vector.shape_cast %swap3A_722 : vector<1x16xf32> to vector<16xf32>
      %swap3A_724 = vector.shape_cast %sub3A_719 : vector<16xf32> to vector<1x16xf32>
      tpu.vector_store %arg13[%swap3A_720, %swap3A_721], %swap3A_724 {strides = array<i32>} : memref<80x240xf32, #tpu.memory_space<vmem>>, vector<1x16xf32>,
      %mul3A_725 = arith.mulf %mul3A_359, %get3A_36 : vector<16xf32>
      %sub3A_726 = arith.subf %get3A_81, %mul3A_725 : vector<16xf32>
      %swap3A_727 = arith.index_cast %scan3A_165 : i32 to index
      %swap3A_728 = arith.constant 144 : index
      %swap3A_729 = tpu.vector_load %arg13[%swap3A_727, %swap3A_728] {strides = array<i32>} : memref<80x240xf32, #tpu.memory_space<vmem>>, vector<1x16xf32>,
      %swap3A_730 = vector.shape_cast %swap3A_729 : vector<1x16xf32> to vector<16xf32>
      %swap3A_731 = vector.shape_cast %sub3A_726 : vector<16xf32> to vector<1x16xf32>
      tpu.vector_store %arg13[%swap3A_727, %swap3A_728], %swap3A_731 {strides = array<i32>} : memref<80x240xf32, #tpu.memory_space<vmem>>, vector<1x16xf32>,
      %mul3A_732 = arith.mulf %mul3A_360, %get3A_39 : vector<16xf32>
      %sub3A_733 = arith.subf %get3A_84, %mul3A_732 : vector<16xf32>
      %swap3A_734 = arith.index_cast %scan3A_165 : i32 to index
      %swap3A_735 = arith.constant 160 : index
      %swap3A_736 = tpu.vector_load %arg13[%swap3A_734, %swap3A_735] {strides = array<i32>} : memref<80x240xf32, #tpu.memory_space<vmem>>, vector<1x16xf32>,
      %swap3A_737 = vector.shape_cast %swap3A_736 : vector<1x16xf32> to vector<16xf32>
      %swap3A_738 = vector.shape_cast %sub3A_733 : vector<16xf32> to vector<1x16xf32>
      tpu.vector_store %arg13[%swap3A_734, %swap3A_735], %swap3A_738 {strides = array<i32>} : memref<80x240xf32, #tpu.memory_space<vmem>>, vector<1x16xf32>,
      %mul3A_739 = arith.mulf %mul3A_361, %get3A_42 : vector<16xf32>
      %sub3A_740 = arith.subf %get3A_87, %mul3A_739 : vector<16xf32>
      %swap3A_741 = arith.index_cast %scan3A_165 : i32 to index
      %swap3A_742 = arith.constant 176 : index
      %swap3A_743 = tpu.vector_load %arg13[%swap3A_741, %swap3A_742] {strides = array<i32>} : memref<80x240xf32, #tpu.memory_space<vmem>>, vector<1x16xf32>,
      %swap3A_744 = vector.shape_cast %swap3A_743 : vector<1x16xf32> to vector<16xf32>
      %swap3A_745 = vector.shape_cast %sub3A_740 : vector<16xf32> to vector<1x16xf32>
      tpu.vector_store %arg13[%swap3A_741, %swap3A_742], %swap3A_745 {strides = array<i32>} : memref<80x240xf32, #tpu.memory_space<vmem>>, vector<1x16xf32>,
      %mul3A_746 = arith.mulf %mul3A_362, %get3A_45 : vector<16xf32>
      %sub3A_747 = arith.subf %get3A_90, %mul3A_746 : vector<16xf32>
      %swap3A_748 = arith.index_cast %scan3A_165 : i32 to index
      %swap3A_749 = arith.constant 192 : index
      %swap3A_750 = tpu.vector_load %arg13[%swap3A_748, %swap3A_749] {strides = array<i32>} : memref<80x240xf32, #tpu.memory_space<vmem>>, vector<1x16xf32>,
      %swap3A_751 = vector.shape_cast %swap3A_750 : vector<1x16xf32> to vector<16xf32>
      %swap3A_752 = vector.shape_cast %sub3A_747 : vector<16xf32> to vector<1x16xf32>
      tpu.vector_store %arg13[%swap3A_748, %swap3A_749], %swap3A_752 {strides = array<i32>} : memref<80x240xf32, #tpu.memory_space<vmem>>, vector<1x16xf32>,
      %mul3A_753 = arith.mulf %mul3A_363, %get3A_48 : vector<16xf32>
      %sub3A_754 = arith.subf %get3A_93, %mul3A_753 : vector<16xf32>
      %swap3A_755 = arith.index_cast %scan3A_165 : i32 to index
      %swap3A_756 = arith.constant 208 : index
      %swap3A_757 = tpu.vector_load %arg13[%swap3A_755, %swap3A_756] {strides = array<i32>} : memref<80x240xf32, #tpu.memory_space<vmem>>, vector<1x16xf32>,
      %swap3A_758 = vector.shape_cast %swap3A_757 : vector<1x16xf32> to vector<16xf32>
      %swap3A_759 = vector.shape_cast %sub3A_754 : vector<16xf32> to vector<1x16xf32>
      tpu.vector_store %arg13[%swap3A_755, %swap3A_756], %swap3A_759 {strides = array<i32>} : memref<80x240xf32, #tpu.memory_space<vmem>>, vector<1x16xf32>,
      %mul3A_760 = arith.mulf %mul3A_364, %get3A_51 : vector<16xf32>
      %sub3A_761 = arith.subf %get3A_96, %mul3A_760 : vector<16xf32>
      %swap3A_762 = arith.index_cast %scan3A_165 : i32 to index
      %swap3A_763 = arith.constant 224 : index
      %swap3A_764 = tpu.vector_load %arg13[%swap3A_762, %swap3A_763] {strides = array<i32>} : memref<80x240xf32, #tpu.memory_space<vmem>>, vector<1x16xf32>,
      %swap3A_765 = vector.shape_cast %swap3A_764 : vector<1x16xf32> to vector<16xf32>
      %swap3A_766 = vector.shape_cast %sub3A_761 : vector<16xf32> to vector<1x16xf32>
      tpu.vector_store %arg13[%swap3A_762, %swap3A_763], %swap3A_766 {strides = array<i32>} : memref<80x240xf32, #tpu.memory_space<vmem>>, vector<1x16xf32>,
      %scan3A_767 = arith.constant 0 : i32
      scf.yield %scan3A_767 : i32
    }
    %scan3A_102 = arith.constant 32 : i32
    "tpu.region"() ({
      %run_scoped3A_165 = tpu.sem_alloc : memref<!tpu.dma_semaphore, #tpu.memory_space<semaphore_mem>>
      %dma_start3A_166 = arith.constant 0 : i32
      %dma_start3A_167 = arith.constant 0 : i32
      %dma_start3A_168 = tpu.memref_slice %arg15[%dma_start3A_166, %dma_start3A_167] : memref<80x64xf32, #tpu.memory_space<vmem>> -> memref<32x64xf32, #tpu.memory_space<vmem>>
      %dma_start3A_169 = arith.constant 0 : i32
      %dma_start3A_170 = tpu.memref_slice %arg28[%mul3A_4, %dma_start3A_169] : memref<512x64xf32, #tpu.memory_space<vmem_shared>> -> memref<32x64xf32, #tpu.memory_space<vmem_shared>>
      %dma_start3A_171 = arith.constant 0 : i32
      %dma_start3A_172 = tpu.memref_slice %arg28[%mul3A_4, %dma_start3A_171] : memref<512x64xf32, #tpu.memory_space<vmem_shared>> -> memref<32x64xf32, #tpu.memory_space<vmem_shared>>
      %dma_start3A_173 = arith.constant 0 : i32
      %dma_start3A_174 = arith.constant 0 : i32
      %dma_start3A_175 = tpu.memref_slice %arg15[%dma_start3A_173, %dma_start3A_174] : memref<80x64xf32, #tpu.memory_space<vmem>> -> memref<32x64xf32, #tpu.memory_space<vmem>>
      tpu.enqueue_dma source(%dma_start3A_175 : memref<32x64xf32, #tpu.memory_space<vmem>>) target(%dma_start3A_172 : memref<32x64xf32, #tpu.memory_space<vmem_shared>>) target_semaphore(%run_scoped3A_165 : memref<!tpu.dma_semaphore, #tpu.memory_space<semaphore_mem>>)
      %dma_wait3A_176 = arith.constant 0 : i32
      %dma_wait3A_177 = arith.constant 0 : i32
      %dma_wait3A_178 = tpu.memref_slice %arg15[%dma_wait3A_176, %dma_wait3A_177] : memref<80x64xf32, #tpu.memory_space<vmem>> -> memref<32x64xf32, #tpu.memory_space<vmem>>
      %dma_wait3A_179 = arith.constant 0 : i32
      %dma_wait3A_180 = tpu.memref_slice %arg28[%mul3A_4, %dma_wait3A_179] : memref<512x64xf32, #tpu.memory_space<vmem_shared>> -> memref<32x64xf32, #tpu.memory_space<vmem_shared>>
      %dma_wait3A_181 = arith.constant 0 : i32
      %dma_wait3A_182 = tpu.memref_slice %arg28[%mul3A_4, %dma_wait3A_181] : memref<512x64xf32, #tpu.memory_space<vmem_shared>> -> memref<32x64xf32, #tpu.memory_space<vmem_shared>>
      %dma_wait3A_183 = arith.constant 0 : i32
      %dma_wait3A_184 = arith.constant 0 : i32
      %dma_wait3A_185 = tpu.memref_slice %arg15[%dma_wait3A_183, %dma_wait3A_184] : memref<80x64xf32, #tpu.memory_space<vmem>> -> memref<32x64xf32, #tpu.memory_space<vmem>>
      tpu.wait_dma2 semaphore(%run_scoped3A_165 : memref<!tpu.dma_semaphore, #tpu.memory_space<semaphore_mem>>) src(%dma_wait3A_185 : memref<32x64xf32, #tpu.memory_space<vmem>>) dst(%dma_wait3A_182 : memref<32x64xf32, #tpu.memory_space<vmem_shared>>)
      tpu.yield
    }) : () -> ()
    "tpu.region"() ({
      %run_scoped3A_165 = tpu.sem_alloc : memref<!tpu.dma_semaphore, #tpu.memory_space<semaphore_mem>>
      %dma_start3A_166 = arith.constant 0 : i32
      %dma_start3A_167 = arith.constant 0 : i32
      %dma_start3A_168 = tpu.memref_slice %arg13[%dma_start3A_166, %dma_start3A_167] : memref<80x240xf32, #tpu.memory_space<vmem>> -> memref<32x240xf32, #tpu.memory_space<vmem>>
      %dma_start3A_169 = arith.constant 0 : i32
      %dma_start3A_170 = tpu.memref_slice %arg29[%mul3A_4, %dma_start3A_169] : memref<512x240xf32, #tpu.memory_space<vmem_shared>> -> memref<32x240xf32, #tpu.memory_space<vmem_shared>>
      %dma_start3A_171 = arith.constant 0 : i32
      %dma_start3A_172 = tpu.memref_slice %arg29[%mul3A_4, %dma_start3A_171] : memref<512x240xf32, #tpu.memory_space<vmem_shared>> -> memref<32x240xf32, #tpu.memory_space<vmem_shared>>
      %dma_start3A_173 = arith.constant 0 : i32
      %dma_start3A_174 = arith.constant 0 : i32
      %dma_start3A_175 = tpu.memref_slice %arg13[%dma_start3A_173, %dma_start3A_174] : memref<80x240xf32, #tpu.memory_space<vmem>> -> memref<32x240xf32, #tpu.memory_space<vmem>>
      tpu.enqueue_dma source(%dma_start3A_175 : memref<32x240xf32, #tpu.memory_space<vmem>>) target(%dma_start3A_172 : memref<32x240xf32, #tpu.memory_space<vmem_shared>>) target_semaphore(%run_scoped3A_165 : memref<!tpu.dma_semaphore, #tpu.memory_space<semaphore_mem>>)
      %dma_wait3A_176 = arith.constant 0 : i32
      %dma_wait3A_177 = arith.constant 0 : i32
      %dma_wait3A_178 = tpu.memref_slice %arg13[%dma_wait3A_176, %dma_wait3A_177] : memref<80x240xf32, #tpu.memory_space<vmem>> -> memref<32x240xf32, #tpu.memory_space<vmem>>
      %dma_wait3A_179 = arith.constant 0 : i32
      %dma_wait3A_180 = tpu.memref_slice %arg29[%mul3A_4, %dma_wait3A_179] : memref<512x240xf32, #tpu.memory_space<vmem_shared>> -> memref<32x240xf32, #tpu.memory_space<vmem_shared>>
      %dma_wait3A_181 = arith.constant 0 : i32
      %dma_wait3A_182 = tpu.memref_slice %arg29[%mul3A_4, %dma_wait3A_181] : memref<512x240xf32, #tpu.memory_space<vmem_shared>> -> memref<32x240xf32, #tpu.memory_space<vmem_shared>>
      %dma_wait3A_183 = arith.constant 0 : i32
      %dma_wait3A_184 = arith.constant 0 : i32
      %dma_wait3A_185 = tpu.memref_slice %arg13[%dma_wait3A_183, %dma_wait3A_184] : memref<80x240xf32, #tpu.memory_space<vmem>> -> memref<32x240xf32, #tpu.memory_space<vmem>>
      tpu.wait_dma2 semaphore(%run_scoped3A_165 : memref<!tpu.dma_semaphore, #tpu.memory_space<semaphore_mem>>) src(%dma_wait3A_185 : memref<32x240xf32, #tpu.memory_space<vmem>>) dst(%dma_wait3A_182 : memref<32x240xf32, #tpu.memory_space<vmem_shared>>)
      tpu.yield
    }) : () -> ()
    %add3A_103 = arith.constant 0 : i32
    %add3A_104 = arith.addi %mul3A_2, %add3A_103 : i32
    %dma_start3A = arith.constant 0 : i32
    %dma_start3A_105 = tpu.memref_slice %arg2[%add3A_104, %dma_start3A] : memref<320000x240xf32, #tpu.memory_space<hbm>> -> memref<80x240xf32, #tpu.memory_space<hbm>>
    %dma_start3A_106 = arith.constant 0 : i32
    %dma_start3A_107 = tpu.memref_slice %arg2[%add3A_104, %dma_start3A_106] : memref<320000x240xf32, #tpu.memory_space<hbm>> -> memref<80x240xf32, #tpu.memory_space<hbm>>
    tpu.enqueue_dma source(%dma_start3A_107 : memref<80x240xf32, #tpu.memory_space<hbm>>) target(%arg9 : memref<80x240xf32, #tpu.memory_space<vmem>>) target_semaphore(%arg22 : memref<!tpu.dma_semaphore, #tpu.memory_space<semaphore_mem>>)
    %dma_start3A_108 = tpu.memref_slice %arg3[%add3A_104] : memref<320000xi32, #tpu.memory_space<hbm>> -> memref<80xi32, #tpu.memory_space<hbm>>
    %dma_start3A_109 = tpu.memref_slice %arg3[%add3A_104] : memref<320000xi32, #tpu.memory_space<hbm>> -> memref<80xi32, #tpu.memory_space<hbm>>
    tpu.enqueue_dma source(%dma_start3A_109 : memref<80xi32, #tpu.memory_space<hbm>>) target(%arg17 : memref<80xi32, #tpu.memory_space<vmem>>) target_semaphore(%arg22 : memref<!tpu.dma_semaphore, #tpu.memory_space<semaphore_mem>>)
    %add3A_110 = arith.constant 80 : i32
    %add3A_111 = arith.addi %mul3A_2, %add3A_110 : i32
    %dma_start3A_112 = arith.constant 0 : i32
    %dma_start3A_113 = tpu.memref_slice %arg2[%add3A_111, %dma_start3A_112] : memref<320000x240xf32, #tpu.memory_space<hbm>> -> memref<80x240xf32, #tpu.memory_space<hbm>>
    %dma_start3A_114 = arith.constant 0 : i32
    %dma_start3A_115 = tpu.memref_slice %arg2[%add3A_111, %dma_start3A_114] : memref<320000x240xf32, #tpu.memory_space<hbm>> -> memref<80x240xf32, #tpu.memory_space<hbm>>
    tpu.enqueue_dma source(%dma_start3A_115 : memref<80x240xf32, #tpu.memory_space<hbm>>) target(%arg10 : memref<80x240xf32, #tpu.memory_space<vmem>>) target_semaphore(%arg23 : memref<!tpu.dma_semaphore, #tpu.memory_space<semaphore_mem>>)
    %dma_start3A_116 = tpu.memref_slice %arg3[%add3A_111] : memref<320000xi32, #tpu.memory_space<hbm>> -> memref<80xi32, #tpu.memory_space<hbm>>
    %dma_start3A_117 = tpu.memref_slice %arg3[%add3A_111] : memref<320000xi32, #tpu.memory_space<hbm>> -> memref<80xi32, #tpu.memory_space<hbm>>
    tpu.enqueue_dma source(%dma_start3A_117 : memref<80xi32, #tpu.memory_space<hbm>>) target(%arg18 : memref<80xi32, #tpu.memory_space<vmem>>) target_semaphore(%arg23 : memref<!tpu.dma_semaphore, #tpu.memory_space<semaphore_mem>>)
    %barrier3A = arith.constant 0 : index
    tpu.barrier barrier_id(%barrier3A)
    %get3A_118 = arith.constant 64 : index
    %get3A_119 = tpu.vector_load %arg19[%get3A_118] {strides = array<i32>} : memref<240xf32, #tpu.memory_space<vmem>>, vector<16xf32>,
    %get3A_120 = vector.shape_cast %get3A_119 : vector<16xf32> to vector<16xf32>
    %get3A_121 = arith.constant 80 : index
    %get3A_122 = tpu.vector_load %arg19[%get3A_121] {strides = array<i32>} : memref<240xf32, #tpu.memory_space<vmem>>, vector<16xf32>,
    %get3A_123 = vector.shape_cast %get3A_122 : vector<16xf32> to vector<16xf32>
    %get3A_124 = arith.constant 96 : index
    %get3A_125 = tpu.vector_load %arg19[%get3A_124] {strides = array<i32>} : memref<240xf32, #tpu.memory_space<vmem>>, vector<16xf32>,
    %get3A_126 = vector.shape_cast %get3A_125 : vector<16xf32> to vector<16xf32>
    %get3A_127 = arith.constant 112 : index
    %get3A_128 = tpu.vector_load %arg19[%get3A_127] {strides = array<i32>} : memref<240xf32, #tpu.memory_space<vmem>>, vector<16xf32>,
    %get3A_129 = vector.shape_cast %get3A_128 : vector<16xf32> to vector<16xf32>
    %get3A_130 = arith.constant 128 : index
    %get3A_131 = tpu.vector_load %arg19[%get3A_130] {strides = array<i32>} : memref<240xf32, #tpu.memory_space<vmem>>, vector<16xf32>,
    %get3A_132 = vector.shape_cast %get3A_131 : vector<16xf32> to vector<16xf32>
    %get3A_133 = arith.constant 144 : index
    %get3A_134 = tpu.vector_load %arg19[%get3A_133] {strides = array<i32>} : memref<240xf32, #tpu.memory_space<vmem>>, vector<16xf32>,
    %get3A_135 = vector.shape_cast %get3A_134 : vector<16xf32> to vector<16xf32>
    %get3A_136 = arith.constant 160 : index
    %get3A_137 = tpu.vector_load %arg19[%get3A_136] {strides = array<i32>} : memref<240xf32, #tpu.memory_space<vmem>>, vector<16xf32>,
    %get3A_138 = vector.shape_cast %get3A_137 : vector<16xf32> to vector<16xf32>
    %get3A_139 = arith.constant 176 : index
    %get3A_140 = tpu.vector_load %arg19[%get3A_139] {strides = array<i32>} : memref<240xf32, #tpu.memory_space<vmem>>, vector<16xf32>,
    %get3A_141 = vector.shape_cast %get3A_140 : vector<16xf32> to vector<16xf32>
    %get3A_142 = arith.constant 192 : index
    %get3A_143 = tpu.vector_load %arg19[%get3A_142] {strides = array<i32>} : memref<240xf32, #tpu.memory_space<vmem>>, vector<16xf32>,
    %get3A_144 = vector.shape_cast %get3A_143 : vector<16xf32> to vector<16xf32>
    %get3A_145 = arith.constant 208 : index
    %get3A_146 = tpu.vector_load %arg19[%get3A_145] {strides = array<i32>} : memref<240xf32, #tpu.memory_space<vmem>>, vector<16xf32>,
    %get3A_147 = vector.shape_cast %get3A_146 : vector<16xf32> to vector<16xf32>
    %get3A_148 = arith.constant 224 : index
    %get3A_149 = tpu.vector_load %arg19[%get3A_148] {strides = array<i32>} : memref<240xf32, #tpu.memory_space<vmem>>, vector<16xf32>,
    %get3A_150 = vector.shape_cast %get3A_149 : vector<16xf32> to vector<16xf32>
    %scan3A_151 = arith.constant 0 : i32
    %scan3A_152 = arith.constant 0 : i32
    %scan3A_153 = arith.constant 63 : i32
    %scan3A_154 = arith.addi %scan3A_152, %scan3A_153 : i32
    %scan3A_155 = arith.constant 1 : i32
    %scan3A_156 = scf.for %scan3A_165 = %scan3A_152 to %scan3A_154 step %scan3A_155 iter_args(%scan3A_166 = %scan3A_151) -> (i32)  : i32 {
      %mul3A_167 = arith.constant 2 : i32
      %mul3A_168 = arith.muli %mul3A_167, %scan3A_165 : i32
      %dma_wait3A_169 = arith.constant 0 : i32
      %dma_wait3A_170 = tpu.memref_slice %arg2[%mul3A_2, %dma_wait3A_169] : memref<320000x240xf32, #tpu.memory_space<hbm>> -> memref<80x240xf32, #tpu.memory_space<hbm>>
      %dma_wait3A_171 = arith.constant 0 : i32
      %dma_wait3A_172 = tpu.memref_slice %arg2[%mul3A_2, %dma_wait3A_171] : memref<320000x240xf32, #tpu.memory_space<hbm>> -> memref<80x240xf32, #tpu.memory_space<hbm>>
      tpu.wait_dma2 semaphore(%arg22 : memref<!tpu.dma_semaphore, #tpu.memory_space<semaphore_mem>>) src(%dma_wait3A_172 : memref<80x240xf32, #tpu.memory_space<hbm>>) dst(%arg9 : memref<80x240xf32, #tpu.memory_space<vmem>>)
      %dma_wait3A_173 = tpu.memref_slice %arg3[%mul3A_2] : memref<320000xi32, #tpu.memory_space<hbm>> -> memref<80xi32, #tpu.memory_space<hbm>>
      %dma_wait3A_174 = tpu.memref_slice %arg3[%mul3A_2] : memref<320000xi32, #tpu.memory_space<hbm>> -> memref<80xi32, #tpu.memory_space<hbm>>
      tpu.wait_dma2 semaphore(%arg22 : memref<!tpu.dma_semaphore, #tpu.memory_space<semaphore_mem>>) src(%dma_wait3A_174 : memref<80xi32, #tpu.memory_space<hbm>>) dst(%arg17 : memref<80xi32, #tpu.memory_space<vmem>>)
      %ge3A = arith.constant 2 : i32
      %ge3A_175 = arith.cmpi sge, %mul3A_168, %ge3A : i32
      %convert_element_type3A = arith.extui %ge3A_175 : i1 to i32
      %cond3A = arith.constant 0 : i32
      %cond3A_176 = arith.cmpi ne, %convert_element_type3A, %cond3A : i32
      scf.if %cond3A_176 {
        %dma_wait3A_219 = arith.constant 0 : i32
        %dma_wait3A_220 = tpu.memref_slice %arg8[%mul3A_2, %dma_wait3A_219] : memref<320000x240xf32, #tpu.memory_space<hbm>> -> memref<80x240xf32, #tpu.memory_space<hbm>>
        %dma_wait3A_221 = arith.constant 0 : i32
        %dma_wait3A_222 = tpu.memref_slice %arg8[%mul3A_2, %dma_wait3A_221] : memref<320000x240xf32, #tpu.memory_space<hbm>> -> memref<80x240xf32, #tpu.memory_space<hbm>>
        tpu.wait_dma2 semaphore(%arg26 : memref<!tpu.dma_semaphore, #tpu.memory_space<semaphore_mem>>) src(%arg13 : memref<80x240xf32, #tpu.memory_space<vmem>>) dst(%dma_wait3A_222 : memref<80x240xf32, #tpu.memory_space<hbm>>)
      } else {
      }
      %dma_start3A_177 = arith.constant 0 : i32
      %dma_start3A_178 = arith.constant 0 : i32
      %dma_start3A_179 = tpu.memref_slice %arg29[%dma_start3A_177, %dma_start3A_178] : memref<512x240xf32, #tpu.memory_space<vmem_shared>> -> memref<512x240xf32, #tpu.memory_space<vmem_shared>>
      tpu.enqueue_indirect_dma source(%dma_start3A_179 : memref<512x240xf32, #tpu.memory_space<vmem_shared>>) target(%arg13 : memref<80x240xf32, #tpu.memory_space<vmem>>) offsets(%arg17 : memref<80xi32, #tpu.memory_space<vmem>>) semaphore(%arg24 : memref<!tpu.dma_semaphore, #tpu.memory_space<semaphore_mem>>)
      %dma_start3A_180 = arith.constant 0 : i32
      %dma_start3A_181 = arith.constant 0 : i32
      %dma_start3A_182 = tpu.memref_slice %arg28[%dma_start3A_180, %dma_start3A_181] : memref<512x64xf32, #tpu.memory_space<vmem_shared>> -> memref<512x64xf32, #tpu.memory_space<vmem_shared>>
      tpu.enqueue_indirect_dma source(%dma_start3A_182 : memref<512x64xf32, #tpu.memory_space<vmem_shared>>) target(%arg15 : memref<80x64xf32, #tpu.memory_space<vmem>>) offsets(%arg17 : memref<80xi32, #tpu.memory_space<vmem>>) semaphore(%arg24 : memref<!tpu.dma_semaphore, #tpu.memory_space<semaphore_mem>>)
      %dma_wait3A_183 = arith.constant 0 : i32
      %dma_wait3A_184 = arith.constant 0 : i32
      %dma_wait3A_185 = tpu.memref_slice %arg29[%dma_wait3A_183, %dma_wait3A_184] : memref<512x240xf32, #tpu.memory_space<vmem_shared>> -> memref<512x240xf32, #tpu.memory_space<vmem_shared>>
      tpu.wait_indirect_dma semaphore(%arg24 : memref<!tpu.dma_semaphore, #tpu.memory_space<semaphore_mem>>) src(%dma_wait3A_185 : memref<512x240xf32, #tpu.memory_space<vmem_shared>>) dst(%arg13 : memref<80x240xf32, #tpu.memory_space<vmem>>)
      %dma_wait3A_186 = arith.constant 0 : i32
      %dma_wait3A_187 = arith.constant 0 : i32
      %dma_wait3A_188 = tpu.memref_slice %arg28[%dma_wait3A_186, %dma_wait3A_187] : memref<512x64xf32, #tpu.memory_space<vmem_shared>> -> memref<512x64xf32, #tpu.memory_space<vmem_shared>>
      tpu.wait_indirect_dma semaphore(%arg24 : memref<!tpu.dma_semaphore, #tpu.memory_space<semaphore_mem>>) src(%dma_wait3A_188 : memref<512x64xf32, #tpu.memory_space<vmem_shared>>) dst(%arg15 : memref<80x64xf32, #tpu.memory_space<vmem>>)
      %scan3A_189 = arith.constant 0 : i32
      %scan3A_190 = arith.constant 0 : i32
      %scan3A_191 = arith.constant 80 : i32
      %scan3A_192 = arith.addi %scan3A_190, %scan3A_191 : i32
      %scan3A_193 = arith.constant 1 : i32
      %scan3A_194 = scf.for %scan3A_219 = %scan3A_190 to %scan3A_192 step %scan3A_193 iter_args(%scan3A_220 = %scan3A_189) -> (i32)  : i32 {
        %get3A_221 = arith.index_cast %scan3A_219 : i32 to index
        %get3A_222 = arith.constant 0 : index
        %get3A_223 = tpu.vector_load %arg9[%get3A_221, %get3A_222] {strides = array<i32>} : memref<80x240xf32, #tpu.memory_space<vmem>>, vector<1x16xf32>,
        %get3A_224 = vector.shape_cast %get3A_223 : vector<1x16xf32> to vector<16xf32>
        %get3A_225 = arith.index_cast %scan3A_219 : i32 to index
        %get3A_226 = arith.constant 0 : index
        %get3A_227 = tpu.vector_load %arg15[%get3A_225, %get3A_226] {strides = array<i32>} : memref<80x64xf32, #tpu.memory_space<vmem>>, vector<1x16xf32>,
        %get3A_228 = vector.shape_cast %get3A_227 : vector<1x16xf32> to vector<16xf32>
        %mul3A_229 = arith.mulf %get3A_224, %get3A_228 : vector<16xf32>
        %swap3A = arith.index_cast %scan3A_219 : i32 to index
        %swap3A_230 = arith.constant 0 : index
        %swap3A_231 = tpu.vector_load %arg13[%swap3A, %swap3A_230] {strides = array<i32>} : memref<80x240xf32, #tpu.memory_space<vmem>>, vector<1x16xf32>,
        %swap3A_232 = vector.shape_cast %swap3A_231 : vector<1x16xf32> to vector<16xf32>
        %swap3A_233 = vector.shape_cast %mul3A_229 : vector<16xf32> to vector<1x16xf32>
        tpu.vector_store %arg13[%swap3A, %swap3A_230], %swap3A_233 {add = true, strides = array<i32>} : memref<80x240xf32, #tpu.memory_space<vmem>>, vector<1x16xf32>,
        %get3A_234 = arith.index_cast %scan3A_219 : i32 to index
        %get3A_235 = arith.constant 16 : index
        %get3A_236 = tpu.vector_load %arg9[%get3A_234, %get3A_235] {strides = array<i32>} : memref<80x240xf32, #tpu.memory_space<vmem>>, vector<1x16xf32>,
        %get3A_237 = vector.shape_cast %get3A_236 : vector<1x16xf32> to vector<16xf32>
        %get3A_238 = arith.index_cast %scan3A_219 : i32 to index
        %get3A_239 = arith.constant 16 : index
        %get3A_240 = tpu.vector_load %arg15[%get3A_238, %get3A_239] {strides = array<i32>} : memref<80x64xf32, #tpu.memory_space<vmem>>, vector<1x16xf32>,
        %get3A_241 = vector.shape_cast %get3A_240 : vector<1x16xf32> to vector<16xf32>
        %mul3A_242 = arith.mulf %get3A_237, %get3A_241 : vector<16xf32>
        %swap3A_243 = arith.index_cast %scan3A_219 : i32 to index
        %swap3A_244 = arith.constant 16 : index
        %swap3A_245 = tpu.vector_load %arg13[%swap3A_243, %swap3A_244] {strides = array<i32>} : memref<80x240xf32, #tpu.memory_space<vmem>>, vector<1x16xf32>,
        %swap3A_246 = vector.shape_cast %swap3A_245 : vector<1x16xf32> to vector<16xf32>
        %swap3A_247 = vector.shape_cast %mul3A_242 : vector<16xf32> to vector<1x16xf32>
        tpu.vector_store %arg13[%swap3A_243, %swap3A_244], %swap3A_247 {add = true, strides = array<i32>} : memref<80x240xf32, #tpu.memory_space<vmem>>, vector<1x16xf32>,
        %get3A_248 = arith.index_cast %scan3A_219 : i32 to index
        %get3A_249 = arith.constant 32 : index
        %get3A_250 = tpu.vector_load %arg9[%get3A_248, %get3A_249] {strides = array<i32>} : memref<80x240xf32, #tpu.memory_space<vmem>>, vector<1x16xf32>,
        %get3A_251 = vector.shape_cast %get3A_250 : vector<1x16xf32> to vector<16xf32>
        %get3A_252 = arith.index_cast %scan3A_219 : i32 to index
        %get3A_253 = arith.constant 32 : index
        %get3A_254 = tpu.vector_load %arg15[%get3A_252, %get3A_253] {strides = array<i32>} : memref<80x64xf32, #tpu.memory_space<vmem>>, vector<1x16xf32>,
        %get3A_255 = vector.shape_cast %get3A_254 : vector<1x16xf32> to vector<16xf32>
        %mul3A_256 = arith.mulf %get3A_251, %get3A_255 : vector<16xf32>
        %swap3A_257 = arith.index_cast %scan3A_219 : i32 to index
        %swap3A_258 = arith.constant 32 : index
        %swap3A_259 = tpu.vector_load %arg13[%swap3A_257, %swap3A_258] {strides = array<i32>} : memref<80x240xf32, #tpu.memory_space<vmem>>, vector<1x16xf32>,
        %swap3A_260 = vector.shape_cast %swap3A_259 : vector<1x16xf32> to vector<16xf32>
        %swap3A_261 = vector.shape_cast %mul3A_256 : vector<16xf32> to vector<1x16xf32>
        tpu.vector_store %arg13[%swap3A_257, %swap3A_258], %swap3A_261 {add = true, strides = array<i32>} : memref<80x240xf32, #tpu.memory_space<vmem>>, vector<1x16xf32>,
        %get3A_262 = arith.index_cast %scan3A_219 : i32 to index
        %get3A_263 = arith.constant 48 : index
        %get3A_264 = tpu.vector_load %arg9[%get3A_262, %get3A_263] {strides = array<i32>} : memref<80x240xf32, #tpu.memory_space<vmem>>, vector<1x16xf32>,
        %get3A_265 = vector.shape_cast %get3A_264 : vector<1x16xf32> to vector<16xf32>
        %get3A_266 = arith.index_cast %scan3A_219 : i32 to index
        %get3A_267 = arith.constant 48 : index
        %get3A_268 = tpu.vector_load %arg15[%get3A_266, %get3A_267] {strides = array<i32>} : memref<80x64xf32, #tpu.memory_space<vmem>>, vector<1x16xf32>,
        %get3A_269 = vector.shape_cast %get3A_268 : vector<1x16xf32> to vector<16xf32>
        %mul3A_270 = arith.mulf %get3A_265, %get3A_269 : vector<16xf32>
        %swap3A_271 = arith.index_cast %scan3A_219 : i32 to index
        %swap3A_272 = arith.constant 48 : index
        %swap3A_273 = tpu.vector_load %arg13[%swap3A_271, %swap3A_272] {strides = array<i32>} : memref<80x240xf32, #tpu.memory_space<vmem>>, vector<1x16xf32>,
        %swap3A_274 = vector.shape_cast %swap3A_273 : vector<1x16xf32> to vector<16xf32>
        %swap3A_275 = vector.shape_cast %mul3A_270 : vector<16xf32> to vector<1x16xf32>
        tpu.vector_store %arg13[%swap3A_271, %swap3A_272], %swap3A_275 {add = true, strides = array<i32>} : memref<80x240xf32, #tpu.memory_space<vmem>>, vector<1x16xf32>,
        %get3A_276 = arith.index_cast %scan3A_219 : i32 to index
        %get3A_277 = arith.constant 64 : index
        %get3A_278 = tpu.vector_load %arg9[%get3A_276, %get3A_277] {strides = array<i32>} : memref<80x240xf32, #tpu.memory_space<vmem>>, vector<1x16xf32>,
        %get3A_279 = vector.shape_cast %get3A_278 : vector<1x16xf32> to vector<16xf32>
        %mul3A_280 = arith.mulf %get3A_279, %get3A_120 : vector<16xf32>
        %swap3A_281 = arith.index_cast %scan3A_219 : i32 to index
        %swap3A_282 = arith.constant 64 : index
        %swap3A_283 = tpu.vector_load %arg13[%swap3A_281, %swap3A_282] {strides = array<i32>} : memref<80x240xf32, #tpu.memory_space<vmem>>, vector<1x16xf32>,
        %swap3A_284 = vector.shape_cast %swap3A_283 : vector<1x16xf32> to vector<16xf32>
        %swap3A_285 = vector.shape_cast %mul3A_280 : vector<16xf32> to vector<1x16xf32>
        tpu.vector_store %arg13[%swap3A_281, %swap3A_282], %swap3A_285 {add = true, strides = array<i32>} : memref<80x240xf32, #tpu.memory_space<vmem>>, vector<1x16xf32>,
        %get3A_286 = arith.index_cast %scan3A_219 : i32 to index
        %get3A_287 = arith.constant 80 : index
        %get3A_288 = tpu.vector_load %arg9[%get3A_286, %get3A_287] {strides = array<i32>} : memref<80x240xf32, #tpu.memory_space<vmem>>, vector<1x16xf32>,
        %get3A_289 = vector.shape_cast %get3A_288 : vector<1x16xf32> to vector<16xf32>
        %mul3A_290 = arith.mulf %get3A_289, %get3A_123 : vector<16xf32>
        %swap3A_291 = arith.index_cast %scan3A_219 : i32 to index
        %swap3A_292 = arith.constant 80 : index
        %swap3A_293 = tpu.vector_load %arg13[%swap3A_291, %swap3A_292] {strides = array<i32>} : memref<80x240xf32, #tpu.memory_space<vmem>>, vector<1x16xf32>,
        %swap3A_294 = vector.shape_cast %swap3A_293 : vector<1x16xf32> to vector<16xf32>
        %swap3A_295 = vector.shape_cast %mul3A_290 : vector<16xf32> to vector<1x16xf32>
        tpu.vector_store %arg13[%swap3A_291, %swap3A_292], %swap3A_295 {add = true, strides = array<i32>} : memref<80x240xf32, #tpu.memory_space<vmem>>, vector<1x16xf32>,
        %get3A_296 = arith.index_cast %scan3A_219 : i32 to index
        %get3A_297 = arith.constant 96 : index
        %get3A_298 = tpu.vector_load %arg9[%get3A_296, %get3A_297] {strides = array<i32>} : memref<80x240xf32, #tpu.memory_space<vmem>>, vector<1x16xf32>,
        %get3A_299 = vector.shape_cast %get3A_298 : vector<1x16xf32> to vector<16xf32>
        %mul3A_300 = arith.mulf %get3A_299, %get3A_126 : vector<16xf32>
        %swap3A_301 = arith.index_cast %scan3A_219 : i32 to index
        %swap3A_302 = arith.constant 96 : index
        %swap3A_303 = tpu.vector_load %arg13[%swap3A_301, %swap3A_302] {strides = array<i32>} : memref<80x240xf32, #tpu.memory_space<vmem>>, vector<1x16xf32>,
        %swap3A_304 = vector.shape_cast %swap3A_303 : vector<1x16xf32> to vector<16xf32>
        %swap3A_305 = vector.shape_cast %mul3A_300 : vector<16xf32> to vector<1x16xf32>
        tpu.vector_store %arg13[%swap3A_301, %swap3A_302], %swap3A_305 {add = true, strides = array<i32>} : memref<80x240xf32, #tpu.memory_space<vmem>>, vector<1x16xf32>,
        %get3A_306 = arith.index_cast %scan3A_219 : i32 to index
        %get3A_307 = arith.constant 112 : index
        %get3A_308 = tpu.vector_load %arg9[%get3A_306, %get3A_307] {strides = array<i32>} : memref<80x240xf32, #tpu.memory_space<vmem>>, vector<1x16xf32>,
        %get3A_309 = vector.shape_cast %get3A_308 : vector<1x16xf32> to vector<16xf32>
        %mul3A_310 = arith.mulf %get3A_309, %get3A_129 : vector<16xf32>
        %swap3A_311 = arith.index_cast %scan3A_219 : i32 to index
        %swap3A_312 = arith.constant 112 : index
        %swap3A_313 = tpu.vector_load %arg13[%swap3A_311, %swap3A_312] {strides = array<i32>} : memref<80x240xf32, #tpu.memory_space<vmem>>, vector<1x16xf32>,
        %swap3A_314 = vector.shape_cast %swap3A_313 : vector<1x16xf32> to vector<16xf32>
        %swap3A_315 = vector.shape_cast %mul3A_310 : vector<16xf32> to vector<1x16xf32>
        tpu.vector_store %arg13[%swap3A_311, %swap3A_312], %swap3A_315 {add = true, strides = array<i32>} : memref<80x240xf32, #tpu.memory_space<vmem>>, vector<1x16xf32>,
        %get3A_316 = arith.index_cast %scan3A_219 : i32 to index
        %get3A_317 = arith.constant 128 : index
        %get3A_318 = tpu.vector_load %arg9[%get3A_316, %get3A_317] {strides = array<i32>} : memref<80x240xf32, #tpu.memory_space<vmem>>, vector<1x16xf32>,
        %get3A_319 = vector.shape_cast %get3A_318 : vector<1x16xf32> to vector<16xf32>
        %mul3A_320 = arith.mulf %get3A_319, %get3A_132 : vector<16xf32>
        %swap3A_321 = arith.index_cast %scan3A_219 : i32 to index
        %swap3A_322 = arith.constant 128 : index
        %swap3A_323 = tpu.vector_load %arg13[%swap3A_321, %swap3A_322] {strides = array<i32>} : memref<80x240xf32, #tpu.memory_space<vmem>>, vector<1x16xf32>,
        %swap3A_324 = vector.shape_cast %swap3A_323 : vector<1x16xf32> to vector<16xf32>
        %swap3A_325 = vector.shape_cast %mul3A_320 : vector<16xf32> to vector<1x16xf32>
        tpu.vector_store %arg13[%swap3A_321, %swap3A_322], %swap3A_325 {add = true, strides = array<i32>} : memref<80x240xf32, #tpu.memory_space<vmem>>, vector<1x16xf32>,
        %get3A_326 = arith.index_cast %scan3A_219 : i32 to index
        %get3A_327 = arith.constant 144 : index
        %get3A_328 = tpu.vector_load %arg9[%get3A_326, %get3A_327] {strides = array<i32>} : memref<80x240xf32, #tpu.memory_space<vmem>>, vector<1x16xf32>,
        %get3A_329 = vector.shape_cast %get3A_328 : vector<1x16xf32> to vector<16xf32>
        %mul3A_330 = arith.mulf %get3A_329, %get3A_135 : vector<16xf32>
        %swap3A_331 = arith.index_cast %scan3A_219 : i32 to index
        %swap3A_332 = arith.constant 144 : index
        %swap3A_333 = tpu.vector_load %arg13[%swap3A_331, %swap3A_332] {strides = array<i32>} : memref<80x240xf32, #tpu.memory_space<vmem>>, vector<1x16xf32>,
        %swap3A_334 = vector.shape_cast %swap3A_333 : vector<1x16xf32> to vector<16xf32>
        %swap3A_335 = vector.shape_cast %mul3A_330 : vector<16xf32> to vector<1x16xf32>
        tpu.vector_store %arg13[%swap3A_331, %swap3A_332], %swap3A_335 {add = true, strides = array<i32>} : memref<80x240xf32, #tpu.memory_space<vmem>>, vector<1x16xf32>,
        %get3A_336 = arith.index_cast %scan3A_219 : i32 to index
        %get3A_337 = arith.constant 160 : index
        %get3A_338 = tpu.vector_load %arg9[%get3A_336, %get3A_337] {strides = array<i32>} : memref<80x240xf32, #tpu.memory_space<vmem>>, vector<1x16xf32>,
        %get3A_339 = vector.shape_cast %get3A_338 : vector<1x16xf32> to vector<16xf32>
        %mul3A_340 = arith.mulf %get3A_339, %get3A_138 : vector<16xf32>
        %swap3A_341 = arith.index_cast %scan3A_219 : i32 to index
        %swap3A_342 = arith.constant 160 : index
        %swap3A_343 = tpu.vector_load %arg13[%swap3A_341, %swap3A_342] {strides = array<i32>} : memref<80x240xf32, #tpu.memory_space<vmem>>, vector<1x16xf32>,
        %swap3A_344 = vector.shape_cast %swap3A_343 : vector<1x16xf32> to vector<16xf32>
        %swap3A_345 = vector.shape_cast %mul3A_340 : vector<16xf32> to vector<1x16xf32>
        tpu.vector_store %arg13[%swap3A_341, %swap3A_342], %swap3A_345 {add = true, strides = array<i32>} : memref<80x240xf32, #tpu.memory_space<vmem>>, vector<1x16xf32>,
        %get3A_346 = arith.index_cast %scan3A_219 : i32 to index
        %get3A_347 = arith.constant 176 : index
        %get3A_348 = tpu.vector_load %arg9[%get3A_346, %get3A_347] {strides = array<i32>} : memref<80x240xf32, #tpu.memory_space<vmem>>, vector<1x16xf32>,
        %get3A_349 = vector.shape_cast %get3A_348 : vector<1x16xf32> to vector<16xf32>
        %mul3A_350 = arith.mulf %get3A_349, %get3A_141 : vector<16xf32>
        %swap3A_351 = arith.index_cast %scan3A_219 : i32 to index
        %swap3A_352 = arith.constant 176 : index
        %swap3A_353 = tpu.vector_load %arg13[%swap3A_351, %swap3A_352] {strides = array<i32>} : memref<80x240xf32, #tpu.memory_space<vmem>>, vector<1x16xf32>,
        %swap3A_354 = vector.shape_cast %swap3A_353 : vector<1x16xf32> to vector<16xf32>
        %swap3A_355 = vector.shape_cast %mul3A_350 : vector<16xf32> to vector<1x16xf32>
        tpu.vector_store %arg13[%swap3A_351, %swap3A_352], %swap3A_355 {add = true, strides = array<i32>} : memref<80x240xf32, #tpu.memory_space<vmem>>, vector<1x16xf32>,
        %get3A_356 = arith.index_cast %scan3A_219 : i32 to index
        %get3A_357 = arith.constant 192 : index
        %get3A_358 = tpu.vector_load %arg9[%get3A_356, %get3A_357] {strides = array<i32>} : memref<80x240xf32, #tpu.memory_space<vmem>>, vector<1x16xf32>,
        %get3A_359 = vector.shape_cast %get3A_358 : vector<1x16xf32> to vector<16xf32>
        %mul3A_360 = arith.mulf %get3A_359, %get3A_144 : vector<16xf32>
        %swap3A_361 = arith.index_cast %scan3A_219 : i32 to index
        %swap3A_362 = arith.constant 192 : index
        %swap3A_363 = tpu.vector_load %arg13[%swap3A_361, %swap3A_362] {strides = array<i32>} : memref<80x240xf32, #tpu.memory_space<vmem>>, vector<1x16xf32>,
        %swap3A_364 = vector.shape_cast %swap3A_363 : vector<1x16xf32> to vector<16xf32>
        %swap3A_365 = vector.shape_cast %mul3A_360 : vector<16xf32> to vector<1x16xf32>
        tpu.vector_store %arg13[%swap3A_361, %swap3A_362], %swap3A_365 {add = true, strides = array<i32>} : memref<80x240xf32, #tpu.memory_space<vmem>>, vector<1x16xf32>,
        %get3A_366 = arith.index_cast %scan3A_219 : i32 to index
        %get3A_367 = arith.constant 208 : index
        %get3A_368 = tpu.vector_load %arg9[%get3A_366, %get3A_367] {strides = array<i32>} : memref<80x240xf32, #tpu.memory_space<vmem>>, vector<1x16xf32>,
        %get3A_369 = vector.shape_cast %get3A_368 : vector<1x16xf32> to vector<16xf32>
        %mul3A_370 = arith.mulf %get3A_369, %get3A_147 : vector<16xf32>
        %swap3A_371 = arith.index_cast %scan3A_219 : i32 to index
        %swap3A_372 = arith.constant 208 : index
        %swap3A_373 = tpu.vector_load %arg13[%swap3A_371, %swap3A_372] {strides = array<i32>} : memref<80x240xf32, #tpu.memory_space<vmem>>, vector<1x16xf32>,
        %swap3A_374 = vector.shape_cast %swap3A_373 : vector<1x16xf32> to vector<16xf32>
        %swap3A_375 = vector.shape_cast %mul3A_370 : vector<16xf32> to vector<1x16xf32>
        tpu.vector_store %arg13[%swap3A_371, %swap3A_372], %swap3A_375 {add = true, strides = array<i32>} : memref<80x240xf32, #tpu.memory_space<vmem>>, vector<1x16xf32>,
        %get3A_376 = arith.index_cast %scan3A_219 : i32 to index
        %get3A_377 = arith.constant 224 : index
        %get3A_378 = tpu.vector_load %arg9[%get3A_376, %get3A_377] {strides = array<i32>} : memref<80x240xf32, #tpu.memory_space<vmem>>, vector<1x16xf32>,
        %get3A_379 = vector.shape_cast %get3A_378 : vector<1x16xf32> to vector<16xf32>
        %mul3A_380 = arith.mulf %get3A_379, %get3A_150 : vector<16xf32>
        %swap3A_381 = arith.index_cast %scan3A_219 : i32 to index
        %swap3A_382 = arith.constant 224 : index
        %swap3A_383 = tpu.vector_load %arg13[%swap3A_381, %swap3A_382] {strides = array<i32>} : memref<80x240xf32, #tpu.memory_space<vmem>>, vector<1x16xf32>,
        %swap3A_384 = vector.shape_cast %swap3A_383 : vector<1x16xf32> to vector<16xf32>
        %swap3A_385 = vector.shape_cast %mul3A_380 : vector<16xf32> to vector<1x16xf32>
        tpu.vector_store %arg13[%swap3A_381, %swap3A_382], %swap3A_385 {add = true, strides = array<i32>} : memref<80x240xf32, #tpu.memory_space<vmem>>, vector<1x16xf32>,
        %scan3A_386 = arith.constant 0 : i32
        scf.yield %scan3A_386 : i32
      }
      %scan3A_195 = arith.constant 80 : i32
      %mul3A_196 = arith.constant 80 : i32
      %mul3A_197 = arith.muli %mul3A_168, %mul3A_196 : i32
      %add3A_198 = arith.addi %mul3A_2, %mul3A_197 : i32
      %dma_start3A_199 = arith.constant 0 : i32
      %dma_start3A_200 = tpu.memref_slice %arg8[%add3A_198, %dma_start3A_199] : memref<320000x240xf32, #tpu.memory_space<hbm>> -> memref<80x240xf32, #tpu.memory_space<hbm>>
      %dma_start3A_201 = arith.constant 0 : i32
      %dma_start3A_202 = tpu.memref_slice %arg8[%add3A_198, %dma_start3A_201] : memref<320000x240xf32, #tpu.memory_space<hbm>> -> memref<80x240xf32, #tpu.memory_space<hbm>>
      tpu.enqueue_dma source(%arg13 : memref<80x240xf32, #tpu.memory_space<vmem>>) target(%dma_start3A_202 : memref<80x240xf32, #tpu.memory_space<hbm>>) target_semaphore(%arg26 : memref<!tpu.dma_semaphore, #tpu.memory_space<semaphore_mem>>)
      %add3A_203 = arith.constant 2 : i32
      %add3A_204 = arith.addi %mul3A_168, %add3A_203 : i32
      %lt3A = arith.constant 125 : i32
      %lt3A_205 = arith.cmpi slt, %add3A_204, %lt3A : i32
      %convert_element_type3A_206 = arith.extui %lt3A_205 : i1 to i32
      %cond3A_207 = arith.constant 0 : i32
      %cond3A_208 = arith.cmpi ne, %convert_element_type3A_206, %cond3A_207 : i32
      scf.if %cond3A_208 {
        %add3A_219 = arith.constant 2 : i32
        %add3A_220 = arith.addi %mul3A_168, %add3A_219 : i32
        %mul3A_221 = arith.constant 80 : i32
        %mul3A_222 = arith.muli %add3A_220, %mul3A_221 : i32
        %add3A_223 = arith.addi %mul3A_2, %mul3A_222 : i32
        %dma_start3A_224 = arith.constant 0 : i32
        %dma_start3A_225 = tpu.memref_slice %arg2[%add3A_223, %dma_start3A_224] : memref<320000x240xf32, #tpu.memory_space<hbm>> -> memref<80x240xf32, #tpu.memory_space<hbm>>
        %dma_start3A_226 = arith.constant 0 : i32
        %dma_start3A_227 = tpu.memref_slice %arg2[%add3A_223, %dma_start3A_226] : memref<320000x240xf32, #tpu.memory_space<hbm>> -> memref<80x240xf32, #tpu.memory_space<hbm>>
        tpu.enqueue_dma source(%dma_start3A_227 : memref<80x240xf32, #tpu.memory_space<hbm>>) target(%arg9 : memref<80x240xf32, #tpu.memory_space<vmem>>) target_semaphore(%arg22 : memref<!tpu.dma_semaphore, #tpu.memory_space<semaphore_mem>>)
        %dma_start3A_228 = tpu.memref_slice %arg3[%add3A_223] : memref<320000xi32, #tpu.memory_space<hbm>> -> memref<80xi32, #tpu.memory_space<hbm>>
        %dma_start3A_229 = tpu.memref_slice %arg3[%add3A_223] : memref<320000xi32, #tpu.memory_space<hbm>> -> memref<80xi32, #tpu.memory_space<hbm>>
        tpu.enqueue_dma source(%dma_start3A_229 : memref<80xi32, #tpu.memory_space<hbm>>) target(%arg17 : memref<80xi32, #tpu.memory_space<vmem>>) target_semaphore(%arg22 : memref<!tpu.dma_semaphore, #tpu.memory_space<semaphore_mem>>)
      } else {
      }
      %mul3A_209 = arith.constant 2 : i32
      %mul3A_210 = arith.muli %mul3A_209, %scan3A_165 : i32
      %add3A_211 = arith.constant 1 : i32
      %add3A_212 = arith.addi %mul3A_210, %add3A_211 : i32
      %lt3A_213 = arith.constant 125 : i32
      %lt3A_214 = arith.cmpi slt, %add3A_212, %lt3A_213 : i32
      %convert_element_type3A_215 = arith.extui %lt3A_214 : i1 to i32
      %cond3A_216 = arith.constant 0 : i32
      %cond3A_217 = arith.cmpi ne, %convert_element_type3A_215, %cond3A_216 : i32
      scf.if %cond3A_217 {
        %mul3A_219 = arith.constant 2 : i32
        %mul3A_220 = arith.muli %mul3A_219, %scan3A_165 : i32
        %add3A_221 = arith.constant 1 : i32
        %add3A_222 = arith.addi %mul3A_220, %add3A_221 : i32
        %dma_wait3A_223 = arith.constant 0 : i32
        %dma_wait3A_224 = tpu.memref_slice %arg2[%mul3A_2, %dma_wait3A_223] : memref<320000x240xf32, #tpu.memory_space<hbm>> -> memref<80x240xf32, #tpu.memory_space<hbm>>
        %dma_wait3A_225 = arith.constant 0 : i32
        %dma_wait3A_226 = tpu.memref_slice %arg2[%mul3A_2, %dma_wait3A_225] : memref<320000x240xf32, #tpu.memory_space<hbm>> -> memref<80x240xf32, #tpu.memory_space<hbm>>
        tpu.wait_dma2 semaphore(%arg23 : memref<!tpu.dma_semaphore, #tpu.memory_space<semaphore_mem>>) src(%dma_wait3A_226 : memref<80x240xf32, #tpu.memory_space<hbm>>) dst(%arg10 : memref<80x240xf32, #tpu.memory_space<vmem>>)
        %dma_wait3A_227 = tpu.memref_slice %arg3[%mul3A_2] : memref<320000xi32, #tpu.memory_space<hbm>> -> memref<80xi32, #tpu.memory_space<hbm>>
        %dma_wait3A_228 = tpu.memref_slice %arg3[%mul3A_2] : memref<320000xi32, #tpu.memory_space<hbm>> -> memref<80xi32, #tpu.memory_space<hbm>>
        tpu.wait_dma2 semaphore(%arg23 : memref<!tpu.dma_semaphore, #tpu.memory_space<semaphore_mem>>) src(%dma_wait3A_228 : memref<80xi32, #tpu.memory_space<hbm>>) dst(%arg18 : memref<80xi32, #tpu.memory_space<vmem>>)
        %ge3A_229 = arith.constant 2 : i32
        %ge3A_230 = arith.cmpi sge, %add3A_222, %ge3A_229 : i32
        %convert_element_type3A_231 = arith.extui %ge3A_230 : i1 to i32
        %cond3A_232 = arith.constant 0 : i32
        %cond3A_233 = arith.cmpi ne, %convert_element_type3A_231, %cond3A_232 : i32
        scf.if %cond3A_233 {
          %dma_wait3A_267 = arith.constant 0 : i32
          %dma_wait3A_268 = tpu.memref_slice %arg8[%mul3A_2, %dma_wait3A_267] : memref<320000x240xf32, #tpu.memory_space<hbm>> -> memref<80x240xf32, #tpu.memory_space<hbm>>
          %dma_wait3A_269 = arith.constant 0 : i32
          %dma_wait3A_270 = tpu.memref_slice %arg8[%mul3A_2, %dma_wait3A_269] : memref<320000x240xf32, #tpu.memory_space<hbm>> -> memref<80x240xf32, #tpu.memory_space<hbm>>
          tpu.wait_dma2 semaphore(%arg27 : memref<!tpu.dma_semaphore, #tpu.memory_space<semaphore_mem>>) src(%arg14 : memref<80x240xf32, #tpu.memory_space<vmem>>) dst(%dma_wait3A_270 : memref<80x240xf32, #tpu.memory_space<hbm>>)
        } else {
        }
        %dma_start3A_234 = arith.constant 0 : i32
        %dma_start3A_235 = arith.constant 0 : i32
        %dma_start3A_236 = tpu.memref_slice %arg29[%dma_start3A_234, %dma_start3A_235] : memref<512x240xf32, #tpu.memory_space<vmem_shared>> -> memref<512x240xf32, #tpu.memory_space<vmem_shared>>
        tpu.enqueue_indirect_dma source(%dma_start3A_236 : memref<512x240xf32, #tpu.memory_space<vmem_shared>>) target(%arg14 : memref<80x240xf32, #tpu.memory_space<vmem>>) offsets(%arg18 : memref<80xi32, #tpu.memory_space<vmem>>) semaphore(%arg25 : memref<!tpu.dma_semaphore, #tpu.memory_space<semaphore_mem>>)
        %dma_start3A_237 = arith.constant 0 : i32
        %dma_start3A_238 = arith.constant 0 : i32
        %dma_start3A_239 = tpu.memref_slice %arg28[%dma_start3A_237, %dma_start3A_238] : memref<512x64xf32, #tpu.memory_space<vmem_shared>> -> memref<512x64xf32, #tpu.memory_space<vmem_shared>>
        tpu.enqueue_indirect_dma source(%dma_start3A_239 : memref<512x64xf32, #tpu.memory_space<vmem_shared>>) target(%arg16 : memref<80x64xf32, #tpu.memory_space<vmem>>) offsets(%arg18 : memref<80xi32, #tpu.memory_space<vmem>>) semaphore(%arg25 : memref<!tpu.dma_semaphore, #tpu.memory_space<semaphore_mem>>)
        %dma_wait3A_240 = arith.constant 0 : i32
        %dma_wait3A_241 = arith.constant 0 : i32
        %dma_wait3A_242 = tpu.memref_slice %arg29[%dma_wait3A_240, %dma_wait3A_241] : memref<512x240xf32, #tpu.memory_space<vmem_shared>> -> memref<512x240xf32, #tpu.memory_space<vmem_shared>>
        tpu.wait_indirect_dma semaphore(%arg25 : memref<!tpu.dma_semaphore, #tpu.memory_space<semaphore_mem>>) src(%dma_wait3A_242 : memref<512x240xf32, #tpu.memory_space<vmem_shared>>) dst(%arg14 : memref<80x240xf32, #tpu.memory_space<vmem>>)
        %dma_wait3A_243 = arith.constant 0 : i32
        %dma_wait3A_244 = arith.constant 0 : i32
        %dma_wait3A_245 = tpu.memref_slice %arg28[%dma_wait3A_243, %dma_wait3A_244] : memref<512x64xf32, #tpu.memory_space<vmem_shared>> -> memref<512x64xf32, #tpu.memory_space<vmem_shared>>
        tpu.wait_indirect_dma semaphore(%arg25 : memref<!tpu.dma_semaphore, #tpu.memory_space<semaphore_mem>>) src(%dma_wait3A_245 : memref<512x64xf32, #tpu.memory_space<vmem_shared>>) dst(%arg16 : memref<80x64xf32, #tpu.memory_space<vmem>>)
        %scan3A_246 = arith.constant 0 : i32
        %scan3A_247 = arith.constant 0 : i32
        %scan3A_248 = arith.constant 80 : i32
        %scan3A_249 = arith.addi %scan3A_247, %scan3A_248 : i32
        %scan3A_250 = arith.constant 1 : i32
        %scan3A_251 = scf.for %scan3A_267 = %scan3A_247 to %scan3A_249 step %scan3A_250 iter_args(%scan3A_268 = %scan3A_246) -> (i32)  : i32 {
          %get3A_269 = arith.index_cast %scan3A_267 : i32 to index
          %get3A_270 = arith.constant 0 : index
          %get3A_271 = tpu.vector_load %arg10[%get3A_269, %get3A_270] {strides = array<i32>} : memref<80x240xf32, #tpu.memory_space<vmem>>, vector<1x16xf32>,
          %get3A_272 = vector.shape_cast %get3A_271 : vector<1x16xf32> to vector<16xf32>
          %get3A_273 = arith.index_cast %scan3A_267 : i32 to index
          %get3A_274 = arith.constant 0 : index
          %get3A_275 = tpu.vector_load %arg16[%get3A_273, %get3A_274] {strides = array<i32>} : memref<80x64xf32, #tpu.memory_space<vmem>>, vector<1x16xf32>,
          %get3A_276 = vector.shape_cast %get3A_275 : vector<1x16xf32> to vector<16xf32>
          %mul3A_277 = arith.mulf %get3A_272, %get3A_276 : vector<16xf32>
          %swap3A = arith.index_cast %scan3A_267 : i32 to index
          %swap3A_278 = arith.constant 0 : index
          %swap3A_279 = tpu.vector_load %arg14[%swap3A, %swap3A_278] {strides = array<i32>} : memref<80x240xf32, #tpu.memory_space<vmem>>, vector<1x16xf32>,
          %swap3A_280 = vector.shape_cast %swap3A_279 : vector<1x16xf32> to vector<16xf32>
          %swap3A_281 = vector.shape_cast %mul3A_277 : vector<16xf32> to vector<1x16xf32>
          tpu.vector_store %arg14[%swap3A, %swap3A_278], %swap3A_281 {add = true, strides = array<i32>} : memref<80x240xf32, #tpu.memory_space<vmem>>, vector<1x16xf32>,
          %get3A_282 = arith.index_cast %scan3A_267 : i32 to index
          %get3A_283 = arith.constant 16 : index
          %get3A_284 = tpu.vector_load %arg10[%get3A_282, %get3A_283] {strides = array<i32>} : memref<80x240xf32, #tpu.memory_space<vmem>>, vector<1x16xf32>,
          %get3A_285 = vector.shape_cast %get3A_284 : vector<1x16xf32> to vector<16xf32>
          %get3A_286 = arith.index_cast %scan3A_267 : i32 to index
          %get3A_287 = arith.constant 16 : index
          %get3A_288 = tpu.vector_load %arg16[%get3A_286, %get3A_287] {strides = array<i32>} : memref<80x64xf32, #tpu.memory_space<vmem>>, vector<1x16xf32>,
          %get3A_289 = vector.shape_cast %get3A_288 : vector<1x16xf32> to vector<16xf32>
          %mul3A_290 = arith.mulf %get3A_285, %get3A_289 : vector<16xf32>
          %swap3A_291 = arith.index_cast %scan3A_267 : i32 to index
          %swap3A_292 = arith.constant 16 : index
          %swap3A_293 = tpu.vector_load %arg14[%swap3A_291, %swap3A_292] {strides = array<i32>} : memref<80x240xf32, #tpu.memory_space<vmem>>, vector<1x16xf32>,
          %swap3A_294 = vector.shape_cast %swap3A_293 : vector<1x16xf32> to vector<16xf32>
          %swap3A_295 = vector.shape_cast %mul3A_290 : vector<16xf32> to vector<1x16xf32>
          tpu.vector_store %arg14[%swap3A_291, %swap3A_292], %swap3A_295 {add = true, strides = array<i32>} : memref<80x240xf32, #tpu.memory_space<vmem>>, vector<1x16xf32>,
          %get3A_296 = arith.index_cast %scan3A_267 : i32 to index
          %get3A_297 = arith.constant 32 : index
          %get3A_298 = tpu.vector_load %arg10[%get3A_296, %get3A_297] {strides = array<i32>} : memref<80x240xf32, #tpu.memory_space<vmem>>, vector<1x16xf32>,
          %get3A_299 = vector.shape_cast %get3A_298 : vector<1x16xf32> to vector<16xf32>
          %get3A_300 = arith.index_cast %scan3A_267 : i32 to index
          %get3A_301 = arith.constant 32 : index
          %get3A_302 = tpu.vector_load %arg16[%get3A_300, %get3A_301] {strides = array<i32>} : memref<80x64xf32, #tpu.memory_space<vmem>>, vector<1x16xf32>,
          %get3A_303 = vector.shape_cast %get3A_302 : vector<1x16xf32> to vector<16xf32>
          %mul3A_304 = arith.mulf %get3A_299, %get3A_303 : vector<16xf32>
          %swap3A_305 = arith.index_cast %scan3A_267 : i32 to index
          %swap3A_306 = arith.constant 32 : index
          %swap3A_307 = tpu.vector_load %arg14[%swap3A_305, %swap3A_306] {strides = array<i32>} : memref<80x240xf32, #tpu.memory_space<vmem>>, vector<1x16xf32>,
          %swap3A_308 = vector.shape_cast %swap3A_307 : vector<1x16xf32> to vector<16xf32>
          %swap3A_309 = vector.shape_cast %mul3A_304 : vector<16xf32> to vector<1x16xf32>
          tpu.vector_store %arg14[%swap3A_305, %swap3A_306], %swap3A_309 {add = true, strides = array<i32>} : memref<80x240xf32, #tpu.memory_space<vmem>>, vector<1x16xf32>,
          %get3A_310 = arith.index_cast %scan3A_267 : i32 to index
          %get3A_311 = arith.constant 48 : index
          %get3A_312 = tpu.vector_load %arg10[%get3A_310, %get3A_311] {strides = array<i32>} : memref<80x240xf32, #tpu.memory_space<vmem>>, vector<1x16xf32>,
          %get3A_313 = vector.shape_cast %get3A_312 : vector<1x16xf32> to vector<16xf32>
          %get3A_314 = arith.index_cast %scan3A_267 : i32 to index
          %get3A_315 = arith.constant 48 : index
          %get3A_316 = tpu.vector_load %arg16[%get3A_314, %get3A_315] {strides = array<i32>} : memref<80x64xf32, #tpu.memory_space<vmem>>, vector<1x16xf32>,
          %get3A_317 = vector.shape_cast %get3A_316 : vector<1x16xf32> to vector<16xf32>
          %mul3A_318 = arith.mulf %get3A_313, %get3A_317 : vector<16xf32>
          %swap3A_319 = arith.index_cast %scan3A_267 : i32 to index
          %swap3A_320 = arith.constant 48 : index
          %swap3A_321 = tpu.vector_load %arg14[%swap3A_319, %swap3A_320] {strides = array<i32>} : memref<80x240xf32, #tpu.memory_space<vmem>>, vector<1x16xf32>,
          %swap3A_322 = vector.shape_cast %swap3A_321 : vector<1x16xf32> to vector<16xf32>
          %swap3A_323 = vector.shape_cast %mul3A_318 : vector<16xf32> to vector<1x16xf32>
          tpu.vector_store %arg14[%swap3A_319, %swap3A_320], %swap3A_323 {add = true, strides = array<i32>} : memref<80x240xf32, #tpu.memory_space<vmem>>, vector<1x16xf32>,
          %get3A_324 = arith.index_cast %scan3A_267 : i32 to index
          %get3A_325 = arith.constant 64 : index
          %get3A_326 = tpu.vector_load %arg10[%get3A_324, %get3A_325] {strides = array<i32>} : memref<80x240xf32, #tpu.memory_space<vmem>>, vector<1x16xf32>,
          %get3A_327 = vector.shape_cast %get3A_326 : vector<1x16xf32> to vector<16xf32>
          %mul3A_328 = arith.mulf %get3A_327, %get3A_120 : vector<16xf32>
          %swap3A_329 = arith.index_cast %scan3A_267 : i32 to index
          %swap3A_330 = arith.constant 64 : index
          %swap3A_331 = tpu.vector_load %arg14[%swap3A_329, %swap3A_330] {strides = array<i32>} : memref<80x240xf32, #tpu.memory_space<vmem>>, vector<1x16xf32>,
          %swap3A_332 = vector.shape_cast %swap3A_331 : vector<1x16xf32> to vector<16xf32>
          %swap3A_333 = vector.shape_cast %mul3A_328 : vector<16xf32> to vector<1x16xf32>
          tpu.vector_store %arg14[%swap3A_329, %swap3A_330], %swap3A_333 {add = true, strides = array<i32>} : memref<80x240xf32, #tpu.memory_space<vmem>>, vector<1x16xf32>,
          %get3A_334 = arith.index_cast %scan3A_267 : i32 to index
          %get3A_335 = arith.constant 80 : index
          %get3A_336 = tpu.vector_load %arg10[%get3A_334, %get3A_335] {strides = array<i32>} : memref<80x240xf32, #tpu.memory_space<vmem>>, vector<1x16xf32>,
          %get3A_337 = vector.shape_cast %get3A_336 : vector<1x16xf32> to vector<16xf32>
          %mul3A_338 = arith.mulf %get3A_337, %get3A_123 : vector<16xf32>
          %swap3A_339 = arith.index_cast %scan3A_267 : i32 to index
          %swap3A_340 = arith.constant 80 : index
          %swap3A_341 = tpu.vector_load %arg14[%swap3A_339, %swap3A_340] {strides = array<i32>} : memref<80x240xf32, #tpu.memory_space<vmem>>, vector<1x16xf32>,
          %swap3A_342 = vector.shape_cast %swap3A_341 : vector<1x16xf32> to vector<16xf32>
          %swap3A_343 = vector.shape_cast %mul3A_338 : vector<16xf32> to vector<1x16xf32>
          tpu.vector_store %arg14[%swap3A_339, %swap3A_340], %swap3A_343 {add = true, strides = array<i32>} : memref<80x240xf32, #tpu.memory_space<vmem>>, vector<1x16xf32>,
          %get3A_344 = arith.index_cast %scan3A_267 : i32 to index
          %get3A_345 = arith.constant 96 : index
          %get3A_346 = tpu.vector_load %arg10[%get3A_344, %get3A_345] {strides = array<i32>} : memref<80x240xf32, #tpu.memory_space<vmem>>, vector<1x16xf32>,
          %get3A_347 = vector.shape_cast %get3A_346 : vector<1x16xf32> to vector<16xf32>
          %mul3A_348 = arith.mulf %get3A_347, %get3A_126 : vector<16xf32>
          %swap3A_349 = arith.index_cast %scan3A_267 : i32 to index
          %swap3A_350 = arith.constant 96 : index
          %swap3A_351 = tpu.vector_load %arg14[%swap3A_349, %swap3A_350] {strides = array<i32>} : memref<80x240xf32, #tpu.memory_space<vmem>>, vector<1x16xf32>,
          %swap3A_352 = vector.shape_cast %swap3A_351 : vector<1x16xf32> to vector<16xf32>
          %swap3A_353 = vector.shape_cast %mul3A_348 : vector<16xf32> to vector<1x16xf32>
          tpu.vector_store %arg14[%swap3A_349, %swap3A_350], %swap3A_353 {add = true, strides = array<i32>} : memref<80x240xf32, #tpu.memory_space<vmem>>, vector<1x16xf32>,
          %get3A_354 = arith.index_cast %scan3A_267 : i32 to index
          %get3A_355 = arith.constant 112 : index
          %get3A_356 = tpu.vector_load %arg10[%get3A_354, %get3A_355] {strides = array<i32>} : memref<80x240xf32, #tpu.memory_space<vmem>>, vector<1x16xf32>,
          %get3A_357 = vector.shape_cast %get3A_356 : vector<1x16xf32> to vector<16xf32>
          %mul3A_358 = arith.mulf %get3A_357, %get3A_129 : vector<16xf32>
          %swap3A_359 = arith.index_cast %scan3A_267 : i32 to index
          %swap3A_360 = arith.constant 112 : index
          %swap3A_361 = tpu.vector_load %arg14[%swap3A_359, %swap3A_360] {strides = array<i32>} : memref<80x240xf32, #tpu.memory_space<vmem>>, vector<1x16xf32>,
          %swap3A_362 = vector.shape_cast %swap3A_361 : vector<1x16xf32> to vector<16xf32>
          %swap3A_363 = vector.shape_cast %mul3A_358 : vector<16xf32> to vector<1x16xf32>
          tpu.vector_store %arg14[%swap3A_359, %swap3A_360], %swap3A_363 {add = true, strides = array<i32>} : memref<80x240xf32, #tpu.memory_space<vmem>>, vector<1x16xf32>,
          %get3A_364 = arith.index_cast %scan3A_267 : i32 to index
          %get3A_365 = arith.constant 128 : index
          %get3A_366 = tpu.vector_load %arg10[%get3A_364, %get3A_365] {strides = array<i32>} : memref<80x240xf32, #tpu.memory_space<vmem>>, vector<1x16xf32>,
          %get3A_367 = vector.shape_cast %get3A_366 : vector<1x16xf32> to vector<16xf32>
          %mul3A_368 = arith.mulf %get3A_367, %get3A_132 : vector<16xf32>
          %swap3A_369 = arith.index_cast %scan3A_267 : i32 to index
          %swap3A_370 = arith.constant 128 : index
          %swap3A_371 = tpu.vector_load %arg14[%swap3A_369, %swap3A_370] {strides = array<i32>} : memref<80x240xf32, #tpu.memory_space<vmem>>, vector<1x16xf32>,
          %swap3A_372 = vector.shape_cast %swap3A_371 : vector<1x16xf32> to vector<16xf32>
          %swap3A_373 = vector.shape_cast %mul3A_368 : vector<16xf32> to vector<1x16xf32>
          tpu.vector_store %arg14[%swap3A_369, %swap3A_370], %swap3A_373 {add = true, strides = array<i32>} : memref<80x240xf32, #tpu.memory_space<vmem>>, vector<1x16xf32>,
          %get3A_374 = arith.index_cast %scan3A_267 : i32 to index
          %get3A_375 = arith.constant 144 : index
          %get3A_376 = tpu.vector_load %arg10[%get3A_374, %get3A_375] {strides = array<i32>} : memref<80x240xf32, #tpu.memory_space<vmem>>, vector<1x16xf32>,
          %get3A_377 = vector.shape_cast %get3A_376 : vector<1x16xf32> to vector<16xf32>
          %mul3A_378 = arith.mulf %get3A_377, %get3A_135 : vector<16xf32>
          %swap3A_379 = arith.index_cast %scan3A_267 : i32 to index
          %swap3A_380 = arith.constant 144 : index
          %swap3A_381 = tpu.vector_load %arg14[%swap3A_379, %swap3A_380] {strides = array<i32>} : memref<80x240xf32, #tpu.memory_space<vmem>>, vector<1x16xf32>,
          %swap3A_382 = vector.shape_cast %swap3A_381 : vector<1x16xf32> to vector<16xf32>
          %swap3A_383 = vector.shape_cast %mul3A_378 : vector<16xf32> to vector<1x16xf32>
          tpu.vector_store %arg14[%swap3A_379, %swap3A_380], %swap3A_383 {add = true, strides = array<i32>} : memref<80x240xf32, #tpu.memory_space<vmem>>, vector<1x16xf32>,
          %get3A_384 = arith.index_cast %scan3A_267 : i32 to index
          %get3A_385 = arith.constant 160 : index
          %get3A_386 = tpu.vector_load %arg10[%get3A_384, %get3A_385] {strides = array<i32>} : memref<80x240xf32, #tpu.memory_space<vmem>>, vector<1x16xf32>,
          %get3A_387 = vector.shape_cast %get3A_386 : vector<1x16xf32> to vector<16xf32>
          %mul3A_388 = arith.mulf %get3A_387, %get3A_138 : vector<16xf32>
          %swap3A_389 = arith.index_cast %scan3A_267 : i32 to index
          %swap3A_390 = arith.constant 160 : index
          %swap3A_391 = tpu.vector_load %arg14[%swap3A_389, %swap3A_390] {strides = array<i32>} : memref<80x240xf32, #tpu.memory_space<vmem>>, vector<1x16xf32>,
          %swap3A_392 = vector.shape_cast %swap3A_391 : vector<1x16xf32> to vector<16xf32>
          %swap3A_393 = vector.shape_cast %mul3A_388 : vector<16xf32> to vector<1x16xf32>
          tpu.vector_store %arg14[%swap3A_389, %swap3A_390], %swap3A_393 {add = true, strides = array<i32>} : memref<80x240xf32, #tpu.memory_space<vmem>>, vector<1x16xf32>,
          %get3A_394 = arith.index_cast %scan3A_267 : i32 to index
          %get3A_395 = arith.constant 176 : index
          %get3A_396 = tpu.vector_load %arg10[%get3A_394, %get3A_395] {strides = array<i32>} : memref<80x240xf32, #tpu.memory_space<vmem>>, vector<1x16xf32>,
          %get3A_397 = vector.shape_cast %get3A_396 : vector<1x16xf32> to vector<16xf32>
          %mul3A_398 = arith.mulf %get3A_397, %get3A_141 : vector<16xf32>
          %swap3A_399 = arith.index_cast %scan3A_267 : i32 to index
          %swap3A_400 = arith.constant 176 : index
          %swap3A_401 = tpu.vector_load %arg14[%swap3A_399, %swap3A_400] {strides = array<i32>} : memref<80x240xf32, #tpu.memory_space<vmem>>, vector<1x16xf32>,
          %swap3A_402 = vector.shape_cast %swap3A_401 : vector<1x16xf32> to vector<16xf32>
          %swap3A_403 = vector.shape_cast %mul3A_398 : vector<16xf32> to vector<1x16xf32>
          tpu.vector_store %arg14[%swap3A_399, %swap3A_400], %swap3A_403 {add = true, strides = array<i32>} : memref<80x240xf32, #tpu.memory_space<vmem>>, vector<1x16xf32>,
          %get3A_404 = arith.index_cast %scan3A_267 : i32 to index
          %get3A_405 = arith.constant 192 : index
          %get3A_406 = tpu.vector_load %arg10[%get3A_404, %get3A_405] {strides = array<i32>} : memref<80x240xf32, #tpu.memory_space<vmem>>, vector<1x16xf32>,
          %get3A_407 = vector.shape_cast %get3A_406 : vector<1x16xf32> to vector<16xf32>
          %mul3A_408 = arith.mulf %get3A_407, %get3A_144 : vector<16xf32>
          %swap3A_409 = arith.index_cast %scan3A_267 : i32 to index
          %swap3A_410 = arith.constant 192 : index
          %swap3A_411 = tpu.vector_load %arg14[%swap3A_409, %swap3A_410] {strides = array<i32>} : memref<80x240xf32, #tpu.memory_space<vmem>>, vector<1x16xf32>,
          %swap3A_412 = vector.shape_cast %swap3A_411 : vector<1x16xf32> to vector<16xf32>
          %swap3A_413 = vector.shape_cast %mul3A_408 : vector<16xf32> to vector<1x16xf32>
          tpu.vector_store %arg14[%swap3A_409, %swap3A_410], %swap3A_413 {add = true, strides = array<i32>} : memref<80x240xf32, #tpu.memory_space<vmem>>, vector<1x16xf32>,
          %get3A_414 = arith.index_cast %scan3A_267 : i32 to index
          %get3A_415 = arith.constant 208 : index
          %get3A_416 = tpu.vector_load %arg10[%get3A_414, %get3A_415] {strides = array<i32>} : memref<80x240xf32, #tpu.memory_space<vmem>>, vector<1x16xf32>,
          %get3A_417 = vector.shape_cast %get3A_416 : vector<1x16xf32> to vector<16xf32>
          %mul3A_418 = arith.mulf %get3A_417, %get3A_147 : vector<16xf32>
          %swap3A_419 = arith.index_cast %scan3A_267 : i32 to index
          %swap3A_420 = arith.constant 208 : index
          %swap3A_421 = tpu.vector_load %arg14[%swap3A_419, %swap3A_420] {strides = array<i32>} : memref<80x240xf32, #tpu.memory_space<vmem>>, vector<1x16xf32>,
          %swap3A_422 = vector.shape_cast %swap3A_421 : vector<1x16xf32> to vector<16xf32>
          %swap3A_423 = vector.shape_cast %mul3A_418 : vector<16xf32> to vector<1x16xf32>
          tpu.vector_store %arg14[%swap3A_419, %swap3A_420], %swap3A_423 {add = true, strides = array<i32>} : memref<80x240xf32, #tpu.memory_space<vmem>>, vector<1x16xf32>,
          %get3A_424 = arith.index_cast %scan3A_267 : i32 to index
          %get3A_425 = arith.constant 224 : index
          %get3A_426 = tpu.vector_load %arg10[%get3A_424, %get3A_425] {strides = array<i32>} : memref<80x240xf32, #tpu.memory_space<vmem>>, vector<1x16xf32>,
          %get3A_427 = vector.shape_cast %get3A_426 : vector<1x16xf32> to vector<16xf32>
          %mul3A_428 = arith.mulf %get3A_427, %get3A_150 : vector<16xf32>
          %swap3A_429 = arith.index_cast %scan3A_267 : i32 to index
          %swap3A_430 = arith.constant 224 : index
          %swap3A_431 = tpu.vector_load %arg14[%swap3A_429, %swap3A_430] {strides = array<i32>} : memref<80x240xf32, #tpu.memory_space<vmem>>, vector<1x16xf32>,
          %swap3A_432 = vector.shape_cast %swap3A_431 : vector<1x16xf32> to vector<16xf32>
          %swap3A_433 = vector.shape_cast %mul3A_428 : vector<16xf32> to vector<1x16xf32>
          tpu.vector_store %arg14[%swap3A_429, %swap3A_430], %swap3A_433 {add = true, strides = array<i32>} : memref<80x240xf32, #tpu.memory_space<vmem>>, vector<1x16xf32>,
          %scan3A_434 = arith.constant 0 : i32
          scf.yield %scan3A_434 : i32
        }
        %scan3A_252 = arith.constant 80 : i32
        %mul3A_253 = arith.constant 80 : i32
        %mul3A_254 = arith.muli %add3A_222, %mul3A_253 : i32
        %add3A_255 = arith.addi %mul3A_2, %mul3A_254 : i32
        %dma_start3A_256 = arith.constant 0 : i32
        %dma_start3A_257 = tpu.memref_slice %arg8[%add3A_255, %dma_start3A_256] : memref<320000x240xf32, #tpu.memory_space<hbm>> -> memref<80x240xf32, #tpu.memory_space<hbm>>
        %dma_start3A_258 = arith.constant 0 : i32
        %dma_start3A_259 = tpu.memref_slice %arg8[%add3A_255, %dma_start3A_258] : memref<320000x240xf32, #tpu.memory_space<hbm>> -> memref<80x240xf32, #tpu.memory_space<hbm>>
        tpu.enqueue_dma source(%arg14 : memref<80x240xf32, #tpu.memory_space<vmem>>) target(%dma_start3A_259 : memref<80x240xf32, #tpu.memory_space<hbm>>) target_semaphore(%arg27 : memref<!tpu.dma_semaphore, #tpu.memory_space<semaphore_mem>>)
        %add3A_260 = arith.constant 2 : i32
        %add3A_261 = arith.addi %add3A_222, %add3A_260 : i32
        %lt3A_262 = arith.constant 125 : i32
        %lt3A_263 = arith.cmpi slt, %add3A_261, %lt3A_262 : i32
        %convert_element_type3A_264 = arith.extui %lt3A_263 : i1 to i32
        %cond3A_265 = arith.constant 0 : i32
        %cond3A_266 = arith.cmpi ne, %convert_element_type3A_264, %cond3A_265 : i32
        scf.if %cond3A_266 {
          %add3A_267 = arith.constant 2 : i32
          %add3A_268 = arith.addi %add3A_222, %add3A_267 : i32
          %mul3A_269 = arith.constant 80 : i32
          %mul3A_270 = arith.muli %add3A_268, %mul3A_269 : i32
          %add3A_271 = arith.addi %mul3A_2, %mul3A_270 : i32
          %dma_start3A_272 = arith.constant 0 : i32
          %dma_start3A_273 = tpu.memref_slice %arg2[%add3A_271, %dma_start3A_272] : memref<320000x240xf32, #tpu.memory_space<hbm>> -> memref<80x240xf32, #tpu.memory_space<hbm>>
          %dma_start3A_274 = arith.constant 0 : i32
          %dma_start3A_275 = tpu.memref_slice %arg2[%add3A_271, %dma_start3A_274] : memref<320000x240xf32, #tpu.memory_space<hbm>> -> memref<80x240xf32, #tpu.memory_space<hbm>>
          tpu.enqueue_dma source(%dma_start3A_275 : memref<80x240xf32, #tpu.memory_space<hbm>>) target(%arg10 : memref<80x240xf32, #tpu.memory_space<vmem>>) target_semaphore(%arg23 : memref<!tpu.dma_semaphore, #tpu.memory_space<semaphore_mem>>)
          %dma_start3A_276 = tpu.memref_slice %arg3[%add3A_271] : memref<320000xi32, #tpu.memory_space<hbm>> -> memref<80xi32, #tpu.memory_space<hbm>>
          %dma_start3A_277 = tpu.memref_slice %arg3[%add3A_271] : memref<320000xi32, #tpu.memory_space<hbm>> -> memref<80xi32, #tpu.memory_space<hbm>>
          tpu.enqueue_dma source(%dma_start3A_277 : memref<80xi32, #tpu.memory_space<hbm>>) target(%arg18 : memref<80xi32, #tpu.memory_space<vmem>>) target_semaphore(%arg23 : memref<!tpu.dma_semaphore, #tpu.memory_space<semaphore_mem>>)
        } else {
        }
      } else {
      }
      %scan3A_218 = arith.constant 0 : i32
      scf.yield %scan3A_218 : i32
    }
    %scan3A_157 = arith.constant 63 : i32
    %dma_wait3A = arith.constant 0 : i32
    %dma_wait3A_158 = tpu.memref_slice %arg8[%mul3A_2, %dma_wait3A] : memref<320000x240xf32, #tpu.memory_space<hbm>> -> memref<80x240xf32, #tpu.memory_space<hbm>>
    %dma_wait3A_159 = arith.constant 0 : i32
    %dma_wait3A_160 = tpu.memref_slice %arg8[%mul3A_2, %dma_wait3A_159] : memref<320000x240xf32, #tpu.memory_space<hbm>> -> memref<80x240xf32, #tpu.memory_space<hbm>>
    tpu.wait_dma2 semaphore(%arg26 : memref<!tpu.dma_semaphore, #tpu.memory_space<semaphore_mem>>) src(%arg13 : memref<80x240xf32, #tpu.memory_space<vmem>>) dst(%dma_wait3A_160 : memref<80x240xf32, #tpu.memory_space<hbm>>)
    %dma_wait3A_161 = arith.constant 0 : i32
    %dma_wait3A_162 = tpu.memref_slice %arg8[%mul3A_2, %dma_wait3A_161] : memref<320000x240xf32, #tpu.memory_space<hbm>> -> memref<80x240xf32, #tpu.memory_space<hbm>>
    %dma_wait3A_163 = arith.constant 0 : i32
    %dma_wait3A_164 = tpu.memref_slice %arg8[%mul3A_2, %dma_wait3A_163] : memref<320000x240xf32, #tpu.memory_space<hbm>> -> memref<80x240xf32, #tpu.memory_space<hbm>>
    tpu.wait_dma2 semaphore(%arg27 : memref<!tpu.dma_semaphore, #tpu.memory_space<semaphore_mem>>) src(%arg14 : memref<80x240xf32, #tpu.memory_space<vmem>>) dst(%dma_wait3A_164 : memref<80x240xf32, #tpu.memory_space<hbm>>)
    return
  }
}

#map = affine_map<(d0, d1) -> (0, 0)>
#map1 = affine_map<(d0, d1) -> (0)>
#map2 = affine_map<(d0, d1) -> (0, 0, 0)>
module attributes {stable_mosaic.version = 14 : i64} {
  func.func @_sc_phase1_body(%arg0: i32, %arg1: i32, %arg2: memref<320000x240xf32, #tpu.memory_space<hbm>>, %arg3: memref<320000xi32, #tpu.memory_space<hbm>>, %arg4: memref<512x240xf32, #tpu.memory_space<hbm>>, %arg5: memref<512x80xf32, #tpu.memory_space<hbm>>, %arg6: memref<2x512x240xf32, #tpu.memory_space<hbm>>, %arg7: memref<2x512x80xf32, #tpu.memory_space<hbm>>, %arg8: memref<80x240xf32, #tpu.memory_space<vmem>>, %arg9: memref<80x240xf32, #tpu.memory_space<vmem>>, %arg10: memref<80x80xf32, #tpu.memory_space<vmem>>, %arg11: memref<80x80xf32, #tpu.memory_space<vmem>>, %arg12: memref<80xi32, #tpu.memory_space<vmem>>, %arg13: memref<80xi32, #tpu.memory_space<vmem>>, %arg14: memref<!tpu.dma_semaphore, #tpu.memory_space<semaphore_mem>>, %arg15: memref<!tpu.dma_semaphore, #tpu.memory_space<semaphore_mem>>, %arg16: memref<!tpu.dma_semaphore, #tpu.memory_space<semaphore_mem>>, %arg17: memref<!tpu.dma_semaphore, #tpu.memory_space<semaphore_mem>>, %arg18: memref<512x240xf32, #tpu.memory_space<vmem_shared>>, %arg19: memref<512x80xf32, #tpu.memory_space<vmem_shared>>) attributes {dimension_semantics = [#tpu.dimension_semantics<core_parallel>, #tpu.dimension_semantics<subcore_parallel>], iteration_bounds = array<i64: 2, 16>, scalar_prefetch = 0 : i64, scratch_operands = 12 : i64, tpu.core_type = #tpu.core_type<sc_vector_subcore>, window_params = [{transform_indices = #map}, {transform_indices = #map1}, {transform_indices = #map}, {transform_indices = #map}, {transform_indices = #map2}, {transform_indices = #map2}]} {
    %mul3A = arith.constant 16 : i32
    %mul3A_0 = arith.muli %arg0, %mul3A : i32
    %add3A = arith.addi %mul3A_0, %arg1 : i32
    %mul3A_1 = arith.constant 10000 : i32
    %mul3A_2 = arith.muli %add3A, %mul3A_1 : i32
    %add3A_3 = arith.constant 0 : i32
    %add3A_4 = arith.addi %mul3A_2, %add3A_3 : i32
    %dma_start3A = arith.constant 0 : i32
    %dma_start3A_5 = tpu.memref_slice %arg2[%add3A_4, %dma_start3A] : memref<320000x240xf32, #tpu.memory_space<hbm>> -> memref<80x240xf32, #tpu.memory_space<hbm>>
    %dma_start3A_6 = arith.constant 0 : i32
    %dma_start3A_7 = tpu.memref_slice %arg2[%add3A_4, %dma_start3A_6] : memref<320000x240xf32, #tpu.memory_space<hbm>> -> memref<80x240xf32, #tpu.memory_space<hbm>>
    tpu.enqueue_dma source(%dma_start3A_7 : memref<80x240xf32, #tpu.memory_space<hbm>>) target(%arg8 : memref<80x240xf32, #tpu.memory_space<vmem>>) target_semaphore(%arg14 : memref<!tpu.dma_semaphore, #tpu.memory_space<semaphore_mem>>)
    %dma_start3A_8 = tpu.memref_slice %arg3[%add3A_4] : memref<320000xi32, #tpu.memory_space<hbm>> -> memref<80xi32, #tpu.memory_space<hbm>>
    %dma_start3A_9 = tpu.memref_slice %arg3[%add3A_4] : memref<320000xi32, #tpu.memory_space<hbm>> -> memref<80xi32, #tpu.memory_space<hbm>>
    tpu.enqueue_dma source(%dma_start3A_9 : memref<80xi32, #tpu.memory_space<hbm>>) target(%arg12 : memref<80xi32, #tpu.memory_space<vmem>>) target_semaphore(%arg14 : memref<!tpu.dma_semaphore, #tpu.memory_space<semaphore_mem>>)
    %add3A_10 = arith.constant 80 : i32
    %add3A_11 = arith.addi %mul3A_2, %add3A_10 : i32
    %dma_start3A_12 = arith.constant 0 : i32
    %dma_start3A_13 = tpu.memref_slice %arg2[%add3A_11, %dma_start3A_12] : memref<320000x240xf32, #tpu.memory_space<hbm>> -> memref<80x240xf32, #tpu.memory_space<hbm>>
    %dma_start3A_14 = arith.constant 0 : i32
    %dma_start3A_15 = tpu.memref_slice %arg2[%add3A_11, %dma_start3A_14] : memref<320000x240xf32, #tpu.memory_space<hbm>> -> memref<80x240xf32, #tpu.memory_space<hbm>>
    tpu.enqueue_dma source(%dma_start3A_15 : memref<80x240xf32, #tpu.memory_space<hbm>>) target(%arg9 : memref<80x240xf32, #tpu.memory_space<vmem>>) target_semaphore(%arg15 : memref<!tpu.dma_semaphore, #tpu.memory_space<semaphore_mem>>)
    %dma_start3A_16 = tpu.memref_slice %arg3[%add3A_11] : memref<320000xi32, #tpu.memory_space<hbm>> -> memref<80xi32, #tpu.memory_space<hbm>>
    %dma_start3A_17 = tpu.memref_slice %arg3[%add3A_11] : memref<320000xi32, #tpu.memory_space<hbm>> -> memref<80xi32, #tpu.memory_space<hbm>>
    tpu.enqueue_dma source(%dma_start3A_17 : memref<80xi32, #tpu.memory_space<hbm>>) target(%arg13 : memref<80xi32, #tpu.memory_space<vmem>>) target_semaphore(%arg15 : memref<!tpu.dma_semaphore, #tpu.memory_space<semaphore_mem>>)
    %eq3A = arith.constant 0 : i32
    %eq3A_18 = arith.cmpi eq, %arg1, %eq3A : i32
    %convert_element_type3A = arith.extui %eq3A_18 : i1 to i32
    %cond3A = arith.constant 0 : i32
    %cond3A_19 = arith.cmpi ne, %convert_element_type3A, %cond3A : i32
    scf.if %cond3A_19 {
      "tpu.region"() ({
        %run_scoped3A = tpu.sem_alloc : memref<!tpu.dma_semaphore, #tpu.memory_space<semaphore_mem>>
        tpu.enqueue_dma source(%arg4 : memref<512x240xf32, #tpu.memory_space<hbm>>) target(%arg18 : memref<512x240xf32, #tpu.memory_space<vmem_shared>>) target_semaphore(%run_scoped3A : memref<!tpu.dma_semaphore, #tpu.memory_space<semaphore_mem>>)
        tpu.wait_dma2 semaphore(%run_scoped3A : memref<!tpu.dma_semaphore, #tpu.memory_space<semaphore_mem>>) src(%arg4 : memref<512x240xf32, #tpu.memory_space<hbm>>) dst(%arg18 : memref<512x240xf32, #tpu.memory_space<vmem_shared>>)
        tpu.yield
      }) : () -> ()
      "tpu.region"() ({
        %run_scoped3A = tpu.sem_alloc : memref<!tpu.dma_semaphore, #tpu.memory_space<semaphore_mem>>
        tpu.enqueue_dma source(%arg5 : memref<512x80xf32, #tpu.memory_space<hbm>>) target(%arg19 : memref<512x80xf32, #tpu.memory_space<vmem_shared>>) target_semaphore(%run_scoped3A : memref<!tpu.dma_semaphore, #tpu.memory_space<semaphore_mem>>)
        tpu.wait_dma2 semaphore(%run_scoped3A : memref<!tpu.dma_semaphore, #tpu.memory_space<semaphore_mem>>) src(%arg5 : memref<512x80xf32, #tpu.memory_space<hbm>>) dst(%arg19 : memref<512x80xf32, #tpu.memory_space<vmem_shared>>)
        tpu.yield
      }) : () -> ()
    } else {
    }
    %broadcast_in_dim3A = arith.constant 1.000000e+00 : f32
    %broadcast_in_dim3A_20 = vector.broadcast %broadcast_in_dim3A : f32 to vector<16xf32>
    %scan3A = arith.constant 0 : i32
    %scan3A_21 = arith.constant 0 : i32
    %scan3A_22 = arith.constant 80 : i32
    %scan3A_23 = arith.addi %scan3A_21, %scan3A_22 : i32
    %scan3A_24 = arith.constant 1 : i32
    %scan3A_25 = scf.for %scan3A_40 = %scan3A_21 to %scan3A_23 step %scan3A_24 iter_args(%scan3A_41 = %scan3A) -> (i32)  : i32 {
      %swap3A = arith.index_cast %scan3A_40 : i32 to index
      %swap3A_42 = arith.constant 64 : index
      %swap3A_43 = tpu.vector_load %arg10[%swap3A, %swap3A_42] {strides = array<i32>} : memref<80x80xf32, #tpu.memory_space<vmem>>, vector<1x16xf32>,
      %swap3A_44 = vector.shape_cast %swap3A_43 : vector<1x16xf32> to vector<16xf32>
      %swap3A_45 = vector.shape_cast %broadcast_in_dim3A_20 : vector<16xf32> to vector<1x16xf32>
      tpu.vector_store %arg10[%swap3A, %swap3A_42], %swap3A_45 {strides = array<i32>} : memref<80x80xf32, #tpu.memory_space<vmem>>, vector<1x16xf32>,
      %swap3A_46 = arith.index_cast %scan3A_40 : i32 to index
      %swap3A_47 = arith.constant 64 : index
      %swap3A_48 = tpu.vector_load %arg11[%swap3A_46, %swap3A_47] {strides = array<i32>} : memref<80x80xf32, #tpu.memory_space<vmem>>, vector<1x16xf32>,
      %swap3A_49 = vector.shape_cast %swap3A_48 : vector<1x16xf32> to vector<16xf32>
      %swap3A_50 = vector.shape_cast %broadcast_in_dim3A_20 : vector<16xf32> to vector<1x16xf32>
      tpu.vector_store %arg11[%swap3A_46, %swap3A_47], %swap3A_50 {strides = array<i32>} : memref<80x80xf32, #tpu.memory_space<vmem>>, vector<1x16xf32>,
      %scan3A_51 = arith.constant 0 : i32
      scf.yield %scan3A_51 : i32
    }
    %scan3A_26 = arith.constant 80 : i32
    %barrier3A = arith.constant 0 : index
    tpu.barrier barrier_id(%barrier3A)
    %scan3A_27 = arith.constant 0 : i32
    %scan3A_28 = arith.constant 0 : i32
    %scan3A_29 = arith.constant 63 : i32
    %scan3A_30 = arith.addi %scan3A_28, %scan3A_29 : i32
    %scan3A_31 = arith.constant 1 : i32
    %scan3A_32 = scf.for %scan3A_40 = %scan3A_28 to %scan3A_30 step %scan3A_31 iter_args(%scan3A_41 = %scan3A_27) -> (i32)  : i32 {
      %mul3A_42 = arith.constant 2 : i32
      %mul3A_43 = arith.muli %mul3A_42, %scan3A_40 : i32
      %dma_wait3A = arith.constant 0 : i32
      %dma_wait3A_44 = tpu.memref_slice %arg2[%mul3A_2, %dma_wait3A] : memref<320000x240xf32, #tpu.memory_space<hbm>> -> memref<80x240xf32, #tpu.memory_space<hbm>>
      %dma_wait3A_45 = arith.constant 0 : i32
      %dma_wait3A_46 = tpu.memref_slice %arg2[%mul3A_2, %dma_wait3A_45] : memref<320000x240xf32, #tpu.memory_space<hbm>> -> memref<80x240xf32, #tpu.memory_space<hbm>>
      tpu.wait_dma2 semaphore(%arg14 : memref<!tpu.dma_semaphore, #tpu.memory_space<semaphore_mem>>) src(%dma_wait3A_46 : memref<80x240xf32, #tpu.memory_space<hbm>>) dst(%arg8 : memref<80x240xf32, #tpu.memory_space<vmem>>)
      %dma_wait3A_47 = tpu.memref_slice %arg3[%mul3A_2] : memref<320000xi32, #tpu.memory_space<hbm>> -> memref<80xi32, #tpu.memory_space<hbm>>
      %dma_wait3A_48 = tpu.memref_slice %arg3[%mul3A_2] : memref<320000xi32, #tpu.memory_space<hbm>> -> memref<80xi32, #tpu.memory_space<hbm>>
      tpu.wait_dma2 semaphore(%arg14 : memref<!tpu.dma_semaphore, #tpu.memory_space<semaphore_mem>>) src(%dma_wait3A_48 : memref<80xi32, #tpu.memory_space<hbm>>) dst(%arg12 : memref<80xi32, #tpu.memory_space<vmem>>)
      %scan3A_49 = arith.constant 0 : i32
      %scan3A_50 = arith.constant 0 : i32
      %scan3A_51 = arith.constant 80 : i32
      %scan3A_52 = arith.addi %scan3A_50, %scan3A_51 : i32
      %scan3A_53 = arith.constant 1 : i32
      %scan3A_54 = scf.for %scan3A_84 = %scan3A_50 to %scan3A_52 step %scan3A_53 iter_args(%scan3A_85 = %scan3A_49) -> (i32)  : i32 {
        %get3A = arith.index_cast %scan3A_84 : i32 to index
        %get3A_86 = arith.constant 0 : index
        %get3A_87 = tpu.vector_load %arg8[%get3A, %get3A_86] {strides = array<i32>} : memref<80x240xf32, #tpu.memory_space<vmem>>, vector<1x16xf32>,
        %get3A_88 = vector.shape_cast %get3A_87 : vector<1x16xf32> to vector<16xf32>
        %mul3A_89 = arith.mulf %get3A_88, %get3A_88 : vector<16xf32>
        %swap3A = arith.index_cast %scan3A_84 : i32 to index
        %swap3A_90 = arith.constant 0 : index
        %swap3A_91 = tpu.vector_load %arg10[%swap3A, %swap3A_90] {strides = array<i32>} : memref<80x80xf32, #tpu.memory_space<vmem>>, vector<1x16xf32>,
        %swap3A_92 = vector.shape_cast %swap3A_91 : vector<1x16xf32> to vector<16xf32>
        %swap3A_93 = vector.shape_cast %mul3A_89 : vector<16xf32> to vector<1x16xf32>
        tpu.vector_store %arg10[%swap3A, %swap3A_90], %swap3A_93 {strides = array<i32>} : memref<80x80xf32, #tpu.memory_space<vmem>>, vector<1x16xf32>,
        %get3A_94 = arith.index_cast %scan3A_84 : i32 to index
        %get3A_95 = arith.constant 16 : index
        %get3A_96 = tpu.vector_load %arg8[%get3A_94, %get3A_95] {strides = array<i32>} : memref<80x240xf32, #tpu.memory_space<vmem>>, vector<1x16xf32>,
        %get3A_97 = vector.shape_cast %get3A_96 : vector<1x16xf32> to vector<16xf32>
        %mul3A_98 = arith.mulf %get3A_97, %get3A_97 : vector<16xf32>
        %swap3A_99 = arith.index_cast %scan3A_84 : i32 to index
        %swap3A_100 = arith.constant 16 : index
        %swap3A_101 = tpu.vector_load %arg10[%swap3A_99, %swap3A_100] {strides = array<i32>} : memref<80x80xf32, #tpu.memory_space<vmem>>, vector<1x16xf32>,
        %swap3A_102 = vector.shape_cast %swap3A_101 : vector<1x16xf32> to vector<16xf32>
        %swap3A_103 = vector.shape_cast %mul3A_98 : vector<16xf32> to vector<1x16xf32>
        tpu.vector_store %arg10[%swap3A_99, %swap3A_100], %swap3A_103 {strides = array<i32>} : memref<80x80xf32, #tpu.memory_space<vmem>>, vector<1x16xf32>,
        %get3A_104 = arith.index_cast %scan3A_84 : i32 to index
        %get3A_105 = arith.constant 32 : index
        %get3A_106 = tpu.vector_load %arg8[%get3A_104, %get3A_105] {strides = array<i32>} : memref<80x240xf32, #tpu.memory_space<vmem>>, vector<1x16xf32>,
        %get3A_107 = vector.shape_cast %get3A_106 : vector<1x16xf32> to vector<16xf32>
        %mul3A_108 = arith.mulf %get3A_107, %get3A_107 : vector<16xf32>
        %swap3A_109 = arith.index_cast %scan3A_84 : i32 to index
        %swap3A_110 = arith.constant 32 : index
        %swap3A_111 = tpu.vector_load %arg10[%swap3A_109, %swap3A_110] {strides = array<i32>} : memref<80x80xf32, #tpu.memory_space<vmem>>, vector<1x16xf32>,
        %swap3A_112 = vector.shape_cast %swap3A_111 : vector<1x16xf32> to vector<16xf32>
        %swap3A_113 = vector.shape_cast %mul3A_108 : vector<16xf32> to vector<1x16xf32>
        tpu.vector_store %arg10[%swap3A_109, %swap3A_110], %swap3A_113 {strides = array<i32>} : memref<80x80xf32, #tpu.memory_space<vmem>>, vector<1x16xf32>,
        %get3A_114 = arith.index_cast %scan3A_84 : i32 to index
        %get3A_115 = arith.constant 48 : index
        %get3A_116 = tpu.vector_load %arg8[%get3A_114, %get3A_115] {strides = array<i32>} : memref<80x240xf32, #tpu.memory_space<vmem>>, vector<1x16xf32>,
        %get3A_117 = vector.shape_cast %get3A_116 : vector<1x16xf32> to vector<16xf32>
        %mul3A_118 = arith.mulf %get3A_117, %get3A_117 : vector<16xf32>
        %swap3A_119 = arith.index_cast %scan3A_84 : i32 to index
        %swap3A_120 = arith.constant 48 : index
        %swap3A_121 = tpu.vector_load %arg10[%swap3A_119, %swap3A_120] {strides = array<i32>} : memref<80x80xf32, #tpu.memory_space<vmem>>, vector<1x16xf32>,
        %swap3A_122 = vector.shape_cast %swap3A_121 : vector<1x16xf32> to vector<16xf32>
        %swap3A_123 = vector.shape_cast %mul3A_118 : vector<16xf32> to vector<1x16xf32>
        tpu.vector_store %arg10[%swap3A_119, %swap3A_120], %swap3A_123 {strides = array<i32>} : memref<80x80xf32, #tpu.memory_space<vmem>>, vector<1x16xf32>,
        %scan3A_124 = arith.constant 0 : i32
        scf.yield %scan3A_124 : i32
      }
      %scan3A_55 = arith.constant 80 : i32
      %dma_start3A_56 = arith.constant 0 : i32
      %dma_start3A_57 = arith.constant 0 : i32
      %dma_start3A_58 = tpu.memref_slice %arg18[%dma_start3A_56, %dma_start3A_57] : memref<512x240xf32, #tpu.memory_space<vmem_shared>> -> memref<512x240xf32, #tpu.memory_space<vmem_shared>>
      tpu.enqueue_indirect_dma source(%arg8 : memref<80x240xf32, #tpu.memory_space<vmem>>) target(%dma_start3A_58 : memref<512x240xf32, #tpu.memory_space<vmem_shared>>) offsets(%arg12 : memref<80xi32, #tpu.memory_space<vmem>>) semaphore(%arg16 : memref<!tpu.dma_semaphore, #tpu.memory_space<semaphore_mem>>) {add = true}
      %dma_start3A_59 = arith.constant 0 : i32
      %dma_start3A_60 = arith.constant 0 : i32
      %dma_start3A_61 = tpu.memref_slice %arg19[%dma_start3A_59, %dma_start3A_60] : memref<512x80xf32, #tpu.memory_space<vmem_shared>> -> memref<512x80xf32, #tpu.memory_space<vmem_shared>>
      tpu.enqueue_indirect_dma source(%arg10 : memref<80x80xf32, #tpu.memory_space<vmem>>) target(%dma_start3A_61 : memref<512x80xf32, #tpu.memory_space<vmem_shared>>) offsets(%arg12 : memref<80xi32, #tpu.memory_space<vmem>>) semaphore(%arg16 : memref<!tpu.dma_semaphore, #tpu.memory_space<semaphore_mem>>) {add = true}
      %dma_wait3A_62 = arith.constant 0 : i32
      %dma_wait3A_63 = arith.constant 0 : i32
      %dma_wait3A_64 = tpu.memref_slice %arg18[%dma_wait3A_62, %dma_wait3A_63] : memref<512x240xf32, #tpu.memory_space<vmem_shared>> -> memref<512x240xf32, #tpu.memory_space<vmem_shared>>
      tpu.wait_indirect_dma semaphore(%arg16 : memref<!tpu.dma_semaphore, #tpu.memory_space<semaphore_mem>>) src(%arg8 : memref<80x240xf32, #tpu.memory_space<vmem>>) dst(%dma_wait3A_64 : memref<512x240xf32, #tpu.memory_space<vmem_shared>>)
      %dma_wait3A_65 = arith.constant 0 : i32
      %dma_wait3A_66 = arith.constant 0 : i32
      %dma_wait3A_67 = tpu.memref_slice %arg19[%dma_wait3A_65, %dma_wait3A_66] : memref<512x80xf32, #tpu.memory_space<vmem_shared>> -> memref<512x80xf32, #tpu.memory_space<vmem_shared>>
      tpu.wait_indirect_dma semaphore(%arg16 : memref<!tpu.dma_semaphore, #tpu.memory_space<semaphore_mem>>) src(%arg10 : memref<80x80xf32, #tpu.memory_space<vmem>>) dst(%dma_wait3A_67 : memref<512x80xf32, #tpu.memory_space<vmem_shared>>)
      %add3A_68 = arith.constant 2 : i32
      %add3A_69 = arith.addi %mul3A_43, %add3A_68 : i32
      %lt3A = arith.constant 125 : i32
      %lt3A_70 = arith.cmpi slt, %add3A_69, %lt3A : i32
      %convert_element_type3A_71 = arith.extui %lt3A_70 : i1 to i32
      %cond3A_72 = arith.constant 0 : i32
      %cond3A_73 = arith.cmpi ne, %convert_element_type3A_71, %cond3A_72 : i32
      scf.if %cond3A_73 {
        %add3A_84 = arith.constant 2 : i32
        %add3A_85 = arith.addi %mul3A_43, %add3A_84 : i32
        %mul3A_86 = arith.constant 80 : i32
        %mul3A_87 = arith.muli %add3A_85, %mul3A_86 : i32
        %add3A_88 = arith.addi %mul3A_2, %mul3A_87 : i32
        %dma_start3A_89 = arith.constant 0 : i32
        %dma_start3A_90 = tpu.memref_slice %arg2[%add3A_88, %dma_start3A_89] : memref<320000x240xf32, #tpu.memory_space<hbm>> -> memref<80x240xf32, #tpu.memory_space<hbm>>
        %dma_start3A_91 = arith.constant 0 : i32
        %dma_start3A_92 = tpu.memref_slice %arg2[%add3A_88, %dma_start3A_91] : memref<320000x240xf32, #tpu.memory_space<hbm>> -> memref<80x240xf32, #tpu.memory_space<hbm>>
        tpu.enqueue_dma source(%dma_start3A_92 : memref<80x240xf32, #tpu.memory_space<hbm>>) target(%arg8 : memref<80x240xf32, #tpu.memory_space<vmem>>) target_semaphore(%arg14 : memref<!tpu.dma_semaphore, #tpu.memory_space<semaphore_mem>>)
        %dma_start3A_93 = tpu.memref_slice %arg3[%add3A_88] : memref<320000xi32, #tpu.memory_space<hbm>> -> memref<80xi32, #tpu.memory_space<hbm>>
        %dma_start3A_94 = tpu.memref_slice %arg3[%add3A_88] : memref<320000xi32, #tpu.memory_space<hbm>> -> memref<80xi32, #tpu.memory_space<hbm>>
        tpu.enqueue_dma source(%dma_start3A_94 : memref<80xi32, #tpu.memory_space<hbm>>) target(%arg12 : memref<80xi32, #tpu.memory_space<vmem>>) target_semaphore(%arg14 : memref<!tpu.dma_semaphore, #tpu.memory_space<semaphore_mem>>)
      } else {
      }
      %mul3A_74 = arith.constant 2 : i32
      %mul3A_75 = arith.muli %mul3A_74, %scan3A_40 : i32
      %add3A_76 = arith.constant 1 : i32
      %add3A_77 = arith.addi %mul3A_75, %add3A_76 : i32
      %lt3A_78 = arith.constant 125 : i32
      %lt3A_79 = arith.cmpi slt, %add3A_77, %lt3A_78 : i32
      %convert_element_type3A_80 = arith.extui %lt3A_79 : i1 to i32
      %cond3A_81 = arith.constant 0 : i32
      %cond3A_82 = arith.cmpi ne, %convert_element_type3A_80, %cond3A_81 : i32
      scf.if %cond3A_82 {
        %mul3A_84 = arith.constant 2 : i32
        %mul3A_85 = arith.muli %mul3A_84, %scan3A_40 : i32
        %add3A_86 = arith.constant 1 : i32
        %add3A_87 = arith.addi %mul3A_85, %add3A_86 : i32
        %dma_wait3A_88 = arith.constant 0 : i32
        %dma_wait3A_89 = tpu.memref_slice %arg2[%mul3A_2, %dma_wait3A_88] : memref<320000x240xf32, #tpu.memory_space<hbm>> -> memref<80x240xf32, #tpu.memory_space<hbm>>
        %dma_wait3A_90 = arith.constant 0 : i32
        %dma_wait3A_91 = tpu.memref_slice %arg2[%mul3A_2, %dma_wait3A_90] : memref<320000x240xf32, #tpu.memory_space<hbm>> -> memref<80x240xf32, #tpu.memory_space<hbm>>
        tpu.wait_dma2 semaphore(%arg15 : memref<!tpu.dma_semaphore, #tpu.memory_space<semaphore_mem>>) src(%dma_wait3A_91 : memref<80x240xf32, #tpu.memory_space<hbm>>) dst(%arg9 : memref<80x240xf32, #tpu.memory_space<vmem>>)
        %dma_wait3A_92 = tpu.memref_slice %arg3[%mul3A_2] : memref<320000xi32, #tpu.memory_space<hbm>> -> memref<80xi32, #tpu.memory_space<hbm>>
        %dma_wait3A_93 = tpu.memref_slice %arg3[%mul3A_2] : memref<320000xi32, #tpu.memory_space<hbm>> -> memref<80xi32, #tpu.memory_space<hbm>>
        tpu.wait_dma2 semaphore(%arg15 : memref<!tpu.dma_semaphore, #tpu.memory_space<semaphore_mem>>) src(%dma_wait3A_93 : memref<80xi32, #tpu.memory_space<hbm>>) dst(%arg13 : memref<80xi32, #tpu.memory_space<vmem>>)
        %scan3A_94 = arith.constant 0 : i32
        %scan3A_95 = arith.constant 0 : i32
        %scan3A_96 = arith.constant 80 : i32
        %scan3A_97 = arith.addi %scan3A_95, %scan3A_96 : i32
        %scan3A_98 = arith.constant 1 : i32
        %scan3A_99 = scf.for %scan3A_120 = %scan3A_95 to %scan3A_97 step %scan3A_98 iter_args(%scan3A_121 = %scan3A_94) -> (i32)  : i32 {
          %get3A = arith.index_cast %scan3A_120 : i32 to index
          %get3A_122 = arith.constant 0 : index
          %get3A_123 = tpu.vector_load %arg9[%get3A, %get3A_122] {strides = array<i32>} : memref<80x240xf32, #tpu.memory_space<vmem>>, vector<1x16xf32>,
          %get3A_124 = vector.shape_cast %get3A_123 : vector<1x16xf32> to vector<16xf32>
          %mul3A_125 = arith.mulf %get3A_124, %get3A_124 : vector<16xf32>
          %swap3A = arith.index_cast %scan3A_120 : i32 to index
          %swap3A_126 = arith.constant 0 : index
          %swap3A_127 = tpu.vector_load %arg11[%swap3A, %swap3A_126] {strides = array<i32>} : memref<80x80xf32, #tpu.memory_space<vmem>>, vector<1x16xf32>,
          %swap3A_128 = vector.shape_cast %swap3A_127 : vector<1x16xf32> to vector<16xf32>
          %swap3A_129 = vector.shape_cast %mul3A_125 : vector<16xf32> to vector<1x16xf32>
          tpu.vector_store %arg11[%swap3A, %swap3A_126], %swap3A_129 {strides = array<i32>} : memref<80x80xf32, #tpu.memory_space<vmem>>, vector<1x16xf32>,
          %get3A_130 = arith.index_cast %scan3A_120 : i32 to index
          %get3A_131 = arith.constant 16 : index
          %get3A_132 = tpu.vector_load %arg9[%get3A_130, %get3A_131] {strides = array<i32>} : memref<80x240xf32, #tpu.memory_space<vmem>>, vector<1x16xf32>,
          %get3A_133 = vector.shape_cast %get3A_132 : vector<1x16xf32> to vector<16xf32>
          %mul3A_134 = arith.mulf %get3A_133, %get3A_133 : vector<16xf32>
          %swap3A_135 = arith.index_cast %scan3A_120 : i32 to index
          %swap3A_136 = arith.constant 16 : index
          %swap3A_137 = tpu.vector_load %arg11[%swap3A_135, %swap3A_136] {strides = array<i32>} : memref<80x80xf32, #tpu.memory_space<vmem>>, vector<1x16xf32>,
          %swap3A_138 = vector.shape_cast %swap3A_137 : vector<1x16xf32> to vector<16xf32>
          %swap3A_139 = vector.shape_cast %mul3A_134 : vector<16xf32> to vector<1x16xf32>
          tpu.vector_store %arg11[%swap3A_135, %swap3A_136], %swap3A_139 {strides = array<i32>} : memref<80x80xf32, #tpu.memory_space<vmem>>, vector<1x16xf32>,
          %get3A_140 = arith.index_cast %scan3A_120 : i32 to index
          %get3A_141 = arith.constant 32 : index
          %get3A_142 = tpu.vector_load %arg9[%get3A_140, %get3A_141] {strides = array<i32>} : memref<80x240xf32, #tpu.memory_space<vmem>>, vector<1x16xf32>,
          %get3A_143 = vector.shape_cast %get3A_142 : vector<1x16xf32> to vector<16xf32>
          %mul3A_144 = arith.mulf %get3A_143, %get3A_143 : vector<16xf32>
          %swap3A_145 = arith.index_cast %scan3A_120 : i32 to index
          %swap3A_146 = arith.constant 32 : index
          %swap3A_147 = tpu.vector_load %arg11[%swap3A_145, %swap3A_146] {strides = array<i32>} : memref<80x80xf32, #tpu.memory_space<vmem>>, vector<1x16xf32>,
          %swap3A_148 = vector.shape_cast %swap3A_147 : vector<1x16xf32> to vector<16xf32>
          %swap3A_149 = vector.shape_cast %mul3A_144 : vector<16xf32> to vector<1x16xf32>
          tpu.vector_store %arg11[%swap3A_145, %swap3A_146], %swap3A_149 {strides = array<i32>} : memref<80x80xf32, #tpu.memory_space<vmem>>, vector<1x16xf32>,
          %get3A_150 = arith.index_cast %scan3A_120 : i32 to index
          %get3A_151 = arith.constant 48 : index
          %get3A_152 = tpu.vector_load %arg9[%get3A_150, %get3A_151] {strides = array<i32>} : memref<80x240xf32, #tpu.memory_space<vmem>>, vector<1x16xf32>,
          %get3A_153 = vector.shape_cast %get3A_152 : vector<1x16xf32> to vector<16xf32>
          %mul3A_154 = arith.mulf %get3A_153, %get3A_153 : vector<16xf32>
          %swap3A_155 = arith.index_cast %scan3A_120 : i32 to index
          %swap3A_156 = arith.constant 48 : index
          %swap3A_157 = tpu.vector_load %arg11[%swap3A_155, %swap3A_156] {strides = array<i32>} : memref<80x80xf32, #tpu.memory_space<vmem>>, vector<1x16xf32>,
          %swap3A_158 = vector.shape_cast %swap3A_157 : vector<1x16xf32> to vector<16xf32>
          %swap3A_159 = vector.shape_cast %mul3A_154 : vector<16xf32> to vector<1x16xf32>
          tpu.vector_store %arg11[%swap3A_155, %swap3A_156], %swap3A_159 {strides = array<i32>} : memref<80x80xf32, #tpu.memory_space<vmem>>, vector<1x16xf32>,
          %scan3A_160 = arith.constant 0 : i32
          scf.yield %scan3A_160 : i32
        }
        %scan3A_100 = arith.constant 80 : i32
        %dma_start3A_101 = arith.constant 0 : i32
        %dma_start3A_102 = arith.constant 0 : i32
        %dma_start3A_103 = tpu.memref_slice %arg18[%dma_start3A_101, %dma_start3A_102] : memref<512x240xf32, #tpu.memory_space<vmem_shared>> -> memref<512x240xf32, #tpu.memory_space<vmem_shared>>
        tpu.enqueue_indirect_dma source(%arg9 : memref<80x240xf32, #tpu.memory_space<vmem>>) target(%dma_start3A_103 : memref<512x240xf32, #tpu.memory_space<vmem_shared>>) offsets(%arg13 : memref<80xi32, #tpu.memory_space<vmem>>) semaphore(%arg17 : memref<!tpu.dma_semaphore, #tpu.memory_space<semaphore_mem>>) {add = true}
        %dma_start3A_104 = arith.constant 0 : i32
        %dma_start3A_105 = arith.constant 0 : i32
        %dma_start3A_106 = tpu.memref_slice %arg19[%dma_start3A_104, %dma_start3A_105] : memref<512x80xf32, #tpu.memory_space<vmem_shared>> -> memref<512x80xf32, #tpu.memory_space<vmem_shared>>
        tpu.enqueue_indirect_dma source(%arg11 : memref<80x80xf32, #tpu.memory_space<vmem>>) target(%dma_start3A_106 : memref<512x80xf32, #tpu.memory_space<vmem_shared>>) offsets(%arg13 : memref<80xi32, #tpu.memory_space<vmem>>) semaphore(%arg17 : memref<!tpu.dma_semaphore, #tpu.memory_space<semaphore_mem>>) {add = true}
        %dma_wait3A_107 = arith.constant 0 : i32
        %dma_wait3A_108 = arith.constant 0 : i32
        %dma_wait3A_109 = tpu.memref_slice %arg18[%dma_wait3A_107, %dma_wait3A_108] : memref<512x240xf32, #tpu.memory_space<vmem_shared>> -> memref<512x240xf32, #tpu.memory_space<vmem_shared>>
        tpu.wait_indirect_dma semaphore(%arg17 : memref<!tpu.dma_semaphore, #tpu.memory_space<semaphore_mem>>) src(%arg9 : memref<80x240xf32, #tpu.memory_space<vmem>>) dst(%dma_wait3A_109 : memref<512x240xf32, #tpu.memory_space<vmem_shared>>)
        %dma_wait3A_110 = arith.constant 0 : i32
        %dma_wait3A_111 = arith.constant 0 : i32
        %dma_wait3A_112 = tpu.memref_slice %arg19[%dma_wait3A_110, %dma_wait3A_111] : memref<512x80xf32, #tpu.memory_space<vmem_shared>> -> memref<512x80xf32, #tpu.memory_space<vmem_shared>>
        tpu.wait_indirect_dma semaphore(%arg17 : memref<!tpu.dma_semaphore, #tpu.memory_space<semaphore_mem>>) src(%arg11 : memref<80x80xf32, #tpu.memory_space<vmem>>) dst(%dma_wait3A_112 : memref<512x80xf32, #tpu.memory_space<vmem_shared>>)
        %add3A_113 = arith.constant 2 : i32
        %add3A_114 = arith.addi %add3A_87, %add3A_113 : i32
        %lt3A_115 = arith.constant 125 : i32
        %lt3A_116 = arith.cmpi slt, %add3A_114, %lt3A_115 : i32
        %convert_element_type3A_117 = arith.extui %lt3A_116 : i1 to i32
        %cond3A_118 = arith.constant 0 : i32
        %cond3A_119 = arith.cmpi ne, %convert_element_type3A_117, %cond3A_118 : i32
        scf.if %cond3A_119 {
          %add3A_120 = arith.constant 2 : i32
          %add3A_121 = arith.addi %add3A_87, %add3A_120 : i32
          %mul3A_122 = arith.constant 80 : i32
          %mul3A_123 = arith.muli %add3A_121, %mul3A_122 : i32
          %add3A_124 = arith.addi %mul3A_2, %mul3A_123 : i32
          %dma_start3A_125 = arith.constant 0 : i32
          %dma_start3A_126 = tpu.memref_slice %arg2[%add3A_124, %dma_start3A_125] : memref<320000x240xf32, #tpu.memory_space<hbm>> -> memref<80x240xf32, #tpu.memory_space<hbm>>
          %dma_start3A_127 = arith.constant 0 : i32
          %dma_start3A_128 = tpu.memref_slice %arg2[%add3A_124, %dma_start3A_127] : memref<320000x240xf32, #tpu.memory_space<hbm>> -> memref<80x240xf32, #tpu.memory_space<hbm>>
          tpu.enqueue_dma source(%dma_start3A_128 : memref<80x240xf32, #tpu.memory_space<hbm>>) target(%arg9 : memref<80x240xf32, #tpu.memory_space<vmem>>) target_semaphore(%arg15 : memref<!tpu.dma_semaphore, #tpu.memory_space<semaphore_mem>>)
          %dma_start3A_129 = tpu.memref_slice %arg3[%add3A_124] : memref<320000xi32, #tpu.memory_space<hbm>> -> memref<80xi32, #tpu.memory_space<hbm>>
          %dma_start3A_130 = tpu.memref_slice %arg3[%add3A_124] : memref<320000xi32, #tpu.memory_space<hbm>> -> memref<80xi32, #tpu.memory_space<hbm>>
          tpu.enqueue_dma source(%dma_start3A_130 : memref<80xi32, #tpu.memory_space<hbm>>) target(%arg13 : memref<80xi32, #tpu.memory_space<vmem>>) target_semaphore(%arg15 : memref<!tpu.dma_semaphore, #tpu.memory_space<semaphore_mem>>)
        } else {
        }
      } else {
      }
      %scan3A_83 = arith.constant 0 : i32
      scf.yield %scan3A_83 : i32
    }
    %scan3A_33 = arith.constant 63 : i32
    %barrier3A_34 = arith.constant 0 : index
    tpu.barrier barrier_id(%barrier3A_34)
    %eq3A_35 = arith.constant 0 : i32
    %eq3A_36 = arith.cmpi eq, %arg1, %eq3A_35 : i32
    %convert_element_type3A_37 = arith.extui %eq3A_36 : i1 to i32
    %cond3A_38 = arith.constant 0 : i32
    %cond3A_39 = arith.cmpi ne, %convert_element_type3A_37, %cond3A_38 : i32
    scf.if %cond3A_39 {
      "tpu.region"() ({
        %run_scoped3A = tpu.sem_alloc : memref<!tpu.dma_semaphore, #tpu.memory_space<semaphore_mem>>
        %dma_start3A_40 = arith.constant 0 : i32
        %dma_start3A_41 = arith.constant 0 : i32
        %dma_start3A_42 = tpu.memref_slice %arg6[%arg0, %dma_start3A_40, %dma_start3A_41] : memref<2x512x240xf32, #tpu.memory_space<hbm>> -> memref<1x512x240xf32, #tpu.memory_space<hbm>>
        %dma_start3A_43 = tpu.memref_squeeze %dma_start3A_42 : memref<1x512x240xf32, #tpu.memory_space<hbm>> -> memref<512x240xf32, #tpu.memory_space<hbm>>
        tpu.enqueue_dma source(%arg18 : memref<512x240xf32, #tpu.memory_space<vmem_shared>>) target(%dma_start3A_43 : memref<512x240xf32, #tpu.memory_space<hbm>>) target_semaphore(%run_scoped3A : memref<!tpu.dma_semaphore, #tpu.memory_space<semaphore_mem>>)
        %dma_wait3A = arith.constant 0 : i32
        %dma_wait3A_44 = arith.constant 0 : i32
        %dma_wait3A_45 = tpu.memref_slice %arg6[%arg0, %dma_wait3A, %dma_wait3A_44] : memref<2x512x240xf32, #tpu.memory_space<hbm>> -> memref<1x512x240xf32, #tpu.memory_space<hbm>>
        %dma_wait3A_46 = tpu.memref_squeeze %dma_wait3A_45 : memref<1x512x240xf32, #tpu.memory_space<hbm>> -> memref<512x240xf32, #tpu.memory_space<hbm>>
        tpu.wait_dma2 semaphore(%run_scoped3A : memref<!tpu.dma_semaphore, #tpu.memory_space<semaphore_mem>>) src(%arg18 : memref<512x240xf32, #tpu.memory_space<vmem_shared>>) dst(%dma_wait3A_46 : memref<512x240xf32, #tpu.memory_space<hbm>>)
        tpu.yield
      }) : () -> ()
      "tpu.region"() ({
        %run_scoped3A = tpu.sem_alloc : memref<!tpu.dma_semaphore, #tpu.memory_space<semaphore_mem>>
        %dma_start3A_40 = arith.constant 0 : i32
        %dma_start3A_41 = arith.constant 0 : i32
        %dma_start3A_42 = tpu.memref_slice %arg7[%arg0, %dma_start3A_40, %dma_start3A_41] : memref<2x512x80xf32, #tpu.memory_space<hbm>> -> memref<1x512x80xf32, #tpu.memory_space<hbm>>
        %dma_start3A_43 = tpu.memref_squeeze %dma_start3A_42 : memref<1x512x80xf32, #tpu.memory_space<hbm>> -> memref<512x80xf32, #tpu.memory_space<hbm>>
        tpu.enqueue_dma source(%arg19 : memref<512x80xf32, #tpu.memory_space<vmem_shared>>) target(%dma_start3A_43 : memref<512x80xf32, #tpu.memory_space<hbm>>) target_semaphore(%run_scoped3A : memref<!tpu.dma_semaphore, #tpu.memory_space<semaphore_mem>>)
        %dma_wait3A = arith.constant 0 : i32
        %dma_wait3A_44 = arith.constant 0 : i32
        %dma_wait3A_45 = tpu.memref_slice %arg7[%arg0, %dma_wait3A, %dma_wait3A_44] : memref<2x512x80xf32, #tpu.memory_space<hbm>> -> memref<1x512x80xf32, #tpu.memory_space<hbm>>
        %dma_wait3A_46 = tpu.memref_squeeze %dma_wait3A_45 : memref<1x512x80xf32, #tpu.memory_space<hbm>> -> memref<512x80xf32, #tpu.memory_space<hbm>>
        tpu.wait_dma2 semaphore(%run_scoped3A : memref<!tpu.dma_semaphore, #tpu.memory_space<semaphore_mem>>) src(%arg19 : memref<512x80xf32, #tpu.memory_space<vmem_shared>>) dst(%dma_wait3A_46 : memref<512x80xf32, #tpu.memory_space<hbm>>)
        tpu.yield
      }) : () -> ()
    } else {
    }
    return
  }
}

</mosaic_0001>

<sc_bundles>
// kernel: kernel.4.cloned.1.call-start
scs
__scs_entry_jumppad:
0x0: {  	(pc) =	sbr.rel $0x88, $3  }
0x1: {  	(tag) =	ssettag $0x0;
	lr =	simm.s32 $0x1  }
0x2: {  	[smem:$0x3F9D] =	sst lr;
	_ =	strace $0xD0000000  }
0x3: {  	_ = 	snop  }
0x4: {  	_ = 	snop  }
0x5: {  	_ = 	snop  }
0x6: {  	_ = 	snop  }
0x7: {  	_ = 	snop  }
__scs_overlays_trampoline_lowered:
0x8: {  	[smem:$0x3FAC] =	sst s0  }
0x9: {  	[smem:$0x3FAD] =	sst s1  }
0xa: {  	[smem:$0x3FAE] =	sst s2  }
0xb: {  	[smem:$0x3FAF] =	sst s3  }
0xc: {  	[smem:$0x3FB0] =	sst s4  }
0xd: {  	[smem:$0x3FB1] =	sst s5  }
0xe: {  	[smem:$0x3FB2] =	sst s6  }
0xf: {  	[smem:$0x3FB3] =	sst s7  }
0x10: {  	[smem:$0x3FB4] =	sst s8  }
0x11: {  	[smem:$0x3FB5] =	sst s9;
	s0 =	simm.s32 @!p0 $0x0  }
0x12: {  	s1 =	sld [smem:$0x3F9B];
	s0 =	simm.s32 @p0 $0x1  }
0x13: {  	[smem:$0x3FB6] =	sst s0;
	s0 =	simm.s32 @!p1 $0x0  }
0x14: {  	s2 =	sld [smem:$0x3F9A];
	s0 =	simm.s32 @p1 $0x1  }
0x15: {  	[smem:$0x3FB7] =	sst s0;
	s0 =	simm.s32 @!p2 $0x0  }
0x16: {  	s3 =	sld [smem:$0x3FDB];
	s0 =	simm.s32 @p2 $0x1  }
0x17: {  	s4 =	simm.s32 $0x1BF5;
	[smem:$0x3FB9] =	sst s0  }
0x18: {  	s0 =	sld [smem:$0x3F9C];
	_ =	swait.ge [sflag:s4], $0x0  }
0x19: {  	s7 =	sld [smem:$0x3F9D]  }
0x1a: {  	s8 =	sadd.s32 $0xFFFFE003, lr  }
0x1b: {  	s9 =	sadd.s32 $0xFFFFFEF7, lr;
	s5 =	simm.s32 $0xFFFFFFFF;
	p2 =	slt.u32 s8, $0xFFFFF086  }
0x1c: {  	p1 =	slt.u32 s9, $0xF7A;
	s5 =	simm.s32 @!p2 $0x0  }
0x1d: {  	s5 =	simm.s32 @p1 $0x1;
	p0 =	seq.s32 s7, s2  }
0x1e: {  	s7 =	smul.u32 @!p0 $0xF7A, s2;
	p2 =	seq.s32 @!p0 s5, $0x0  }
0x1f: {  	s9 =	smul.u32 $0xF7A, s1;
	s8 =	simm.s32 @!p0 $0x1BF5;
	p2 =	por !p2, p0  }
0x20: {  	[sflag:s8] =	ssyncset.s32 @!p0 $0xFFFFF086;
	s6 =	sadd.s32 @!p0 s3, s7;
	s7 =	simm.s32 @!p0 $0x108  }
0x21: {  	s3 =	sadd.s32 s3, s9;
	s6 =	sadd.s32 @!p0 $0x88, s6;
	s7 =	simm.s32 @p2 $0x1082  }
0x22: {  	[simem:s7], [sflag:s8] =	dma.local @!p0 [hbm:s6], $0xF7A  }
0x23: {  	s9 =	sor.u32 $0xD0000000, s2;
	s6 =	simm.s32 $0x108;
	_ =	swait.ge @!p0 [sflag:s8], $0x0  }
0x24: {  	s3 =	sadd.s32 $0x88, s3;
	s6 =	simm.s32 @!p1 $0x1082;
	[sflag:s4] =	ssyncset.s32 $0xFFFFF086  }
0x25: {  	[simem:s6], [sflag:s4] =	dma.local [hbm:s3], $0xF7A  }
0x26: {  	[smem:$0x3F9D] =	sst s1;
	(tag) =	ssettag s2;
	_ =	strace s9  }
0x27: {  	s1 =	sld [smem:$0x3FAD]  }
0x28: {  	s2 =	sld [smem:$0x3FAE]  }
0x29: {  	s4 =	sld [smem:$0x3FB0]  }
0x2a: {  	p0 =	seq.s32 s5, $0x0;
	s5 =	sld [smem:$0x3FB1]  }
0x2b: {  	s6 =	sld [smem:$0x3FB2]  }
0x2c: {  	s7 =	sld [smem:$0x3FB3]  }
0x2d: {  	s3 =	simm.s32 $0x108;
	s8 =	sld [smem:$0x3FB4]  }
0x2e: {  	s3 =	simm.s32 @!p0 $0x1082;
	s9 =	sld [smem:$0x3FB5]  }
0x2f: {  	lr =	sadd.s32 s0, s3;
	s0 =	sld [smem:$0x3FAC]  }
0x30: {  	s3 =	sld [smem:$0x3FAF]  }
0x31: {  	[smem:$0x3FB8] =	sst s10  }
0x32: {  	s10 =	sld [smem:$0x3FB6];
	_ =	sdelay $0x3  }
0x33: {  	p0 =	seq.s32 s10, $0x1;
	s10 =	sld [smem:$0x3FB8];
	_ =	sdelay $0x3  }
0x34: {  	[smem:$0x3FB8] =	sst s10  }
0x35: {  	s10 =	sld [smem:$0x3FB7];
	_ =	sdelay $0x3  }
0x36: {  	p1 =	seq.s32 s10, $0x1;
	s10 =	sld [smem:$0x3FB8];
	_ =	sdelay $0x3  }
0x37: {  	[smem:$0x3FB8] =	sst s10  }
0x38: {  	s10 =	sld [smem:$0x3FB9]  }
0x39: {  	_ = 	snop;
	(pc) =	sbr.ind lr, $3  }
0x3a: {  	_ = 	snop  }
0x3b: {  	_ = 	snop  }
0x3c: {  	p2 =	seq.s32 s10, $0x1;
	s10 =	sld [smem:$0x3FB8]  }
0x3d: {  	_ =	shalt  }
0x3e: {  	_ =	shalt  }
0x3f: {  	_ =	shalt  }
0x40: {  	_ =	shalt  }
0x41: {  	_ =	shalt  }
0x42: {  	_ =	shalt  }
0x43: {  	_ =	shalt  }
0x44: {  	_ =	shalt  }
0x45: {  	_ =	shalt  }
0x46: {  	_ =	shalt  }
0x47: {  	_ =	shalt  }
0x48: {  	_ =	shalt  }
0x49: {  	_ =	shalt  }
0x4a: {  	_ =	shalt  }
0x4b: {  	_ =	shalt  }
0x4c: {  	_ =	shalt  }
0x4d: {  	_ =	shalt  }
0x4e: {  	_ =	shalt  }
0x4f: {  	_ =	shalt  }
0x50: {  	_ =	shalt  }
0x51: {  	_ =	shalt  }
0x52: {  	_ =	shalt  }
0x53: {  	_ =	shalt  }
0x54: {  	_ =	shalt  }
0x55: {  	_ =	shalt  }
0x56: {  	_ =	shalt  }
0x57: {  	_ =	shalt  }
0x58: {  	_ =	shalt  }
0x59: {  	_ =	shalt  }
0x5a: {  	_ =	shalt  }
0x5b: {  	_ =	shalt  }
0x5c: {  	_ =	shalt  }
0x5d: {  	_ =	shalt  }
0x5e: {  	_ =	shalt  }
0x5f: {  	_ =	shalt  }
0x60: {  	_ =	shalt  }
0x61: {  	_ =	shalt  }
0x62: {  	_ =	shalt  }
0x63: {  	_ =	shalt  }
0x64: {  	_ =	shalt  }
0x65: {  	_ =	shalt  }
0x66: {  	_ =	shalt  }
0x67: {  	_ =	shalt  }
0x68: {  	_ =	shalt  }
0x69: {  	_ =	shalt  }
0x6a: {  	_ =	shalt  }
0x6b: {  	_ =	shalt  }
0x6c: {  	_ =	shalt  }
0x6d: {  	_ =	shalt  }
0x6e: {  	_ =	shalt  }
0x6f: {  	_ =	shalt  }
0x70: {  	_ =	shalt  }
0x71: {  	_ =	shalt  }
0x72: {  	_ =	shalt  }
0x73: {  	_ =	shalt  }
0x74: {  	_ =	shalt  }
0x75: {  	_ =	shalt  }
0x76: {  	_ =	shalt  }
0x77: {  	_ =	shalt  }
0x78: {  	_ =	shalt  }
0x79: {  	_ =	shalt  }
0x7a: {  	_ =	shalt  }
0x7b: {  	_ =	shalt  }
0x7c: {  	_ =	shalt  }
0x7d: {  	_ =	shalt  }
0x7e: {  	_ =	shalt  }
0x7f: {  	_ =	shalt  }
0x80: {  	_ =	shalt  }
0x81: {  	_ =	shalt  }
0x82: {  	_ =	shalt  }
0x83: {  	_ =	shalt  }
0x84: {  	_ =	shalt  }
0x85: {  	_ =	shalt  }
0x86: {  	_ =	shalt  }
0x87: {  	_ =	shalt  }
.Lfunc_end0:
.L_simem_size_0:
called_computation.1_lowered:
.L_overlay_start_0:
0x88: {  	s2 =	sld [smem:$0x3FD9]  }
0x89: {  	s3 =	sld [smem:$0x3FFE];
	_ =	sdelay $0x1  }
0x8a: {  	s1 =	srdreg.scid  }
0x8b: {  	s0 =	sand.u32 $0x1, s1  }
0x8c: {  	s17 =	sshll.u32 s0, $0xA;
	s2 =	sadd.s32 s3, s2  }
0x8d: {  	s2 =	sadd.s32 s2, s17  }
0x8e: {  	[smem:$0x3FC4] =	sst s2  }
0x8f: {  	_ = 	snop  }
0x90: {  	s2 =	sld [smem:$0x3FC8]  }
0x91: {  	s18 =	sld [smem:$0x3FD0];
	(tm) =	ssettm $0x1  }
0x92: {  	s4 =	sld [smem:$0x3FFB];
	_ =	sdelay $0x3  }
0x93: {  	_ =	strace s4  }
0x94: {  	s4 =	sld [smem:$0x3FFC];
	_ =	sdelay $0x3  }
0x95: {  	_ =	strace s4  }
0x96: {  	s4 =	sld [smem:$0x3FFD];
	_ =	sdelay $0x3  }
0x97: {  	_ =	strace s4  }
0x98: {  	_ =	strace $0x8FFFFFFF  }
0x99: {  	s19 =	sld [smem:$0x3FDB];
	_ =	sdelay $0x1  }
0x9a: {  	s5 =	simm.s32 $_scs_section_size  }
0x9b: {  	s6 =	simm.s32 $_size__tile_overlayer_lowered;
	s7 =	simm.s32 $_tile_overlayer_lowered  }
0x9c: {  	s22 =	simm.s32 $0x1BFF;
	s21 =	sshll.u32 s7, $0x1;
	s4 =	sadd.s32 s5, s19  }
0x9d: {  	s8 =	simm.s32 $0x0;
	s20 =	sshll.u32 s6, $0x1;
	s6 =	sadd.s32 s21, s4  }
0x9e: {  	[timem:s8], [sflag:s22] =	dma.local [hbm:s6], s20  }
0x9f: {  	_ =	swait.ge [sflag:s22], s20  }
0xa0: {  	s5 =	ssub.s32 $0x0, s20;
	[sflag:s22] =	ssyncset.done $0x0  }
0xa1: {  	[sflag:s22] =	ssyncadd.s32 s5;
	_ =	sdelay $0x1  }
0xa2: {  	s23 =	simm.s32 $0x1B8B  }
0xa3: {  	_ =	swait.ge [sflag:s23], $0x1  }
0xa4: {  	[sflag:s23] =	ssyncset.done $0x0  }
0xa5: {  	s25 =	simm.s32 $0x1B8E;
	s24 =	sld [smem:$0x3FFE];
	[sflag:s23] =	ssyncadd.s32 $0xFFFFFFFF  }
0xa6: {  	s26 =	simm.s32 $execute0_lowered;
	[smem:$0x3FD2] =	sst s25  }
0xa7: {  	s6 =	sshll.u32 s26, $0x1;
	_ =	strace $0x80000046;
	[dreg:$0x1] =	wrdreg $0xFFFFFFFF  }
0xa8: {  	s28 =	simm.s32 $_size_execute0_lowered;
	s4 =	sadd.s32 s4, s6;
	[dreg:$0x0] =	wrdreg $0x0  }
0xa9: {  	s6 =	sshll.u32 s28, $0x1;
	[dreg:$0x2] =	wrdreg s4  }
0xaa: {  	[dreg:$0x3] =	wrdreg s6  }
0xab: {  	[dreg:$0x4] =	wrdreg $0xC0  }
0xac: {  	_ =	task [dreg:s8], $0x5FFFF  }
0xad: {  	[dreg:$0x1] =	wrdreg $0xFFFFFFFF  }
0xae: {  	[dreg:$0x0] =	wrdreg $0x60  }
0xaf: {  	[dreg:$0x2] =	wrdreg s18  }
0xb0: {  	[dreg:$0x3] =	wrdreg s2  }
0xb1: {  	[dreg:$0x4] =	wrdreg s24  }
0xb2: {  	[dreg:$0x5] =	wrdreg $0xC8A00  }
0xb3: {  	[dreg:$0x6] =	wrdreg $0xE6A00  }
0xb4: {  	[dreg:$0x7] =	wrdreg $0x9  }
0xb5: {  	_ =	task.clear_ibuf [dreg:s8], $0x8FFFF;
	_ =	strace $0x90000046  }
0xb6: {  	s29 =	simm.s32 $0x9;
	_ =	strace $0x80000048  }
0xb7: {  	_ =	swait.ge [sflag:s29], $0x1  }
0xb8: {  	[sflag:s29] =	ssyncadd.s32 $0xFFFFFFFF  }
0xb9: {  	_ =	strace $0x90000048  }
0xba: {  	_ =	sfence  }
0xbb: {  	s30 =	sld [smem:$0x0];
	_ =	sdelay $0x2  }
0xbc: {  	s31 =	sshll.u32 s1, $0xD;
	s1 =	sshrl.u32 s1, $0x2  }
0xbd: {  	s3 =	sand.u32 $0x4000, s31;
	s1 =	sadd.s32 s1, s30  }
0xbe: {  	s0 =	sor.u32 s3, s0;
	s1 =	sshll.u32 s1, $0x11  }
0xbf: {  	s0 =	sor.u32 s1, s0  }
0xc0: {  	s0 =	sadd.s32 $0x8F2B, s0  }
0xc1: {  	[sflag:s0] =	ssyncadd.remote.s32 $0x1  }
0xc2: {  	_ =	sfence.sel $0xFFFF  }
0xc3: {  	[dreg:$0x0] =	wrdreg $0xFFFFFFFF;
	(pc) =	sbr.abs _section_cstart, $3  }
0xc4: {  	[dreg:$0x1] =	wrdreg $0xFFFFFFFF  }
0xc5: {  	_ =	task.clear_ibuf [dreg:s8], $0x2FFFF;
	_ =	strace $0x9FFFFFFF  }
0xc6: {  	(tm) =	ssettm $0x7FFFFFFF  }
0xc7: {  	_ =	shalt  }
tec
execute0_lowered:
.L_overlay_start_1:
0x0: {  	(tag) =	ssettag $0x1  }
0x1: {  	s1 =	rddreg [dreg:$0x0]  }
0x2: {  	s2 =	rddreg [dreg:$0x1]  }
0x3: {  	s0 =	rddreg [dreg:$0x2]  }
0x4: {  	s3 =	rddreg [dreg:$0x3]  }
0x5: {  	s4 =	rddreg [dreg:$0x4];
	s5 =	simm.s32 $0x0;
	s6 =	srdreg.scid  }
0x6: {  	s8 =	stileid.u32;
	s17 =	simm.s32 $0xC800;
	s18 =	simm.s32 $0x4B00  }
0x7: {  	s19 =	simm.s32 $0xC850;
	s22 =	simm.s32 $0x1;
	s23 =	simm.s32 $0x50  }
0x8: {  	s28 =	simm.s32 $0xAF00;
	s29 =	simm.s32 $0x4;
	s30 =	simm.s32 $0x0  }
0x9: {  	[smem:$0x7FF] =	sst s5;
	s6 =	sand.u32 $0x1, s6;
	s11 =	sadd.s32 $0x1400, s0  }
0xa: {  	s24 =	sadd.s32 $0x5000, s0;
	p0 =	sne.s32 s8, $0x0;
	s7 =	smul.u32 $0x3C00, s6  }
0xb: {  	s9 =	sshll.u32 s6, $0x4;
	_ =	strace $0x80000047;
	[dreg:$0x6] =	wrdreg s11  }
0xc: {  	s10 =	smul.u32 $0x1400, s6;
	[dreg:$0x7] =	wrdreg s24;
	s6 =	ssub.s32 $0x2, s6  }
0xd: {  	s20 =	sshrl.u32 @!p0 s3, $0x3;
	s21 =	sshrl.u32 @!p0 s4, $0x3;
	s9 =	sor.u32 s8, s9  }
0xe: {  	s24 =	simm.s32 $0x9600;
	s25 =	sshrl.u32 s6, $0x1;
	s13 =	smul.u32 $0x2710, s9  }
0xf: {  	s7 =	sadd.s32 s7, s0;
	s0 =	sadd.s32 s10, s0;
	s9 =	smul.u32 $0x493E0, s9  }
0x10: {  	s6 =	ssub.s32 s6, s25;
	s25 =	simm.s32 $0x3;
	s14 =	sadd.s32 $0x6400, s7  }
.Ltmp0:
0x11: {  	s15 =	sadd.s32 $0xDC00, s0;
	s16 =	smax.u32 s6, $0x1;
	(pc) =	sbr.rel .LBB2_1-.Ltmp0, $4  }
0x12: {  	s26 =	sadd.s32 $0x50, s13;
	s31 =	sshrl.u32 s13, $0x3;
	s9 =	sadd.s32 s1, s9  }
0x13: {  	s12 =	smul.u32 $0x1E, s26;
	[dreg:$0x8] =	wrdreg s9;
	s11 =	sshrl.u32 s26, $0x3  }
0x14: {  	s9 =	sadd.s32 s2, s31;
	s26 =	simm.s32 $0x2;
	s11 =	sadd.s32 s2, s11  }
0x15: {  	v0 =	vimm.f32 $1.000000000e+00;
	s10 =	sadd.s32 s1, s12;
	s12 =	sadd.s32 $0xA0, s13;
	s13 =	sadd.s32 $0xF0, s13  }
.LBB2_10:
0x16: {  	[bflag:$0x0] =	sbarrier.arrive $0xFFFF;
	s0 =	simm.s32 @!p0 $0x1C05;
	s6 =	simm.s32 @!p0 $0x5  }
0x17: {  	[hbm:s14], [sflag:s0] =	dma.local @!p0 [spmem:s20], $0x3C00  }
0x18: {  	s30 =	sadd.s32 $0x1, s30;
	_ =	swait.ge @!p0 [sflag:s6], $0x3C00  }
0x19: {  	p1 =	sne.s32 s30, s16;
	[sflag:s6] =	ssyncset.done @!p0 $0x0  }
.Ltmp1:
0x1a: {  	[sflag:s6] =	ssyncadd.s32 @!p0 $0xFFFFC400;
	(pc) =	sbr.rel @!p1 .LBB2_11-.Ltmp1, $4  }
0x1b: {  	[hbm:s15], [sflag:s0] =	dma.local @!p0 [spmem:s21], $0x1400  }
0x1c: {  	_ =	swait.ge @!p0 [sflag:s6], $0x1400  }
0x1d: {  	[sflag:s6] =	ssyncset.done @!p0 $0x0  }
0x1e: {  	[sflag:s6] =	ssyncadd.s32 @!p0 $0xFFFFEC00  }
.LBB2_1:
0x1f: {  	s0 =	rddreg [dreg:$0x8]  }
0x20: {  	[tilespmem:s5], [sflag:$0x1] =	stream.linear.gather [hbm4b:s0+s5], $0x4B00, $0x38;
	[tilespmem:$0xF0A0] =	vst v63  }
0x21: {  	_ = 	snop  }
0x22: {  	[tilespmem:s17], [sflag:$0x1] =	stream.linear.gather [hbm4b:s9+s5], $0x50, $0x38;
	[tilespmem:$0xF0A0] =	vst v63  }
0x23: {  	_ = 	snop  }
0x24: {  	[tilespmem:s18], [sflag:$0x2] =	stream.linear.gather [hbm4b:s10+s5], $0x4B00, $0x38;
	[tilespmem:$0xF0A0] =	vst v63  }
0x25: {  	s6 =	rddreg [dreg:$0x6];
	s0 =	simm.s32 @!p0 $0x1C05  }
0x26: {  	[tilespmem:s19], [sflag:$0x2] =	stream.linear.gather [hbm4b:s11+s5], $0x50, $0x38;
	[tilespmem:$0xF0A0] =	vst v63  }
0x27: {  	[spmem:s20], [sflag:s0] =	dma.local @!p0 [hbm:s6], $0x3C00  }
0x28: {  	s6 =	simm.s32 @!p0 $0x5  }
0x29: {  	_ =	swait.ge @!p0 [sflag:s6], $0x3C00  }
0x2a: {  	[sflag:s6] =	ssyncset.done @!p0 $0x0  }
0x2b: {  	s7 =	rddreg [dreg:$0x7];
	[sflag:s6] =	ssyncadd.s32 @!p0 $0xFFFFC400  }
0x2c: {  	[spmem:s21], [sflag:s0] =	dma.local @!p0 [hbm:s7], $0x1400  }
0x2d: {  	_ =	swait.ge @!p0 [sflag:s6], $0x1400  }
0x2e: {  	[sflag:s6] =	ssyncset.done @!p0 $0x0  }
0x2f: {  	s0 =	simm.s32 $0x240;
	[sflag:s6] =	ssyncadd.s32 @!p0 $0xFFFFEC00;
	s6 =	simm.s32 $0x40  }
.LBB2_2:
0x30: {  	p1 =	sne.s32 s0, $0x63C0;
	[tilespmem:s6+$0x9600] =	vst v0;
	s7 =	smov.u32 s0;
	s0 =	sadd.s32 $0x140, s0  }
.Ltmp2:
0x31: {  	[tilespmem:s6+$0xAF00] =	vst v0;
	(pc) =	sbr.rel @p1 .LBB2_2-.Ltmp2, $2  }
0x32: {  	_ =	sdelay $0x2  }
0x33: {  	s6 =	sshra.s32 s7, $0x2  }
0x34: {  	[tilespmem:s6+$0x9600] =	vst v0  }
0x35: {  	[tilespmem:s6+$0xAF00] =	vst v0  }
0x36: {  	s31 =	simm.s32 $0x0;
	[bflag:$0x0] =	sbarrier.arrive $0xFFFF  }
.LBB2_4:
0x37: {  	_ =	swait.ge [sflag:s22], $0x4B00  }
0x38: {  	[sflag:s22] =	ssyncset.done $0x0  }
0x39: {  	[sflag:s22] =	ssyncadd.s32 $0xFFFFB500  }
0x3a: {  	_ =	swait.ge [sflag:s22], $0x50  }
0x3b: {  	[sflag:s22] =	ssyncset.done $0x0  }
0x3c: {  	s6 =	simm.s32 $0x0;
	[sflag:s22] =	ssyncadd.s32 $0xFFFFFFB0  }
0x3d: {  	v1 =	vld [tilespmem:s6+$0x0];
	_ =	sdelay $0x4  }
0x3e: {  	v1 =	vmul.f32 v1, v1  }
0x3f: {  	s0 =	simm.s32 $0x9620  }
0x40: {  	[tilespmem:s0+$0xFFFFFFE0] =	vst v1  }
0x41: {  	v1 =	vld [tilespmem:s6+$0x10];
	_ =	sdelay $0x4  }
0x42: {  	v1 =	vmul.f32 v1, v1;
	_ =	sdelay $0x1  }
0x43: {  	[tilespmem:s0+$0xFFFFFFF0] =	vst v1  }
0x44: {  	v1 =	vld [tilespmem:s6+$0x20];
	_ =	sdelay $0x4  }
0x45: {  	v1 =	vmul.f32 v1, v1;
	_ =	sdelay $0x1  }
0x46: {  	[tilespmem:s0+$0x0] =	vst v1  }
0x47: {  	v1 =	vld [tilespmem:s6+$0x30];
	_ =	sdelay $0x4  }
0x48: {  	v1 =	vmul.f32 v1, v1;
	_ =	sdelay $0x1  }
0x49: {  	s7 =	simm.s32 $0x780;
	s6 =	simm.s32 $0xF0;
	[tilespmem:s0+$0x10] =	vst v1  }
.LBB2_5:
0x4a: {  	p1 =	sne.s32 s7, $0x12840;
	v1 =	vld [tilespmem:s6+$0x0];
	_ =	sdelay $0x4  }
0x4b: {  	v1 =	vmul.f32 v1, v1  }
0x4c: {  	s0 =	sadd.s32 $0x50, s0  }
0x4d: {  	[tilespmem:s0+$0xFFFFFFE0] =	vst v1  }
0x4e: {  	v1 =	vld [tilespmem:s6+$0x10];
	_ =	sdelay $0x4  }
0x4f: {  	v1 =	vmul.f32 v1, v1;
	_ =	sdelay $0x1  }
0x50: {  	[tilespmem:s0+$0xFFFFFFF0] =	vst v1  }
0x51: {  	v1 =	vld [tilespmem:s6+$0x20];
	_ =	sdelay $0x4  }
0x52: {  	v1 =	vmul.f32 v1, v1;
	_ =	sdelay $0x1  }
0x53: {  	[tilespmem:s0+$0x0] =	vst v1  }
0x54: {  	v1 =	vld [tilespmem:s6+$0x30];
	_ =	sdelay $0x2  }
.Ltmp3:
0x55: {  	(pc) =	sbr.rel @p1 .LBB2_5-.Ltmp3, $3  }
0x56: {  	_ = 	snop  }
0x57: {  	v1 =	vmul.f32 v1, v1;
	_ =	sdelay $0x1  }
0x58: {  	s6 =	sshra.s32 s7, $0x2;
	s7 =	sadd.s32 $0x3C0, s7;
	[tilespmem:s0+$0x10] =	vst v1  }
0x59: {  	v1 =	vld [tilespmem:s6+$0x0];
	_ =	sdelay $0x4  }
0x5a: {  	v1 =	vmul.f32 v1, v1  }
0x5b: {  	s0 =	sadd.s32 $0x50, s0  }
0x5c: {  	[tilespmem:s0+$0xFFFFFFE0] =	vst v1  }
0x5d: {  	v1 =	vld [tilespmem:s6+$0x10];
	_ =	sdelay $0x4  }
0x5e: {  	v1 =	vmul.f32 v1, v1;
	_ =	sdelay $0x1  }
0x5f: {  	[tilespmem:s0+$0xFFFFFFF0] =	vst v1  }
0x60: {  	v1 =	vld [tilespmem:s6+$0x20];
	_ =	sdelay $0x4  }
0x61: {  	v1 =	vmul.f32 v1, v1;
	_ =	sdelay $0x1  }
0x62: {  	[tilespmem:s0+$0x0] =	vst v1  }
0x63: {  	v1 =	vld [tilespmem:s6+$0x30];
	_ =	sdelay $0x4  }
0x64: {  	v1 =	vmul.f32 v1, v1;
	_ =	sdelay $0x1  }
0x65: {  	[tilespmem:s0+$0x10] =	vst v1  }
0x66: {  	[spmem:s3] =	stream.indirect.scatter.add.f32 [tilespmem:s5], [sflag:$0x3], $0xF0, s17, s23, $0xb8;
	[tilespmem:$0xF0A0] =	vst v63  }
0x67: {  	_ = 	snop  }
0x68: {  	[spmem:s4] =	stream.indirect.scatter.add.f32 [tilespmem:s24], [sflag:$0x3], $0x50, s17, s23, $0xb8;
	[tilespmem:$0xF0A0] =	vst v63  }
0x69: {  	p1 =	seq.s32 s31, $0x3E;
	_ =	swait.ge [sflag:s25], $0x4B00  }
.Ltmp4:
0x6a: {  	[sflag:s25] =	ssyncset.done $0x0;
	(pc) =	sbr.rel @p1 .LBB2_10-.Ltmp4, $4  }
0x6b: {  	[sflag:s25] =	ssyncadd.s32 $0xFFFFB500  }
0x6c: {  	_ =	swait.ge [sflag:s25], $0x1900  }
0x6d: {  	[sflag:s25] =	ssyncset.done $0x0  }
0x6e: {  	[sflag:s25] =	ssyncadd.s32 $0xFFFFE700  }
0x6f: {  	s0 =	smul.u32 $0xA0, s31;
	_ =	sdelay $0x1  }
0x70: {  	s6 =	sadd.s32 s0, s12  }
0x71: {  	s7 =	smul.u32 $0x1E, s6;
	_ =	sdelay $0x1  }
0x72: {  	s8 =	simm.s32 $0x0;
	s6 =	sshrl.u32 s6, $0x3;
	s7 =	sadd.s32 s1, s7  }
0x73: {  	[tilespmem:s8], [sflag:$0x1] =	stream.linear.gather [hbm4b:s7+s8], $0x4B00, $0x38;
	[tilespmem:$0xF0A0] =	vst v63  }
0x74: {  	s6 =	sadd.s32 s2, s6  }
0x75: {  	[tilespmem:s17], [sflag:$0x1] =	stream.linear.gather [hbm4b:s6+s8], $0x50, $0x38;
	[tilespmem:$0xF0A0] =	vst v63  }
0x76: {  	_ =	swait.ge [sflag:s26], $0x4B00  }
0x77: {  	[sflag:s26] =	ssyncset.done $0x0  }
0x78: {  	[sflag:s26] =	ssyncadd.s32 $0xFFFFB500  }
0x79: {  	_ =	swait.ge [sflag:s26], $0x50  }
0x7a: {  	[sflag:s26] =	ssyncset.done $0x0  }
0x7b: {  	s8 =	simm.s32 $0x0;
	[sflag:s26] =	ssyncadd.s32 $0xFFFFFFB0  }
0x7c: {  	v1 =	vld [tilespmem:s8+$0x4B00];
	_ =	sdelay $0x4  }
0x7d: {  	v1 =	vmul.f32 v1, v1  }
0x7e: {  	s6 =	simm.s32 $0xAF20  }
0x7f: {  	[tilespmem:s6+$0xFFFFFFE0] =	vst v1  }
0x80: {  	v1 =	vld [tilespmem:s8+$0x4B10];
	_ =	sdelay $0x4  }
0x81: {  	v1 =	vmul.f32 v1, v1;
	_ =	sdelay $0x1  }
0x82: {  	[tilespmem:s6+$0xFFFFFFF0] =	vst v1  }
0x83: {  	v1 =	vld [tilespmem:s8+$0x4B20];
	_ =	sdelay $0x4  }
0x84: {  	v1 =	vmul.f32 v1, v1;
	_ =	sdelay $0x1  }
0x85: {  	[tilespmem:s6+$0x0] =	vst v1  }
0x86: {  	v1 =	vld [tilespmem:s8+$0x4B30];
	_ =	sdelay $0x4  }
0x87: {  	v1 =	vmul.f32 v1, v1;
	_ =	sdelay $0x1  }
0x88: {  	s7 =	simm.s32 $0xF0;
	s8 =	simm.s32 $0x780;
	[tilespmem:s6+$0x10] =	vst v1  }
.LBB2_8:
0x89: {  	p1 =	sne.s32 s8, $0x12840;
	v1 =	vld [tilespmem:s7+$0x4B00];
	_ =	sdelay $0x4  }
0x8a: {  	v1 =	vmul.f32 v1, v1  }
0x8b: {  	s6 =	sadd.s32 $0x50, s6  }
0x8c: {  	[tilespmem:s6+$0xFFFFFFE0] =	vst v1  }
0x8d: {  	v1 =	vld [tilespmem:s7+$0x4B10];
	_ =	sdelay $0x4  }
0x8e: {  	v1 =	vmul.f32 v1, v1;
	_ =	sdelay $0x1  }
0x8f: {  	[tilespmem:s6+$0xFFFFFFF0] =	vst v1  }
0x90: {  	v1 =	vld [tilespmem:s7+$0x4B20];
	_ =	sdelay $0x4  }
0x91: {  	v1 =	vmul.f32 v1, v1;
	_ =	sdelay $0x1  }
0x92: {  	[tilespmem:s6+$0x0] =	vst v1  }
0x93: {  	v1 =	vld [tilespmem:s7+$0x4B30];
	_ =	sdelay $0x2  }
.Ltmp5:
0x94: {  	(pc) =	sbr.rel @p1 .LBB2_8-.Ltmp5, $3  }
0x95: {  	_ = 	snop  }
0x96: {  	v1 =	vmul.f32 v1, v1;
	_ =	sdelay $0x1  }
0x97: {  	s7 =	sshra.s32 s8, $0x2;
	s8 =	sadd.s32 $0x3C0, s8;
	[tilespmem:s6+$0x10] =	vst v1  }
0x98: {  	v1 =	vld [tilespmem:s7+$0x4B00];
	_ =	sdelay $0x4  }
0x99: {  	v1 =	vmul.f32 v1, v1  }
0x9a: {  	s6 =	sadd.s32 $0x50, s6  }
0x9b: {  	[tilespmem:s6+$0xFFFFFFE0] =	vst v1  }
0x9c: {  	v1 =	vld [tilespmem:s7+$0x4B10];
	_ =	sdelay $0x4  }
0x9d: {  	v1 =	vmul.f32 v1, v1;
	_ =	sdelay $0x1  }
0x9e: {  	[tilespmem:s6+$0xFFFFFFF0] =	vst v1  }
0x9f: {  	v1 =	vld [tilespmem:s7+$0x4B20];
	_ =	sdelay $0x4  }
0xa0: {  	v1 =	vmul.f32 v1, v1;
	_ =	sdelay $0x1  }
0xa1: {  	[tilespmem:s6+$0x0] =	vst v1  }
0xa2: {  	v1 =	vld [tilespmem:s7+$0x4B30];
	_ =	sdelay $0x4  }
0xa3: {  	v1 =	vmul.f32 v1, v1;
	_ =	sdelay $0x1  }
0xa4: {  	[tilespmem:s6+$0x10] =	vst v1  }
0xa5: {  	[spmem:s3] =	stream.indirect.scatter.add.f32 [tilespmem:s18], [sflag:$0x4], $0xF0, s19, s23, $0xb8;
	[tilespmem:$0xF0A0] =	vst v63  }
0xa6: {  	_ = 	snop  }
0xa7: {  	[spmem:s4] =	stream.indirect.scatter.add.f32 [tilespmem:s28], [sflag:$0x4], $0x50, s19, s23, $0xb8;
	[tilespmem:$0xF0A0] =	vst v63  }
0xa8: {  	_ =	swait.ge [sflag:s29], $0x4B00  }
0xa9: {  	p1 =	seq.s32 s31, $0x3D;
	[sflag:s29] =	ssyncset.done $0x0  }
0xaa: {  	s0 =	sadd.s32 @!p1 s0, s13;
	[sflag:s29] =	ssyncadd.s32 $0xFFFFB500  }
0xab: {  	s8 =	simm.s32 @!p1 $0x4B00;
	s6 =	smul.u32 @!p1 $0x1E, s0;
	_ =	swait.ge [sflag:s29], $0x1900  }
.Ltmp6:
0xac: {  	s7 =	simm.s32 @!p1 $0x0;
	[sflag:s29] =	ssyncset.done $0x0;
	(pc) =	sbr.rel .LBB2_4-.Ltmp6, $4  }
0xad: {  	s0 =	sshrl.u32 @!p1 s0, $0x3;
	s6 =	sadd.s32 @!p1 s1, s6;
	[sflag:s29] =	ssyncadd.s32 $0xFFFFE700  }
0xae: {  	[tilespmem:s8], [sflag:$0x2] =	stream.linear.gather @!p1 [hbm4b:s6+s7], $0x4B00, $0x38;
	[tilespmem:$0xF0A0] =	vst v63  }
0xaf: {  	s31 =	sadd.s32 $0x1, s31;
	s0 =	sadd.s32 @!p1 s2, s0;
	s6 =	simm.s32 @!p1 $0xC850  }
0xb0: {  	[tilespmem:s6], [sflag:$0x2] =	stream.linear.gather @!p1 [hbm4b:s0+s7], $0x50, $0x38;
	[tilespmem:$0xF0A0] =	vst v63  }
.LBB2_11:
0xb1: {  	_ =	sfence.sel $0x180000  }
0xb2: {  	[bflag:$0x0] =	sbarrier.arrive $0xFFFF  }
0xb3: {  	_ =	strace $0x90000047  }
0xb4: {  	[bflag:$0x2] =	sbarrier.arrive $0xFFFF  }
0xb5: {  	s0 =	rddreg [dreg:$0x5]  }
0xb6: {  	s0 =	sadd.s32 @!p0 $0x100000, s0  }
0xb7: {  	[sflag:s0] =	ssyncadd.tile.s32 @!p0 $0x1;
	_ =	shalt  }
.Lfunc_end2:
_tile_overlayer_lowered:
.L_overlay_start_2:
0xb8: {  	(tag) =	ssettag $0x2  }
0xb9: {  	s0 =	rddreg [dreg:$0x0];
	s2 =	stileid.u32  }
0xba: {  	s1 =	rddreg [dreg:$0x1];
	p0 =	sne.s32 s2, $0x0  }
0xbb: {  	s3 =	rddreg [dreg:$0x2];
	[bflag:$0x3] =	sbarrier.arrive $0xFFFF;
	s2 =	simm.s32 @!p0 $0x1C05  }
0xbc: {  	[timem:s3], [sflag:s2] =	dma.local @!p0 [hbm:s0], s1  }
0xbd: {  	s0 =	simm.s32 @!p0 $0x5  }
0xbe: {  	_ =	swait.ge @!p0 [sflag:s0], s1  }
0xbf: {  	s1 =	ssub.s32 @!p0 $0x0, s1;
	[sflag:s0] =	ssyncset.done @!p0 $0x0  }
0xc0: {  	[sflag:s0] =	ssyncadd.s32 @!p0 s1  }
0xc1: {  	[bflag:$0x3] =	sbarrier.arrive $0xFFFF  }
0xc2: {  	_ =	shalt  }

// kernel: kernel.7.cloned.1.call-start
scs
__scs_entry_jumppad:
0x0: {  	(pc) =	sbr.rel $0x88, $3  }
0x1: {  	(tag) =	ssettag $0x0;
	lr =	simm.s32 $0x1  }
0x2: {  	[smem:$0x3F9D] =	sst lr;
	_ =	strace $0xD0000000  }
0x3: {  	_ = 	snop  }
0x4: {  	_ = 	snop  }
0x5: {  	_ = 	snop  }
0x6: {  	_ = 	snop  }
0x7: {  	_ = 	snop  }
__scs_overlays_trampoline_lowered:
0x8: {  	[smem:$0x3FAC] =	sst s0  }
0x9: {  	[smem:$0x3FAD] =	sst s1  }
0xa: {  	[smem:$0x3FAE] =	sst s2  }
0xb: {  	[smem:$0x3FAF] =	sst s3  }
0xc: {  	[smem:$0x3FB0] =	sst s4  }
0xd: {  	[smem:$0x3FB1] =	sst s5  }
0xe: {  	[smem:$0x3FB2] =	sst s6  }
0xf: {  	[smem:$0x3FB3] =	sst s7  }
0x10: {  	[smem:$0x3FB4] =	sst s8  }
0x11: {  	[smem:$0x3FB5] =	sst s9;
	s0 =	simm.s32 @!p0 $0x0  }
0x12: {  	s1 =	sld [smem:$0x3F9B];
	s0 =	simm.s32 @p0 $0x1  }
0x13: {  	[smem:$0x3FB6] =	sst s0;
	s0 =	simm.s32 @!p1 $0x0  }
0x14: {  	s2 =	sld [smem:$0x3F9A];
	s0 =	simm.s32 @p1 $0x1  }
0x15: {  	[smem:$0x3FB7] =	sst s0;
	s0 =	simm.s32 @!p2 $0x0  }
0x16: {  	s3 =	sld [smem:$0x3FDB];
	s0 =	simm.s32 @p2 $0x1  }
0x17: {  	s4 =	simm.s32 $0x1BF5;
	[smem:$0x3FB9] =	sst s0  }
0x18: {  	s0 =	sld [smem:$0x3F9C];
	_ =	swait.ge [sflag:s4], $0x0  }
0x19: {  	s7 =	sld [smem:$0x3F9D]  }
0x1a: {  	s8 =	sadd.s32 $0xFFFFE003, lr  }
0x1b: {  	s9 =	sadd.s32 $0xFFFFFEF7, lr;
	s5 =	simm.s32 $0xFFFFFFFF;
	p2 =	slt.u32 s8, $0xFFFFF086  }
0x1c: {  	p1 =	slt.u32 s9, $0xF7A;
	s5 =	simm.s32 @!p2 $0x0  }
0x1d: {  	s5 =	simm.s32 @p1 $0x1;
	p0 =	seq.s32 s7, s2  }
0x1e: {  	s7 =	smul.u32 @!p0 $0xF7A, s2;
	p2 =	seq.s32 @!p0 s5, $0x0  }
0x1f: {  	s9 =	smul.u32 $0xF7A, s1;
	s8 =	simm.s32 @!p0 $0x1BF5;
	p2 =	por !p2, p0  }
0x20: {  	[sflag:s8] =	ssyncset.s32 @!p0 $0xFFFFF086;
	s6 =	sadd.s32 @!p0 s3, s7;
	s7 =	simm.s32 @!p0 $0x108  }
0x21: {  	s3 =	sadd.s32 s3, s9;
	s6 =	sadd.s32 @!p0 $0x88, s6;
	s7 =	simm.s32 @p2 $0x1082  }
0x22: {  	[simem:s7], [sflag:s8] =	dma.local @!p0 [hbm:s6], $0xF7A  }
0x23: {  	s9 =	sor.u32 $0xD0000000, s2;
	s6 =	simm.s32 $0x108;
	_ =	swait.ge @!p0 [sflag:s8], $0x0  }
0x24: {  	s3 =	sadd.s32 $0x88, s3;
	s6 =	simm.s32 @!p1 $0x1082;
	[sflag:s4] =	ssyncset.s32 $0xFFFFF086  }
0x25: {  	[simem:s6], [sflag:s4] =	dma.local [hbm:s3], $0xF7A  }
0x26: {  	[smem:$0x3F9D] =	sst s1;
	(tag) =	ssettag s2;
	_ =	strace s9  }
0x27: {  	s1 =	sld [smem:$0x3FAD]  }
0x28: {  	s2 =	sld [smem:$0x3FAE]  }
0x29: {  	s4 =	sld [smem:$0x3FB0]  }
0x2a: {  	p0 =	seq.s32 s5, $0x0;
	s5 =	sld [smem:$0x3FB1]  }
0x2b: {  	s6 =	sld [smem:$0x3FB2]  }
0x2c: {  	s7 =	sld [smem:$0x3FB3]  }
0x2d: {  	s3 =	simm.s32 $0x108;
	s8 =	sld [smem:$0x3FB4]  }
0x2e: {  	s3 =	simm.s32 @!p0 $0x1082;
	s9 =	sld [smem:$0x3FB5]  }
0x2f: {  	lr =	sadd.s32 s0, s3;
	s0 =	sld [smem:$0x3FAC]  }
0x30: {  	s3 =	sld [smem:$0x3FAF]  }
0x31: {  	[smem:$0x3FB8] =	sst s10  }
0x32: {  	s10 =	sld [smem:$0x3FB6];
	_ =	sdelay $0x3  }
0x33: {  	p0 =	seq.s32 s10, $0x1;
	s10 =	sld [smem:$0x3FB8];
	_ =	sdelay $0x3  }
0x34: {  	[smem:$0x3FB8] =	sst s10  }
0x35: {  	s10 =	sld [smem:$0x3FB7];
	_ =	sdelay $0x3  }
0x36: {  	p1 =	seq.s32 s10, $0x1;
	s10 =	sld [smem:$0x3FB8];
	_ =	sdelay $0x3  }
0x37: {  	[smem:$0x3FB8] =	sst s10  }
0x38: {  	s10 =	sld [smem:$0x3FB9]  }
0x39: {  	_ = 	snop;
	(pc) =	sbr.ind lr, $3  }
0x3a: {  	_ = 	snop  }
0x3b: {  	_ = 	snop  }
0x3c: {  	p2 =	seq.s32 s10, $0x1;
	s10 =	sld [smem:$0x3FB8]  }
0x3d: {  	_ =	shalt  }
0x3e: {  	_ =	shalt  }
0x3f: {  	_ =	shalt  }
0x40: {  	_ =	shalt  }
0x41: {  	_ =	shalt  }
0x42: {  	_ =	shalt  }
0x43: {  	_ =	shalt  }
0x44: {  	_ =	shalt  }
0x45: {  	_ =	shalt  }
0x46: {  	_ =	shalt  }
0x47: {  	_ =	shalt  }
0x48: {  	_ =	shalt  }
0x49: {  	_ =	shalt  }
0x4a: {  	_ =	shalt  }
0x4b: {  	_ =	shalt  }
0x4c: {  	_ =	shalt  }
0x4d: {  	_ =	shalt  }
0x4e: {  	_ =	shalt  }
0x4f: {  	_ =	shalt  }
0x50: {  	_ =	shalt  }
0x51: {  	_ =	shalt  }
0x52: {  	_ =	shalt  }
0x53: {  	_ =	shalt  }
0x54: {  	_ =	shalt  }
0x55: {  	_ =	shalt  }
0x56: {  	_ =	shalt  }
0x57: {  	_ =	shalt  }
0x58: {  	_ =	shalt  }
0x59: {  	_ =	shalt  }
0x5a: {  	_ =	shalt  }
0x5b: {  	_ =	shalt  }
0x5c: {  	_ =	shalt  }
0x5d: {  	_ =	shalt  }
0x5e: {  	_ =	shalt  }
0x5f: {  	_ =	shalt  }
0x60: {  	_ =	shalt  }
0x61: {  	_ =	shalt  }
0x62: {  	_ =	shalt  }
0x63: {  	_ =	shalt  }
0x64: {  	_ =	shalt  }
0x65: {  	_ =	shalt  }
0x66: {  	_ =	shalt  }
0x67: {  	_ =	shalt  }
0x68: {  	_ =	shalt  }
0x69: {  	_ =	shalt  }
0x6a: {  	_ =	shalt  }
0x6b: {  	_ =	shalt  }
0x6c: {  	_ =	shalt  }
0x6d: {  	_ =	shalt  }
0x6e: {  	_ =	shalt  }
0x6f: {  	_ =	shalt  }
0x70: {  	_ =	shalt  }
0x71: {  	_ =	shalt  }
0x72: {  	_ =	shalt  }
0x73: {  	_ =	shalt  }
0x74: {  	_ =	shalt  }
0x75: {  	_ =	shalt  }
0x76: {  	_ =	shalt  }
0x77: {  	_ =	shalt  }
0x78: {  	_ =	shalt  }
0x79: {  	_ =	shalt  }
0x7a: {  	_ =	shalt  }
0x7b: {  	_ =	shalt  }
0x7c: {  	_ =	shalt  }
0x7d: {  	_ =	shalt  }
0x7e: {  	_ =	shalt  }
0x7f: {  	_ =	shalt  }
0x80: {  	_ =	shalt  }
0x81: {  	_ =	shalt  }
0x82: {  	_ =	shalt  }
0x83: {  	_ =	shalt  }
0x84: {  	_ =	shalt  }
0x85: {  	_ =	shalt  }
0x86: {  	_ =	shalt  }
0x87: {  	_ =	shalt  }
.Lfunc_end0:
.L_simem_size_0:
called_computation.2_lowered:
.L_overlay_start_0:
0x88: {  	s2 =	sld [smem:$0x3FD9]  }
0x89: {  	s3 =	sld [smem:$0x3FFE];
	_ =	sdelay $0x1  }
0x8a: {  	s1 =	srdreg.scid  }
0x8b: {  	s0 =	sand.u32 $0x1, s1  }
0x8c: {  	s17 =	sshll.u32 s0, $0xA;
	s2 =	sadd.s32 s3, s2  }
0x8d: {  	s2 =	sadd.s32 s2, s17  }
0x8e: {  	[smem:$0x3FC4] =	sst s2  }
0x8f: {  	_ = 	snop  }
0x90: {  	s2 =	sld [smem:$0x3FC8]  }
0x91: {  	s18 =	sld [smem:$0x3FD0];
	(tm) =	ssettm $0x1  }
0x92: {  	s4 =	sld [smem:$0x3FFB];
	_ =	sdelay $0x3  }
0x93: {  	_ =	strace s4  }
0x94: {  	s4 =	sld [smem:$0x3FFC];
	_ =	sdelay $0x3  }
0x95: {  	_ =	strace s4  }
0x96: {  	s4 =	sld [smem:$0x3FFD];
	_ =	sdelay $0x3  }
0x97: {  	_ =	strace s4  }
0x98: {  	_ =	strace $0x8FFFFFFF  }
0x99: {  	s19 =	sld [smem:$0x3FDB];
	_ =	sdelay $0x1  }
0x9a: {  	s5 =	simm.s32 $_scs_section_size  }
0x9b: {  	s6 =	simm.s32 $_size__tile_overlayer_lowered;
	s7 =	simm.s32 $_tile_overlayer_lowered  }
0x9c: {  	s22 =	simm.s32 $0x1BFF;
	s21 =	sshll.u32 s7, $0x1;
	s4 =	sadd.s32 s5, s19  }
0x9d: {  	s8 =	simm.s32 $0x0;
	s20 =	sshll.u32 s6, $0x1;
	s6 =	sadd.s32 s21, s4  }
0x9e: {  	[timem:s8], [sflag:s22] =	dma.local [hbm:s6], s20  }
0x9f: {  	_ =	swait.ge [sflag:s22], s20  }
0xa0: {  	s5 =	ssub.s32 $0x0, s20;
	[sflag:s22] =	ssyncset.done $0x0  }
0xa1: {  	[sflag:s22] =	ssyncadd.s32 s5;
	_ =	sdelay $0x1  }
0xa2: {  	s23 =	simm.s32 $0x1B8B  }
0xa3: {  	_ =	swait.ge [sflag:s23], $0x1  }
0xa4: {  	[sflag:s23] =	ssyncset.done $0x0  }
0xa5: {  	s25 =	simm.s32 $0x1B8E;
	s24 =	sld [smem:$0x3FFE];
	[sflag:s23] =	ssyncadd.s32 $0xFFFFFFFF  }
0xa6: {  	s26 =	simm.s32 $execute0_lowered;
	[smem:$0x3FD2] =	sst s25  }
0xa7: {  	s6 =	sshll.u32 s26, $0x1;
	_ =	strace $0x80000049;
	[dreg:$0x1] =	wrdreg $0xFFFFFFFF  }
0xa8: {  	s28 =	simm.s32 $_size_execute0_lowered;
	s4 =	sadd.s32 s4, s6;
	[dreg:$0x0] =	wrdreg $0x0  }
0xa9: {  	s6 =	sshll.u32 s28, $0x1;
	[dreg:$0x2] =	wrdreg s4  }
0xaa: {  	[dreg:$0x3] =	wrdreg s6  }
0xab: {  	[dreg:$0x4] =	wrdreg $0xC0  }
0xac: {  	_ =	task [dreg:s8], $0x5FFFF  }
0xad: {  	[dreg:$0x1] =	wrdreg $0xFFFFFFFF  }
0xae: {  	[dreg:$0x0] =	wrdreg $0x60  }
0xaf: {  	[dreg:$0x2] =	wrdreg s18  }
0xb0: {  	[dreg:$0x3] =	wrdreg s2  }
0xb1: {  	[dreg:$0x4] =	wrdreg s24  }
0xb2: {  	[dreg:$0x5] =	wrdreg $0x16FA00  }
0xb3: {  	[dreg:$0x6] =	wrdreg $0x177A00  }
0xb4: {  	[dreg:$0x7] =	wrdreg $0x9  }
0xb5: {  	_ =	task.clear_ibuf [dreg:s8], $0x8FFFF;
	_ =	strace $0x90000049  }
0xb6: {  	s29 =	simm.s32 $0x9;
	_ =	strace $0x8000004B  }
0xb7: {  	_ =	swait.ge [sflag:s29], $0x1  }
0xb8: {  	[sflag:s29] =	ssyncadd.s32 $0xFFFFFFFF  }
0xb9: {  	_ =	strace $0x9000004B  }
0xba: {  	_ =	sfence  }
0xbb: {  	s30 =	sld [smem:$0x0];
	_ =	sdelay $0x2  }
0xbc: {  	s31 =	sshll.u32 s1, $0xD;
	s1 =	sshrl.u32 s1, $0x2  }
0xbd: {  	s3 =	sand.u32 $0x4000, s31;
	s1 =	sadd.s32 s1, s30  }
0xbe: {  	s0 =	sor.u32 s3, s0;
	s1 =	sshll.u32 s1, $0x11  }
0xbf: {  	s0 =	sor.u32 s1, s0  }
0xc0: {  	s0 =	sadd.s32 $0x8F2B, s0  }
0xc1: {  	[sflag:s0] =	ssyncadd.remote.s32 $0x1  }
0xc2: {  	_ =	sfence.sel $0xFFFF  }
0xc3: {  	[dreg:$0x0] =	wrdreg $0xFFFFFFFF;
	(pc) =	sbr.abs _section_cstart, $3  }
0xc4: {  	[dreg:$0x1] =	wrdreg $0xFFFFFFFF  }
0xc5: {  	_ =	task.clear_ibuf [dreg:s8], $0x2FFFF;
	_ =	strace $0x9FFFFFFF  }
0xc6: {  	(tm) =	ssettm $0x7FFFFFFF  }
0xc7: {  	_ =	shalt  }
tec
execute0_lowered:
.L_overlay_start_1:
0x0: {  	(tag) =	ssettag $0x1  }
0x1: {  	s1 =	rddreg [dreg:$0x0]  }
0x2: {  	s3 =	rddreg [dreg:$0x1]  }
0x3: {  	s0 =	rddreg [dreg:$0x2]  }
0x4: {  	s4 =	rddreg [dreg:$0x3]  }
0x5: {  	s5 =	rddreg [dreg:$0x4]  }
0x6: {  	s12 =	stileid.u32;
	s6 =	simm.s32 $0x0;
	s9 =	srdreg.scid  }
0x7: {  	s31 =	simm.s32 $0x14500;
	s28 =	simm.s32 $0x1;
	s29 =	simm.s32 $0x50  }
0x8: {  	s30 =	simm.s32 $0x3;
	s14 =	simm.s32 $0x0;
	s2 =	smul.u32 $0x1E00, s12  }
0x9: {  	[smem:$0x7FF] =	sst s6;
	s7 =	smul.u32 $0xA00, s12;
	s10 =	sadd.s32 $0x10600, s0  }
0xa: {  	s15 =	sadd.s32 $0x10400, s0;
	_ =	strace $0x8000004A;
	[dreg:$0x6] =	wrdreg s10  }
0xb: {  	s9 =	sand.u32 $0x1, s9;
	s19 =	sshll.u32 s12, $0xB;
	[dreg:$0x7] =	wrdreg s15  }
0xc: {  	s16 =	ssub.s32 $0x2, s9;
	s11 =	sshll.u32 s9, $0x4;
	s9 =	sadd.s32 $0x10800, s0  }
0xd: {  	s8 =	sshrl.u32 s2, $0x3;
	s7 =	sshrl.u32 s7, $0x3;
	s17 =	sshrl.u32 s16, $0x1  }
0xe: {  	s11 =	sor.u32 s12, s11;
	s2 =	sadd.s32 s2, s5;
	s12 =	simm.s32 $0x15900  }
0xf: {  	s8 =	sadd.s32 s8, s0;
	s7 =	sadd.s32 s7, s0;
	s0 =	ssub.s32 s16, s17  }
0x10: {  	s10 =	smul.u32 $0x2710, s11;
	[dreg:$0xd] =	wrdreg s2;
	s13 =	sadd.s32 $0x6400, s8  }
0x11: {  	s20 =	smul.u32 $0x493E0, s11;
	s8 =	sadd.s32 $0xA000, s8;
	[dreg:$0x8] =	wrdreg s13  }
0x12: {  	s11 =	simm.s32 $0xFA00;
	s18 =	sadd.s32 $0xDC00, s7;
	[dreg:$0x9] =	wrdreg s8  }
0x13: {  	s7 =	sadd.s32 $0xF000, s7;
	s0 =	smax.u32 s0, $0x1;
	[dreg:$0xa] =	wrdreg s18  }
0x14: {  	[dreg:$0xb] =	wrdreg s7;
	s21 =	sadd.s32 $0x50, s10;
	s7 =	sadd.s32 s19, s4  }
0x15: {  	s23 =	sadd.s32 s1, s20;
	s24 =	sshrl.u32 s10, $0x3;
	[dreg:$0x12] =	wrdreg s0  }
0x16: {  	s0 =	simm.s32 $0xAF00;
	s8 =	simm.s32 $0x2;
	[dreg:$0xc] =	wrdreg s7  }
0x17: {  	s13 =	simm.s32 $0x4;
	s22 =	smul.u32 $0x1E, s21;
	[dreg:$0xe] =	wrdreg s23  }
.Ltmp0:
0x18: {  	s25 =	sshrl.u32 s21, $0x3;
	s7 =	sadd.s32 s3, s24;
	(pc) =	sbr.rel .LBB2_1-.Ltmp0, $4  }
0x19: {  	s21 =	sadd.s32 $0xA0, s10;
	s24 =	simm.s32 $0x5;
	[dreg:$0xf] =	wrdreg s7  }
0x1a: {  	s26 =	sadd.s32 s3, s25;
	s25 =	simm.s32 $0x7;
	s7 =	simm.s32 $0x6  }
0x1b: {  	s2 =	sadd.s32 s1, s22;
	[dreg:$0x11] =	wrdreg s26;
	s22 =	sadd.s32 $0xF0, s10  }
0x1c: {  	s26 =	simm.s32 $0x16D50;
	[dreg:$0x10] =	wrdreg s2;
	s2 =	simm.s32 $0x16D00  }
.LBB2_12:
0x1d: {  	_ =	swait.ge [sflag:s24], $0x4B00  }
0x1e: {  	[sflag:s24] =	ssyncset.done $0x0  }
0x1f: {  	[sflag:s24] =	ssyncadd.s32 $0xFFFFB500  }
0x20: {  	_ =	swait.ge [sflag:s7], $0x4B00  }
0x21: {  	s14 =	sadd.s32 $0x1, s14;
	s15 =	rddreg [dreg:$0x12]  }
0x22: {  	p0 =	sne.s32 s14, s15  }
.Ltmp1:
0x23: {  	_ = 	snop;
	(pc) =	sbr.rel @!p0 .LBB2_13-.Ltmp1, $3  }
0x24: {  	_ =	sdelay $0x1  }
0x25: {  	[sflag:s7] =	ssyncset.done $0x0  }
0x26: {  	[sflag:s7] =	ssyncadd.s32 $0xFFFFB500  }
.LBB2_1:
0x27: {  	s15 =	rddreg [dreg:$0x6];
	s16 =	simm.s32 $0x16DA0  }
0x28: {  	[tilespmem:s16], [sflag:$0x7] =	stream.linear.gather [hbm4b:s15+s6], $0xF0, $0x38;
	[tilespmem:$0x195A0] =	vst v63  }
0x29: {  	_ =	swait.ge [sflag:s25], $0xF0  }
0x2a: {  	[sflag:s25] =	ssyncset.done $0x0  }
0x2b: {  	s20 =	simm.s32 $0x16E90;
	s19 =	rddreg [dreg:$0x7];
	[sflag:s25] =	ssyncadd.s32 $0xFFFFFF10  }
0x2c: {  	[tilespmem:s20], [sflag:$0x7] =	stream.linear.gather [hbm4b:s19+s6], $0xF0, $0x38;
	[tilespmem:$0x195A0] =	vst v63  }
0x2d: {  	_ =	swait.ge [sflag:s25], $0xF0  }
0x2e: {  	[sflag:s25] =	ssyncset.done $0x0  }
0x2f: {  	s23 =	rddreg [dreg:$0x8];
	[sflag:s25] =	ssyncadd.s32 $0xFFFFFF10  }
0x30: {  	[tilespmem:s6], [sflag:$0x7] =	stream.linear.gather [hbm4b:s23+s6], $0x1E00, $0x38;
	[tilespmem:$0x195A0] =	vst v63  }
0x31: {  	_ =	swait.ge [sflag:s25], $0x1E00  }
0x32: {  	[sflag:s25] =	ssyncset.done $0x0  }
0x33: {  	s17 =	simm.s32 $0x1E00;
	s16 =	rddreg [dreg:$0x9];
	[sflag:s25] =	ssyncadd.s32 $0xFFFFE200  }
0x34: {  	[tilespmem:s17], [sflag:$0x7] =	stream.linear.gather [hbm4b:s16+s6], $0x1E00, $0x38;
	[tilespmem:$0x195A0] =	vst v63  }
0x35: {  	_ =	swait.ge [sflag:s25], $0x1E00  }
0x36: {  	[sflag:s25] =	ssyncset.done $0x0  }
0x37: {  	s19 =	simm.s32 $0x9600;
	s18 =	rddreg [dreg:$0xa];
	[sflag:s25] =	ssyncadd.s32 $0xFFFFE200  }
0x38: {  	[tilespmem:s19], [sflag:$0x7] =	stream.linear.gather [hbm4b:s18+s6], $0xA00, $0x38;
	[tilespmem:$0x195A0] =	vst v63  }
0x39: {  	_ =	swait.ge [sflag:s25], $0xA00  }
0x3a: {  	[sflag:s25] =	ssyncset.done $0x0  }
0x3b: {  	s23 =	simm.s32 $0xA000;
	s20 =	rddreg [dreg:$0xb];
	[sflag:s25] =	ssyncadd.s32 $0xFFFFF600  }
0x3c: {  	[tilespmem:s23], [sflag:$0x7] =	stream.linear.gather [hbm4b:s20+s6], $0xA00, $0x38;
	[tilespmem:$0x195A0] =	vst v63  }
0x3d: {  	_ =	swait.ge [sflag:s25], $0xA00  }
0x3e: {  	[sflag:s25] =	ssyncset.done $0x0  }
0x3f: {  	[sflag:s25] =	ssyncadd.s32 $0xFFFFF600  }
0x40: {  	v0 =	vld [tilespmem:$0x16DA0]  }
0x41: {  	v1 =	vld [tilespmem:$0x16DB0]  }
0x42: {  	v2 =	vld [tilespmem:$0x16DC0]  }
0x43: {  	v3 =	vld [tilespmem:$0x16DD0]  }
0x44: {  	v4 =	vld [tilespmem:$0x16DE0]  }
0x45: {  	v5 =	vld [tilespmem:$0x16DF0]  }
0x46: {  	v6 =	vld [tilespmem:$0x16E00]  }
0x47: {  	v7 =	vld [tilespmem:$0x16E10]  }
0x48: {  	v8 =	vld [tilespmem:$0x16E20]  }
0x49: {  	v9 =	vld [tilespmem:$0x16E30]  }
0x4a: {  	v10 =	vld [tilespmem:$0x16E40]  }
0x4b: {  	v11 =	vld [tilespmem:$0x16E50]  }
0x4c: {  	v12 =	vld [tilespmem:$0x16E60]  }
0x4d: {  	v13 =	vld [tilespmem:$0x16E70]  }
0x4e: {  	v14 =	vld [tilespmem:$0x16E80]  }
0x4f: {  	v15 =	vld [tilespmem:$0x16E90]  }
0x50: {  	v16 =	vld [tilespmem:$0x16EA0]  }
0x51: {  	v17 =	vld [tilespmem:$0x16EB0]  }
0x52: {  	v18 =	vld [tilespmem:$0x16EC0]  }
0x53: {  	v19 =	vld [tilespmem:$0x16ED0]  }
0x54: {  	v20 =	vld [tilespmem:$0x16EE0]  }
0x55: {  	v21 =	vld [tilespmem:$0x16EF0]  }
0x56: {  	v22 =	vld [tilespmem:$0x16F00]  }
0x57: {  	v23 =	vld [tilespmem:$0x16F10]  }
0x58: {  	v24 =	vld [tilespmem:$0x16F20]  }
0x59: {  	v25 =	vld [tilespmem:$0x16F30]  }
0x5a: {  	v26 =	vld [tilespmem:$0x16F40]  }
0x5b: {  	v27 =	vld [tilespmem:$0x16F50]  }
0x5c: {  	v28 =	vld [tilespmem:$0x16F60]  }
0x5d: {  	s15 =	simm.s32 $0x14520;
	s16 =	simm.s32 $0xA040;
	s17 =	simm.s32 $0x0;
	v29 =	vld [tilespmem:$0x16F70]  }
.LBB2_2:
0x5e: {  	v30 =	vld [tilespmem:s16+$0xFFFFF600]  }
0x5f: {  	v31 =	vld [tilespmem:s16+$0x0]  }
0x60: {  	v47 =	vld [tilespmem:s16+$0xFFFFF5C0]  }
0x61: {  	v48 =	vld [tilespmem:s16+$0xFFFFFFC0]  }
0x62: {  	v49 =	vld [tilespmem:s16+$0xFFFFF5D0]  }
0x63: {  	v51 =	vld [tilespmem:s16+$0xFFFFFFD0]  }
0x64: {  	v54 =	vld [tilespmem:s16+$0xFFFFFFE0];
	v57 =	vadd.f32 v31, v30  }
0x65: {  	v55 =	vld [tilespmem:s16+$0xFFFFF5F0]  }
0x66: {  	s18 =	sshra.s32 s17, $0x2;
	v58 =	vld [tilespmem:s16+$0xFFFFFFF0];
	v30 =	vadd.f32 $9.999999960e-13, v57  }
0x67: {  	v38 =	vld [tilespmem:s18+$0x0]  }
0x68: {  	v39 =	vld [tilespmem:s18+$0x1E00];
	(erf) = vrcp.f32 v30  }
0x69: {  	v40 =	vld [tilespmem:s18+$0x10]  }
0x6a: {  	v41 =	vld [tilespmem:s18+$0x1E10]  }
0x6b: {  	v42 =	vld [tilespmem:s18+$0x20]  }
0x6c: {  	v43 =	vld [tilespmem:s18+$0x1E20]  }
0x6d: {  	v44 =	vld [tilespmem:s18+$0x30]  }
0x6e: {  	v45 =	vld [tilespmem:s18+$0x1E30]  }
0x6f: {  	v33 =	vld [tilespmem:s18+$0x1E40]  }
0x70: {  	v32 =	vld [tilespmem:s18+$0x50];
	v46 =	vadd.f32 v39, v38  }
0x71: {  	v34 =	vld [tilespmem:s18+$0x1E50];
	v41 =	vadd.f32 v41, v40;
	v30 =	vpop (erf)  }
0x72: {  	v35 =	vld [tilespmem:s18+$0x60];
	v39 =	vmul.f32 v30, v46  }
0x73: {  	v36 =	vld [tilespmem:s18+$0x1E60];
	v47 =	vadd.f32 v48, v47;
	v40 =	vmul.f32 v41, v30  }
0x74: {  	v37 =	vld [tilespmem:s18+$0x70];
	v52 =	vadd.f32 v43, v42;
	v50 =	vadd.f32 v39, v39  }
0x75: {  	v31 =	vld [tilespmem:s18+$0x40];
	v60 =	vadd.f32 v51, v49;
	v61 =	vmul.f32 v39, v57;
	v62 =	vadd.f32 v40, v40  }
0x76: {  	v53 =	vadd.f32 v45, v44;
	v43 =	vmul.f32 v52, v30;
	v46 =	vmul.f32 v50, v46;
	v50 =	vld [tilespmem:s16+$0xFFFFF5E0]  }
0x77: {  	v48 =	vld [tilespmem:s18+$0x1EA0];
	v55 =	vadd.f32 v58, v55;
	v63 =	vmul.f32 v61, v39;
	v61 =	vmul.f32 v62, v41  }
0x78: {  	v38 =	vld [tilespmem:s18+$0x1E70];
	v62 =	vmul.f32 v40, v57;
	v41 =	vmul.f32 v53, v30;
	v46 =	vsub.f32 v47, v46  }
0x79: {  	v42 =	vld [tilespmem:s18+$0x80];
	v56 =	vadd.f32 v43, v43;
	v49 =	vsub.f32 v60, v61  }
0x7a: {  	v44 =	vld [tilespmem:s18+$0x1E80];
	v51 =	vmul.f32 v62, v40;
	v61 =	vadd.f32 v41, v41;
	v59 =	vadd.f32 v46, v63  }
0x7b: {  	v45 =	vld [tilespmem:s18+$0x90];
	v52 =	vmul.f32 v56, v52;
	v63 =	vmul.f32 v43, v57;
	v50 =	vadd.f32 v54, v50  }
0x7c: {  	v56 =	vld [tilespmem:s18+$0x1ED0];
	v51 =	vadd.f32 v49, v51;
	v62 =	vmul.f32 v61, v53;
	v60 =	vadd.f32 $0.0e+00, v59  }
0x7d: {  	v47 =	vld [tilespmem:s18+$0xA0];
	v54 =	vmul.f32 v63, v43;
	v63 =	vmul.f32 v41, v57;
	v52 =	vsub.f32 v50, v52  }
0x7e: {  	v46 =	vld [tilespmem:s18+$0x1E90];
	v51 =	vadd.f32 v51, v60  }
0x7f: {  	v49 =	vld [tilespmem:s18+$0xB0];
	v60 =	vsub.f32 v55, v62;
	v61 =	vmul.f32 v63, v41;
	v52 =	vadd.f32 v52, v54  }
0x80: {  	v53 =	vld [tilespmem:s18+$0x1EB0]  }
0x81: {  	v50 =	vld [tilespmem:s18+$0xC0];
	v58 =	vadd.f32 v60, v61;
	v52 =	vadd.f32 v52, v51  }
0x82: {  	v55 =	vld [tilespmem:s18+$0xD0]  }
0x83: {  	v54 =	vld [tilespmem:s18+$0x1EC0];
	v58 =	vadd.f32 v58, v52  }
0x84: {  	v51 =	vld [tilespmem:s18+$0xE0]  }
0x85: {  	v52 =	vld [tilespmem:s18+$0x1EE0];
	[tilespmem:$0x16F80] =	vst v58  }
0x86: {  	[tilespmem:$0x16F90] =	vst v58  }
0x87: {  	v62 =	vld [tilespmem:$0x16F88];
	_ =	sdelay $0x4  }
0x88: {  	v58 =	vadd.f32 v58, v62;
	_ =	sdelay $0x1  }
0x89: {  	[tilespmem:$0x16F80] =	vst v58  }
0x8a: {  	[tilespmem:$0x16F90] =	vst v58  }
0x8b: {  	v63 =	vld [tilespmem:$0x16F84];
	_ =	sdelay $0x4  }
0x8c: {  	v58 =	vadd.f32 v63, v58;
	_ =	sdelay $0x1  }
0x8d: {  	[tilespmem:$0x16F80] =	vst v58  }
0x8e: {  	[tilespmem:$0x16F90] =	vst v58  }
0x8f: {  	v60 =	vld [tilespmem:$0x16F82];
	_ =	sdelay $0x2  }
0x90: {  	v57 =	vmax.f32 v57, $1.000000000e+00  }
0x91: {  	v57 =	vmul.f32 $6.400000000e+01, v57  }
0x92: {  	v58 =	vadd.f32 v60, v58  }
0x93: {  	(erf) = vrcp.f32 v57  }
0x94: {  	[tilespmem:$0x16F80] =	vst v58  }
0x95: {  	[tilespmem:$0x16F90] =	vst v58  }
0x96: {  	v61 =	vld [tilespmem:$0x16F81];
	_ =	sdelay $0x4  }
0x97: {  	v57 =	vadd.f32 v61, v58  }
0x98: {  	v62 =	vpop (erf)  }
0x99: {  	v57 =	vmul.f32 v57, v62;
	_ =	sdelay $0x1  }
0x9a: {  	v58 =	vadd.f32 $1.000000000e+00, v57;
	_ =	sdelay $0x1  }
0x9b: {  	v58 =	vmul.f32 $5.000000000e-01, v58;
	_ =	sdelay $0x1  }
0x9c: {  	(erf) = vrcp.f32 v58;
	_ =	sdelay $0x8  }
0x9d: {  	v63 =	vpop (erf)  }
0x9e: {  	v59 =	vmul.f32 v63, v57;
	_ =	sdelay $0x1  }
0x9f: {  	v58 =	vadd.f32 v59, v58;
	_ =	sdelay $0x1  }
0xa0: {  	v58 =	vmul.f32 $5.000000000e-01, v58;
	_ =	sdelay $0x1  }
0xa1: {  	(erf) = vrcp.f32 v58;
	_ =	sdelay $0x8  }
0xa2: {  	v60 =	vpop (erf)  }
0xa3: {  	v59 =	vmul.f32 v60, v57;
	_ =	sdelay $0x1  }
0xa4: {  	v58 =	vadd.f32 v59, v58;
	_ =	sdelay $0x1  }
0xa5: {  	v58 =	vmul.f32 $5.000000000e-01, v58;
	_ =	sdelay $0x1  }
0xa6: {  	(erf) = vrcp.f32 v58;
	_ =	sdelay $0x8  }
0xa7: {  	v61 =	vpop (erf)  }
0xa8: {  	v59 =	vmul.f32 v61, v57;
	_ =	sdelay $0x1  }
0xa9: {  	v58 =	vadd.f32 v59, v58;
	_ =	sdelay $0x1  }
0xaa: {  	v58 =	vmul.f32 $5.000000000e-01, v58;
	_ =	sdelay $0x1  }
0xab: {  	(erf) = vrcp.f32 v58;
	_ =	sdelay $0x8  }
0xac: {  	v62 =	vpop (erf)  }
0xad: {  	v59 =	vmul.f32 v62, v57;
	_ =	sdelay $0x1  }
0xae: {  	v58 =	vadd.f32 v59, v58;
	_ =	sdelay $0x1  }
0xaf: {  	v58 =	vmul.f32 $5.000000000e-01, v58;
	_ =	sdelay $0x1  }
0xb0: {  	(erf) = vrcp.f32 v58;
	_ =	sdelay $0x8  }
0xb1: {  	v63 =	vpop (erf)  }
0xb2: {  	v59 =	vmul.f32 v63, v57;
	_ =	sdelay $0x1  }
0xb3: {  	v58 =	vadd.f32 v59, v58;
	_ =	sdelay $0x1  }
0xb4: {  	v58 =	vmul.f32 $5.000000000e-01, v58;
	_ =	sdelay $0x1  }
0xb5: {  	(erf) = vrcp.f32 v58;
	_ =	sdelay $0x8  }
0xb6: {  	v60 =	vpop (erf)  }
0xb7: {  	v59 =	vmul.f32 v60, v57;
	_ =	sdelay $0x1  }
0xb8: {  	v58 =	vadd.f32 v59, v58;
	_ =	sdelay $0x1  }
0xb9: {  	v58 =	vmul.f32 $5.000000000e-01, v58;
	_ =	sdelay $0x1  }
0xba: {  	(erf) = vrcp.f32 v58;
	_ =	sdelay $0x8  }
0xbb: {  	v61 =	vpop (erf)  }
0xbc: {  	v59 =	vmul.f32 v61, v57;
	_ =	sdelay $0x1  }
0xbd: {  	v58 =	vadd.f32 v59, v58;
	_ =	sdelay $0x1  }
0xbe: {  	v58 =	vmul.f32 $5.000000000e-01, v58;
	_ =	sdelay $0x1  }
0xbf: {  	(erf) = vrcp.f32 v58;
	_ =	sdelay $0x8  }
0xc0: {  	v62 =	vpop (erf)  }
0xc1: {  	v59 =	vmul.f32 v62, v57;
	_ =	sdelay $0x1  }
0xc2: {  	v58 =	vadd.f32 v59, v58;
	_ =	sdelay $0x1  }
0xc3: {  	v58 =	vmul.f32 $5.000000000e-01, v58;
	_ =	sdelay $0x1  }
0xc4: {  	(erf) = vrcp.f32 v58;
	_ =	sdelay $0x8  }
0xc5: {  	v63 =	vpop (erf)  }
0xc6: {  	v59 =	vmul.f32 v63, v57;
	_ =	sdelay $0x1  }
0xc7: {  	v58 =	vadd.f32 v59, v58;
	_ =	sdelay $0x1  }
0xc8: {  	v58 =	vmul.f32 $5.000000000e-01, v58;
	_ =	sdelay $0x1  }
0xc9: {  	(erf) = vrcp.f32 v58;
	_ =	sdelay $0x8  }
0xca: {  	v60 =	vpop (erf)  }
0xcb: {  	v59 =	vmul.f32 v60, v57;
	_ =	sdelay $0x1  }
0xcc: {  	v58 =	vadd.f32 v59, v58;
	_ =	sdelay $0x1  }
0xcd: {  	v58 =	vmul.f32 $5.000000000e-01, v58;
	_ =	sdelay $0x1  }
0xce: {  	(erf) = vrcp.f32 v58;
	_ =	sdelay $0x8  }
0xcf: {  	v61 =	vpop (erf)  }
0xd0: {  	v59 =	vmul.f32 v61, v57;
	_ =	sdelay $0x1  }
0xd1: {  	v58 =	vadd.f32 v59, v58;
	_ =	sdelay $0x1  }
0xd2: {  	v58 =	vmul.f32 $5.000000000e-01, v58;
	_ =	sdelay $0x1  }
0xd3: {  	(erf) = vrcp.f32 v58;
	_ =	sdelay $0x8  }
0xd4: {  	v62 =	vpop (erf)  }
0xd5: {  	v59 =	vmul.f32 v62, v57;
	_ =	sdelay $0x1  }
0xd6: {  	v58 =	vadd.f32 v59, v58;
	_ =	sdelay $0x1  }
0xd7: {  	v58 =	vmul.f32 $5.000000000e-01, v58;
	_ =	sdelay $0x1  }
0xd8: {  	(erf) = vrcp.f32 v58;
	_ =	sdelay $0x8  }
0xd9: {  	v63 =	vpop (erf)  }
0xda: {  	v59 =	vmul.f32 v63, v57;
	_ =	sdelay $0x1  }
0xdb: {  	v58 =	vadd.f32 v59, v58;
	_ =	sdelay $0x1  }
0xdc: {  	v58 =	vmul.f32 $5.000000000e-01, v58;
	_ =	sdelay $0x1  }
0xdd: {  	(erf) = vrcp.f32 v58;
	_ =	sdelay $0x8  }
0xde: {  	v60 =	vpop (erf)  }
0xdf: {  	v59 =	vmul.f32 v60, v57;
	_ =	sdelay $0x1  }
0xe0: {  	v58 =	vadd.f32 v59, v58;
	_ =	sdelay $0x1  }
0xe1: {  	v58 =	vmul.f32 $5.000000000e-01, v58;
	_ =	sdelay $0x1  }
0xe2: {  	(erf) = vrcp.f32 v58;
	_ =	sdelay $0x8  }
0xe3: {  	v61 =	vpop (erf)  }
0xe4: {  	v59 =	vmul.f32 v61, v57;
	_ =	sdelay $0x1  }
0xe5: {  	v58 =	vadd.f32 v59, v58;
	_ =	sdelay $0x1  }
0xe6: {  	v58 =	vmul.f32 $5.000000000e-01, v58;
	_ =	sdelay $0x1  }
0xe7: {  	(erf) = vrcp.f32 v58;
	_ =	sdelay $0x8  }
0xe8: {  	v62 =	vpop (erf)  }
0xe9: {  	v59 =	vmul.f32 v62, v57;
	_ =	sdelay $0x1  }
0xea: {  	v58 =	vadd.f32 v59, v58;
	_ =	sdelay $0x1  }
0xeb: {  	v58 =	vmul.f32 $5.000000000e-01, v58;
	_ =	sdelay $0x1  }
0xec: {  	(erf) = vrcp.f32 v58;
	_ =	sdelay $0x8  }
0xed: {  	v63 =	vpop (erf)  }
0xee: {  	v59 =	vmul.f32 v63, v57;
	_ =	sdelay $0x1  }
0xef: {  	v58 =	vadd.f32 v59, v58;
	_ =	sdelay $0x1  }
0xf0: {  	v58 =	vmul.f32 $5.000000000e-01, v58;
	_ =	sdelay $0x1  }
0xf1: {  	(erf) = vrcp.f32 v58;
	_ =	sdelay $0x8  }
0xf2: {  	v60 =	vpop (erf)  }
0xf3: {  	v59 =	vmul.f32 v60, v57;
	_ =	sdelay $0x1  }
0xf4: {  	v58 =	vadd.f32 v59, v58;
	_ =	sdelay $0x1  }
0xf5: {  	v58 =	vmul.f32 $5.000000000e-01, v58;
	_ =	sdelay $0x1  }
0xf6: {  	(erf) = vrcp.f32 v58;
	_ =	sdelay $0x8  }
0xf7: {  	v61 =	vpop (erf)  }
0xf8: {  	v59 =	vmul.f32 v61, v57;
	_ =	sdelay $0x1  }
0xf9: {  	v58 =	vadd.f32 v59, v58;
	_ =	sdelay $0x1  }
0xfa: {  	v58 =	vmul.f32 $5.000000000e-01, v58;
	_ =	sdelay $0x1  }
0xfb: {  	(erf) = vrcp.f32 v58;
	_ =	sdelay $0x8  }
0xfc: {  	v62 =	vpop (erf)  }
0xfd: {  	v59 =	vmul.f32 v62, v57;
	_ =	sdelay $0x1  }
0xfe: {  	v58 =	vadd.f32 v59, v58;
	_ =	sdelay $0x1  }
0xff: {  	v58 =	vmul.f32 $5.000000000e-01, v58;
	_ =	sdelay $0x1  }
0x100: {  	(erf) = vrcp.f32 v58;
	_ =	sdelay $0x8  }
0x101: {  	v63 =	vpop (erf)  }
0x102: {  	v59 =	vmul.f32 v63, v57;
	_ =	sdelay $0x1  }
0x103: {  	v58 =	vadd.f32 v59, v58;
	_ =	sdelay $0x1  }
0x104: {  	v58 =	vmul.f32 $5.000000000e-01, v58;
	_ =	sdelay $0x1  }
0x105: {  	(erf) = vrcp.f32 v58;
	_ =	sdelay $0x8  }
0x106: {  	v60 =	vpop (erf)  }
0x107: {  	v59 =	vmul.f32 v60, v57;
	_ =	sdelay $0x1  }
0x108: {  	v58 =	vadd.f32 v59, v58;
	_ =	sdelay $0x1  }
0x109: {  	v58 =	vmul.f32 $5.000000000e-01, v58;
	_ =	sdelay $0x1  }
0x10a: {  	(erf) = vrcp.f32 v58;
	_ =	sdelay $0x8  }
0x10b: {  	v61 =	vpop (erf)  }
0x10c: {  	v59 =	vmul.f32 v61, v57;
	_ =	sdelay $0x1  }
0x10d: {  	v58 =	vadd.f32 v59, v58;
	_ =	sdelay $0x1  }
0x10e: {  	v58 =	vmul.f32 $5.000000000e-01, v58;
	_ =	sdelay $0x1  }
0x10f: {  	(erf) = vrcp.f32 v58;
	_ =	sdelay $0x8  }
0x110: {  	v62 =	vpop (erf)  }
0x111: {  	v59 =	vmul.f32 v62, v57;
	_ =	sdelay $0x1  }
0x112: {  	v58 =	vadd.f32 v59, v58;
	_ =	sdelay $0x1  }
0x113: {  	v58 =	vmul.f32 $5.000000000e-01, v58;
	_ =	sdelay $0x1  }
0x114: {  	(erf) = vrcp.f32 v58;
	_ =	sdelay $0x8  }
0x115: {  	v63 =	vpop (erf)  }
0x116: {  	v59 =	vmul.f32 v63, v57;
	_ =	sdelay $0x1  }
0x117: {  	v58 =	vadd.f32 v59, v58;
	_ =	sdelay $0x1  }
0x118: {  	v58 =	vmul.f32 $5.000000000e-01, v58;
	_ =	sdelay $0x1  }
0x119: {  	(erf) = vrcp.f32 v58;
	_ =	sdelay $0x8  }
0x11a: {  	v60 =	vpop (erf)  }
0x11b: {  	v57 =	vmul.f32 v60, v57;
	_ =	sdelay $0x1  }
0x11c: {  	v57 =	vadd.f32 v57, v58;
	_ =	sdelay $0x1  }
0x11d: {  	v57 =	vmul.f32 $5.000000000e-01, v57;
	_ =	sdelay $0x1  }
0x11e: {  	v57 =	vadd.f32 $9.999999740e-06, v57;
	_ =	sdelay $0x1  }
0x11f: {  	(erf) = vrcp.f32 v57;
	_ =	sdelay $0x8  }
0x120: {  	v57 =	vpop (erf)  }
0x121: {  	v32 =	vadd.f32 v34, v32;
	v61 =	vmul.f32 v57, v0  }
0x122: {  	v34 =	vadd.f32 v36, v35;
	v31 =	vadd.f32 v33, v31  }
0x123: {  	v35 =	vadd.f32 v38, v37;
	v63 =	vmul.f32 v57, v1;
	v62 =	vmul.f32 v61, v39  }
0x124: {  	v38 =	vadd.f32 v44, v42;
	v31 =	vmul.f32 v31, v30;
	v32 =	vmul.f32 v32, v30  }
0x125: {  	v42 =	vmul.f32 v57, v2;
	v40 =	vmul.f32 v63, v40;
	v36 =	vsub.f32 v15, v62  }
0x126: {  	v34 =	vmul.f32 v34, v30;
	v59 =	vmul.f32 v57, v3;
	v39 =	vadd.f32 v46, v45;
	[tilespmem:s15+$0xFFFFFFE0] =	vst v61  }
0x127: {  	v45 =	vadd.f32 v53, v49;
	v58 =	vmul.f32 v42, v43;
	v53 =	vsub.f32 v16, v40;
	[tilespmem:s18+$0xAF00] =	vst v36  }
0x128: {  	v35 =	vmul.f32 v35, v30;
	v31 =	vmul.f32 v31, v4;
	[tilespmem:s15+$0xFFFFFFF0] =	vst v63  }
0x129: {  	v32 =	vmul.f32 v32, v5;
	v62 =	vsub.f32 v17, v58;
	v63 =	vmul.f32 v59, v41;
	[tilespmem:s18+$0xAF10] =	vst v53  }
0x12a: {  	v34 =	vmul.f32 v34, v6;
	v31 =	vsub.f32 v19, v31;
	v44 =	vadd.f32 v48, v47;
	[tilespmem:s15+$0x0] =	vst v42  }
0x12b: {  	v61 =	vadd.f32 v56, v55;
	v48 =	vmul.f32 v39, v30;
	v42 =	vsub.f32 v18, v63;
	[tilespmem:s18+$0xAF20] =	vst v62  }
0x12c: {  	v32 =	vsub.f32 v20, v32;
	v47 =	vmul.f32 v38, v30;
	v49 =	vmul.f32 v35, v7;
	[tilespmem:s15+$0x10] =	vst v59  }
0x12d: {  	v60 =	vadd.f32 v54, v50;
	v57 =	vmul.f32 v61, v30;
	v54 =	vmul.f32 v48, v9;
	[tilespmem:s18+$0xAF30] =	vst v42  }
0x12e: {  	v50 =	vmul.f32 v44, v30;
	v41 =	vadd.f32 v52, v51;
	v53 =	vsub.f32 v22, v49;
	[tilespmem:s18+$0xAF40] =	vst v31  }
0x12f: {  	v52 =	vmul.f32 v45, v30;
	v58 =	vsub.f32 v24, v54;
	v62 =	vmul.f32 v57, v13;
	[tilespmem:s18+$0xAF50] =	vst v32  }
0x130: {  	v55 =	vmul.f32 v60, v30;
	v51 =	vmul.f32 v47, v8;
	v31 =	vsub.f32 v21, v34;
	[tilespmem:s18+$0xAF70] =	vst v53  }
0x131: {  	v30 =	vmul.f32 v41, v30;
	v59 =	vmul.f32 v52, v11;
	[tilespmem:s18+$0xAF90] =	vst v58;
	v63 =	vsub.f32 v28, v62  }
0x132: {  	v56 =	vmul.f32 v50, v10;
	[tilespmem:s18+$0xAF60] =	vst v31;
	v31 =	vsub.f32 v23, v51  }
0x133: {  	p0 =	sne.s32 s17, $0x7440;
	v30 =	vmul.f32 v30, v14;
	v61 =	vsub.f32 v26, v59;
	[tilespmem:s18+$0xAFD0] =	vst v63  }
.Ltmp2:
0x134: {  	v60 =	vmul.f32 v55, v12;
	[tilespmem:s18+$0xAF80] =	vst v31;
	v31 =	vsub.f32 v25, v56;
	(pc) =	sbr.rel @p0 .LBB2_2-.Ltmp2, $4  }
0x135: {  	v30 =	vsub.f32 v29, v30;
	[tilespmem:s18+$0xAFB0] =	vst v61  }
0x136: {  	[tilespmem:s18+$0xAFA0] =	vst v31;
	v31 =	vsub.f32 v27, v60  }
0x137: {  	[tilespmem:s18+$0xAFE0] =	vst v30  }
0x138: {  	s17 =	sadd.s32 $0x3C0, s17;
	s16 =	sadd.s32 $0x50, s16;
	s15 =	sadd.s32 $0x40, s15;
	[tilespmem:s18+$0xAFC0] =	vst v31  }
0x139: {  	s15 =	rddreg [dreg:$0xc]  }
0x13a: {  	[spmem:s15] =	stream.linear.scatter [tilespmem:s31], [sflag:$0x7], $0x800, $0x38;
	[tilespmem:$0x195A0] =	vst v63  }
0x13b: {  	_ =	swait.ge [sflag:s25], $0x800  }
0x13c: {  	[sflag:s25] =	ssyncset.done $0x0  }
0x13d: {  	s18 =	rddreg [dreg:$0xd];
	[sflag:s25] =	ssyncadd.s32 $0xFFFFF800  }
0x13e: {  	[spmem:s18] =	stream.linear.scatter [tilespmem:s0], [sflag:$0x7], $0x1E00, $0x38;
	[tilespmem:$0x195A0] =	vst v63  }
0x13f: {  	_ =	swait.ge [sflag:s25], $0x1E00  }
0x140: {  	[sflag:s25] =	ssyncset.done $0x0  }
0x141: {  	s15 =	simm.s32 $0x0;
	s16 =	rddreg [dreg:$0xe];
	[sflag:s25] =	ssyncadd.s32 $0xFFFFE200  }
0x142: {  	[tilespmem:s15], [sflag:$0x1] =	stream.linear.gather [hbm4b:s16+s15], $0x4B00, $0x38;
	[tilespmem:$0x195A0] =	vst v63  }
0x143: {  	s19 =	rddreg [dreg:$0xf]  }
0x144: {  	[tilespmem:s2], [sflag:$0x1] =	stream.linear.gather [hbm4b:s19+s15], $0x50, $0x38;
	[tilespmem:$0x195A0] =	vst v63  }
0x145: {  	s17 =	simm.s32 $0x4B00;
	s20 =	rddreg [dreg:$0x10]  }
0x146: {  	[tilespmem:s17], [sflag:$0x2] =	stream.linear.gather [hbm4b:s20+s15], $0x4B00, $0x38;
	[tilespmem:$0x195A0] =	vst v63  }
0x147: {  	s23 =	rddreg [dreg:$0x11]  }
0x148: {  	[tilespmem:s26], [sflag:$0x2] =	stream.linear.gather [hbm4b:s23+s15], $0x50, $0x38;
	[tilespmem:$0x195A0] =	vst v63  }
0x149: {  	[bflag:$0x0] =	sbarrier.arrive $0xFFFF  }
0x14a: {  	v0 =	vld [tilespmem:$0x16DE0]  }
0x14b: {  	v1 =	vld [tilespmem:$0x16DF0]  }
0x14c: {  	v2 =	vld [tilespmem:$0x16E00]  }
0x14d: {  	v3 =	vld [tilespmem:$0x16E10]  }
0x14e: {  	v4 =	vld [tilespmem:$0x16E20]  }
0x14f: {  	v5 =	vld [tilespmem:$0x16E30]  }
.Ltmp3:
0x150: {  	v6 =	vld [tilespmem:$0x16E40];
	(pc) =	sbr.rel .LBB2_4-.Ltmp3, $4  }
0x151: {  	v7 =	vld [tilespmem:$0x16E50]  }
0x152: {  	v8 =	vld [tilespmem:$0x16E60]  }
0x153: {  	v9 =	vld [tilespmem:$0x16E70]  }
0x154: {  	v10 =	vld [tilespmem:$0x16E80]  }
.LBB2_11:
0x155: {  	s15 =	sadd.s32 $0x1, s15  }
0x156: {  	p0 =	sne.s32 s15, $0x3F  }
.Ltmp4:
0x157: {  	_ = 	snop;
	(pc) =	sbr.rel @!p0 .LBB2_12-.Ltmp4, $1  }
0x158: {  	_ =	sdelay $0x3  }
.LBB2_4:
0x159: {  	_ =	swait.ge [sflag:s28], $0x4B00  }
0x15a: {  	[sflag:s28] =	ssyncset.done $0x0  }
0x15b: {  	[sflag:s28] =	ssyncadd.s32 $0xFFFFB500  }
0x15c: {  	_ =	swait.ge [sflag:s28], $0x50  }
0x15d: {  	p0 =	seq.s32 s15, $0x0;
	[sflag:s28] =	ssyncset.done $0x0  }
0x15e: {  	s16 =	simm.s32 @!p0 $0x5;
	[sflag:s28] =	ssyncadd.s32 $0xFFFFFFB0  }
0x15f: {  	_ =	swait.ge @!p0 [sflag:s16], $0x4B00  }
0x160: {  	[sflag:s16] =	ssyncset.done @!p0 $0x0  }
0x161: {  	[sflag:s16] =	ssyncadd.s32 @!p0 $0xFFFFB500  }
0x162: {  	[tilespmem:s0], [sflag:$0x3] =	stream.indirect.gather [spmem:s5], $0xF0, s2, s29, $0xb8;
	[tilespmem:$0x195A0] =	vst v63  }
0x163: {  	_ = 	snop  }
0x164: {  	[tilespmem:s31], [sflag:$0x3] =	stream.indirect.gather [spmem:s4], $0x40, s2, s29, $0xb8;
	[tilespmem:$0x195A0] =	vst v63  }
0x165: {  	_ =	swait.ge [sflag:s30], $0x4B00  }
0x166: {  	[sflag:s30] =	ssyncset.done $0x0  }
0x167: {  	[sflag:s30] =	ssyncadd.s32 $0xFFFFB500  }
0x168: {  	_ =	swait.ge [sflag:s30], $0x1400  }
0x169: {  	[sflag:s30] =	ssyncset.done $0x0  }
0x16a: {  	s18 =	simm.s32 $0x0;
	[sflag:s30] =	ssyncadd.s32 $0xFFFFEC00  }
0x16b: {  	s17 =	sshll.u32 s15, $0x1;
	s19 =	simm.s32 $0x3C0;
	s16 =	simm.s32 $0x14520;
	v11 =	vld [tilespmem:s18+$0x0]  }
.LBB2_5:
0x16c: {  	p1 =	sne.s32 s19, $0x12840;
	v12 =	vld [tilespmem:s16+$0xFFFFFFE0];
	_ =	sdelay $0x3  }
0x16d: {  	v13 =	vld [tilespmem:s18+$0x30]  }
0x16e: {  	v11 =	vmul.f32 v12, v11;
	v12 =	vld [tilespmem:s18+$0x40]  }
0x16f: {  	v14 =	vld [tilespmem:s18+$0x10]  }
0x170: {  	[tilespmem:s18+$0xAF00] =	vst.add.f32.msk $0xffff, v11  }
0x171: {  	v11 =	vld [tilespmem:s16+$0xFFFFFFF0]  }
0x172: {  	v15 =	vld [tilespmem:s18+$0x50]  }
0x173: {  	v16 =	vld [tilespmem:s18+$0x60]  }
0x174: {  	v17 =	vld [tilespmem:s18+$0x70]  }
0x175: {  	v18 =	vld [tilespmem:s18+$0x80]  }
0x176: {  	v11 =	vmul.f32 v11, v14;
	v14 =	vld [tilespmem:s18+$0x90]  }
0x177: {  	v19 =	vld [tilespmem:s18+$0x20]  }
0x178: {  	[tilespmem:s18+$0xAF10] =	vst.add.f32.msk $0xffff, v11  }
0x179: {  	v11 =	vld [tilespmem:s16+$0x0]  }
0x17a: {  	v20 =	vld [tilespmem:s18+$0xA0]  }
0x17b: {  	v21 =	vld [tilespmem:s18+$0xB0]  }
0x17c: {  	v22 =	vld [tilespmem:s18+$0xC0]  }
0x17d: {  	v23 =	vld [tilespmem:s18+$0xD0]  }
0x17e: {  	s20 =	sshra.s32 s19, $0x2;
	v19 =	vmul.f32 v11, v19;
	v24 =	vld [tilespmem:s18+$0xE0]  }
0x17f: {  	v11 =	vld [tilespmem:s20+$0x0]  }
0x180: {  	v12 =	vmul.f32 v12, v0;
	[tilespmem:s18+$0xAF20] =	vst.add.f32.msk $0xffff, v19  }
0x181: {  	v15 =	vmul.f32 v15, v1;
	v19 =	vld [tilespmem:s16+$0x10]  }
0x182: {  	[tilespmem:s18+$0xAF40] =	vst.add.f32.msk $0xffff, v12;
	v12 =	vmul.f32 v16, v2  }
0x183: {  	[tilespmem:s18+$0xAF50] =	vst.add.f32.msk $0xffff, v15;
	v15 =	vmul.f32 v17, v3  }
0x184: {  	[tilespmem:s18+$0xAF60] =	vst.add.f32.msk $0xffff, v12;
	v12 =	vmul.f32 v18, v4  }
0x185: {  	v14 =	vmul.f32 v14, v5;
	[tilespmem:s18+$0xAF70] =	vst.add.f32.msk $0xffff, v15  }
0x186: {  	v13 =	vmul.f32 v19, v13;
	[tilespmem:s18+$0xAF80] =	vst.add.f32.msk $0xffff, v12  }
0x187: {  	v12 =	vmul.f32 v20, v6;
	[tilespmem:s18+$0xAF90] =	vst.add.f32.msk $0xffff, v14  }
0x188: {  	[tilespmem:s18+$0xAF30] =	vst.add.f32.msk $0xffff, v13;
	v13 =	vmul.f32 v21, v7  }
.Ltmp5:
0x189: {  	[tilespmem:s18+$0xAFA0] =	vst.add.f32.msk $0xffff, v12;
	v12 =	vmul.f32 v22, v8;
	(pc) =	sbr.rel @p1 .LBB2_5-.Ltmp5, $4  }
0x18a: {  	[tilespmem:s18+$0xAFB0] =	vst.add.f32.msk $0xffff, v13;
	v13 =	vmul.f32 v23, v9  }
0x18b: {  	[tilespmem:s18+$0xAFC0] =	vst.add.f32.msk $0xffff, v12;
	v12 =	vmul.f32 v24, v10  }
0x18c: {  	[tilespmem:s18+$0xAFD0] =	vst.add.f32.msk $0xffff, v13  }
0x18d: {  	s19 =	sadd.s32 $0x3C0, s19;
	s16 =	sadd.s32 $0x40, s16;
	[tilespmem:s18+$0xAFE0] =	vst.add.f32.msk $0xffff, v12;
	s18 =	smov.u32 s20  }
0x18e: {  	v12 =	vld [tilespmem:s16+$0xFFFFFFE0];
	_ =	sdelay $0x4  }
0x18f: {  	v13 =	vld [tilespmem:s18+$0x30];
	v11 =	vmul.f32 v12, v11  }
0x190: {  	v14 =	vld [tilespmem:s18+$0x10]  }
0x191: {  	[tilespmem:s18+$0xAF00] =	vst.add.f32.msk $0xffff, v11  }
0x192: {  	v11 =	vld [tilespmem:s16+$0xFFFFFFF0]  }
0x193: {  	v57 =	vld [tilespmem:s18+$0x40]  }
0x194: {  	v15 =	vld [tilespmem:s18+$0x50]  }
0x195: {  	v16 =	vld [tilespmem:s18+$0x60]  }
0x196: {  	v17 =	vld [tilespmem:s18+$0x70]  }
0x197: {  	v18 =	vld [tilespmem:s18+$0x80];
	v11 =	vmul.f32 v11, v14  }
0x198: {  	v19 =	vld [tilespmem:s18+$0x20]  }
0x199: {  	[tilespmem:s18+$0xAF10] =	vst.add.f32.msk $0xffff, v11  }
0x19a: {  	v11 =	vld [tilespmem:s16+$0x0]  }
0x19b: {  	v58 =	vld [tilespmem:s18+$0x90]  }
0x19c: {  	v20 =	vld [tilespmem:s18+$0xA0]  }
0x19d: {  	v21 =	vld [tilespmem:s18+$0xB0]  }
0x19e: {  	v22 =	vld [tilespmem:s18+$0xC0]  }
0x19f: {  	v23 =	vld [tilespmem:s18+$0xD0];
	v11 =	vmul.f32 v11, v19  }
0x1a0: {  	v59 =	vld [tilespmem:s18+$0xE0]  }
0x1a1: {  	v15 =	vmul.f32 v15, v1;
	[tilespmem:s18+$0xAF20] =	vst.add.f32.msk $0xffff, v11  }
0x1a2: {  	v11 =	vmul.f32 v57, v0;
	v60 =	vld [tilespmem:s16+$0x10]  }
0x1a3: {  	v61 =	vmul.f32 v17, v3;
	[tilespmem:s18+$0xAF50] =	vst.add.f32.msk $0xffff, v15  }
0x1a4: {  	[tilespmem:s18+$0xAF40] =	vst.add.f32.msk $0xffff, v11;
	v11 =	vmul.f32 v16, v2  }
0x1a5: {  	v14 =	vmul.f32 v58, v5;
	[tilespmem:s18+$0xAF70] =	vst.add.f32.msk $0xffff, v61  }
0x1a6: {  	[tilespmem:s18+$0xAF60] =	vst.add.f32.msk $0xffff, v11;
	v11 =	vmul.f32 v18, v4  }
0x1a7: {  	v62 =	vmul.f32 v21, v7;
	[tilespmem:s18+$0xAF90] =	vst.add.f32.msk $0xffff, v14  }
0x1a8: {  	[tilespmem:s18+$0xAF80] =	vst.add.f32.msk $0xffff, v11;
	v11 =	vmul.f32 v20, v6  }
0x1a9: {  	v63 =	vmul.f32 v23, v9;
	s16 =	smul.u32 $0xA0, s15;
	[tilespmem:s18+$0xAFB0] =	vst.add.f32.msk $0xffff, v62  }
0x1aa: {  	p1 =	seq.s32 s15, $0x3E;
	[tilespmem:s18+$0xAFA0] =	vst.add.f32.msk $0xffff, v11;
	v11 =	vmul.f32 v22, v8  }
.Ltmp6:
0x1ab: {  	[tilespmem:s18+$0xAFD0] =	vst.add.f32.msk $0xffff, v63;
	s19 =	sadd.s32 s10, s16;
	v12 =	vmul.f32 v60, v13;
	(pc) =	sbr.rel @p1 .LBB2_12-.Ltmp6, $4  }
0x1ac: {  	s19 =	smul.u32 $0x1E, s19;
	[tilespmem:s18+$0xAFC0] =	vst.add.f32.msk $0xffff, v11;
	v11 =	vmul.f32 v59, v10  }
0x1ad: {  	[tilespmem:s18+$0xAF30] =	vst.add.f32.msk $0xffff, v12  }
0x1ae: {  	s23 =	sadd.s32 s9, s19;
	[tilespmem:s18+$0xAFE0] =	vst.add.f32.msk $0xffff, v11  }
0x1af: {  	[hbm4b:s23+s6] =	stream.linear.scatter [tilespmem:s0], [sflag:$0x5], $0x4B00, $0x38;
	[tilespmem:$0x195A0] =	vst v63  }
0x1b0: {  	s18 =	sadd.s32 s16, s21;
	s17 =	sor.u32 $0x1, s17  }
0x1b1: {  	s19 =	smul.u32 $0x1E, s18;
	p1 =	sgt.u32 s17, $0x7C  }
.Ltmp7:
0x1b2: {  	_ = 	snop;
	(pc) =	sbr.rel @p1 .LBB2_11-.Ltmp7, $4  }
0x1b3: {  	s18 =	sshrl.u32 s18, $0x3;
	s19 =	sadd.s32 s1, s19  }
0x1b4: {  	[tilespmem:s6], [sflag:$0x1] =	stream.linear.gather [hbm4b:s19+s6], $0x4B00, $0x38;
	[tilespmem:$0x195A0] =	vst v63  }
0x1b5: {  	s18 =	sadd.s32 s3, s18  }
0x1b6: {  	[tilespmem:s2], [sflag:$0x1] =	stream.linear.gather [hbm4b:s18+s6], $0x50, $0x38;
	[tilespmem:$0x195A0] =	vst v63  }
0x1b7: {  	_ =	swait.ge [sflag:s8], $0x4B00  }
0x1b8: {  	[sflag:s8] =	ssyncset.done $0x0  }
0x1b9: {  	[sflag:s8] =	ssyncadd.s32 $0xFFFFB500  }
0x1ba: {  	_ =	swait.ge [sflag:s8], $0x50  }
0x1bb: {  	[sflag:s8] =	ssyncset.done $0x0  }
0x1bc: {  	s18 =	simm.s32 @!p0 $0x6;
	[sflag:s8] =	ssyncadd.s32 $0xFFFFFFB0  }
0x1bd: {  	_ =	swait.ge @!p0 [sflag:s18], $0x4B00  }
0x1be: {  	[sflag:s18] =	ssyncset.done @!p0 $0x0  }
0x1bf: {  	[sflag:s18] =	ssyncadd.s32 @!p0 $0xFFFFB500  }
0x1c0: {  	[tilespmem:s11], [sflag:$0x4] =	stream.indirect.gather [spmem:s5], $0xF0, s26, s29, $0xb8;
	[tilespmem:$0x195A0] =	vst v63  }
0x1c1: {  	_ = 	snop  }
0x1c2: {  	[tilespmem:s12], [sflag:$0x4] =	stream.indirect.gather [spmem:s4], $0x40, s26, s29, $0xb8;
	[tilespmem:$0x195A0] =	vst v63  }
0x1c3: {  	_ =	swait.ge [sflag:s13], $0x4B00  }
0x1c4: {  	[sflag:s13] =	ssyncset.done $0x0  }
0x1c5: {  	[sflag:s13] =	ssyncadd.s32 $0xFFFFB500  }
0x1c6: {  	_ =	swait.ge [sflag:s13], $0x1400  }
0x1c7: {  	[sflag:s13] =	ssyncset.done $0x0  }
0x1c8: {  	s18 =	simm.s32 $0x0;
	[sflag:s13] =	ssyncadd.s32 $0xFFFFEC00  }
0x1c9: {  	s19 =	simm.s32 $0x15920;
	s20 =	simm.s32 $0x3C0;
	v11 =	vld [tilespmem:s18+$0x4B00]  }
.LBB2_9:
0x1ca: {  	p0 =	sne.s32 s20, $0x12840;
	v12 =	vld [tilespmem:s19+$0xFFFFFFE0];
	_ =	sdelay $0x3  }
0x1cb: {  	v13 =	vld [tilespmem:s18+$0x4B30]  }
0x1cc: {  	v11 =	vmul.f32 v12, v11;
	v12 =	vld [tilespmem:s18+$0x4B40]  }
0x1cd: {  	v14 =	vld [tilespmem:s18+$0x4B10]  }
0x1ce: {  	[tilespmem:s18+$0xFA00] =	vst.add.f32.msk $0xffff, v11  }
0x1cf: {  	v11 =	vld [tilespmem:s19+$0xFFFFFFF0]  }
0x1d0: {  	v15 =	vld [tilespmem:s18+$0x4B50]  }
0x1d1: {  	v16 =	vld [tilespmem:s18+$0x4B60]  }
0x1d2: {  	v17 =	vld [tilespmem:s18+$0x4B70]  }
0x1d3: {  	v18 =	vld [tilespmem:s18+$0x4B80]  }
0x1d4: {  	v11 =	vmul.f32 v11, v14;
	v14 =	vld [tilespmem:s18+$0x4B90]  }
0x1d5: {  	v19 =	vld [tilespmem:s18+$0x4B20]  }
0x1d6: {  	[tilespmem:s18+$0xFA10] =	vst.add.f32.msk $0xffff, v11  }
0x1d7: {  	v11 =	vld [tilespmem:s19+$0x0]  }
0x1d8: {  	v20 =	vld [tilespmem:s18+$0x4BA0]  }
0x1d9: {  	v21 =	vld [tilespmem:s18+$0x4BB0]  }
0x1da: {  	v22 =	vld [tilespmem:s18+$0x4BC0]  }
0x1db: {  	v23 =	vld [tilespmem:s18+$0x4BD0]  }
0x1dc: {  	s23 =	sshra.s32 s20, $0x2;
	v19 =	vmul.f32 v11, v19;
	v24 =	vld [tilespmem:s18+$0x4BE0]  }
0x1dd: {  	v11 =	vld [tilespmem:s23+$0x4B00]  }
0x1de: {  	v12 =	vmul.f32 v12, v0;
	[tilespmem:s18+$0xFA20] =	vst.add.f32.msk $0xffff, v19  }
0x1df: {  	v15 =	vmul.f32 v15, v1;
	v19 =	vld [tilespmem:s19+$0x10]  }
0x1e0: {  	[tilespmem:s18+$0xFA40] =	vst.add.f32.msk $0xffff, v12;
	v12 =	vmul.f32 v16, v2  }
0x1e1: {  	[tilespmem:s18+$0xFA50] =	vst.add.f32.msk $0xffff, v15;
	v15 =	vmul.f32 v17, v3  }
0x1e2: {  	[tilespmem:s18+$0xFA60] =	vst.add.f32.msk $0xffff, v12;
	v12 =	vmul.f32 v18, v4  }
0x1e3: {  	v14 =	vmul.f32 v14, v5;
	[tilespmem:s18+$0xFA70] =	vst.add.f32.msk $0xffff, v15  }
0x1e4: {  	v13 =	vmul.f32 v19, v13;
	[tilespmem:s18+$0xFA80] =	vst.add.f32.msk $0xffff, v12  }
0x1e5: {  	v12 =	vmul.f32 v20, v6;
	[tilespmem:s18+$0xFA90] =	vst.add.f32.msk $0xffff, v14  }
0x1e6: {  	[tilespmem:s18+$0xFA30] =	vst.add.f32.msk $0xffff, v13;
	v13 =	vmul.f32 v21, v7  }
.Ltmp8:
0x1e7: {  	[tilespmem:s18+$0xFAA0] =	vst.add.f32.msk $0xffff, v12;
	v12 =	vmul.f32 v22, v8;
	(pc) =	sbr.rel @p0 .LBB2_9-.Ltmp8, $4  }
0x1e8: {  	[tilespmem:s18+$0xFAB0] =	vst.add.f32.msk $0xffff, v13;
	v13 =	vmul.f32 v23, v9  }
0x1e9: {  	[tilespmem:s18+$0xFAC0] =	vst.add.f32.msk $0xffff, v12;
	v12 =	vmul.f32 v24, v10  }
0x1ea: {  	[tilespmem:s18+$0xFAD0] =	vst.add.f32.msk $0xffff, v13  }
0x1eb: {  	s20 =	sadd.s32 $0x3C0, s20;
	s19 =	sadd.s32 $0x40, s19;
	[tilespmem:s18+$0xFAE0] =	vst.add.f32.msk $0xffff, v12;
	s18 =	smov.u32 s23  }
0x1ec: {  	v12 =	vld [tilespmem:s19+$0xFFFFFFE0];
	_ =	sdelay $0x4  }
0x1ed: {  	v13 =	vld [tilespmem:s18+$0x4B30];
	v11 =	vmul.f32 v12, v11  }
0x1ee: {  	v14 =	vld [tilespmem:s18+$0x4B10]  }
0x1ef: {  	[tilespmem:s18+$0xFA00] =	vst.add.f32.msk $0xffff, v11  }
0x1f0: {  	v11 =	vld [tilespmem:s19+$0xFFFFFFF0]  }
0x1f1: {  	v57 =	vld [tilespmem:s18+$0x4B40]  }
0x1f2: {  	v15 =	vld [tilespmem:s18+$0x4B50]  }
0x1f3: {  	v16 =	vld [tilespmem:s18+$0x4B60]  }
0x1f4: {  	v17 =	vld [tilespmem:s18+$0x4B70]  }
0x1f5: {  	v18 =	vld [tilespmem:s18+$0x4B80];
	v11 =	vmul.f32 v11, v14  }
0x1f6: {  	v19 =	vld [tilespmem:s18+$0x4B20]  }
0x1f7: {  	[tilespmem:s18+$0xFA10] =	vst.add.f32.msk $0xffff, v11  }
0x1f8: {  	v11 =	vld [tilespmem:s19+$0x0]  }
0x1f9: {  	v58 =	vld [tilespmem:s18+$0x4B90]  }
0x1fa: {  	v20 =	vld [tilespmem:s18+$0x4BA0]  }
0x1fb: {  	v21 =	vld [tilespmem:s18+$0x4BB0]  }
0x1fc: {  	v22 =	vld [tilespmem:s18+$0x4BC0]  }
0x1fd: {  	v23 =	vld [tilespmem:s18+$0x4BD0];
	v11 =	vmul.f32 v11, v19  }
0x1fe: {  	v59 =	vld [tilespmem:s18+$0x4BE0]  }
0x1ff: {  	v15 =	vmul.f32 v15, v1;
	[tilespmem:s18+$0xFA20] =	vst.add.f32.msk $0xffff, v11  }
0x200: {  	v11 =	vmul.f32 v57, v0;
	v60 =	vld [tilespmem:s19+$0x10]  }
0x201: {  	v61 =	vmul.f32 v17, v3;
	[tilespmem:s18+$0xFA50] =	vst.add.f32.msk $0xffff, v15  }
0x202: {  	[tilespmem:s18+$0xFA40] =	vst.add.f32.msk $0xffff, v11;
	v11 =	vmul.f32 v16, v2  }
0x203: {  	v14 =	vmul.f32 v58, v5;
	[tilespmem:s18+$0xFA70] =	vst.add.f32.msk $0xffff, v61  }
0x204: {  	[tilespmem:s18+$0xFA60] =	vst.add.f32.msk $0xffff, v11;
	v11 =	vmul.f32 v18, v4  }
0x205: {  	v62 =	vmul.f32 v21, v7;
	[tilespmem:s18+$0xFA90] =	vst.add.f32.msk $0xffff, v14  }
0x206: {  	[tilespmem:s18+$0xFA80] =	vst.add.f32.msk $0xffff, v11;
	v11 =	vmul.f32 v20, v6  }
0x207: {  	s17 =	smul.u32 $0x50, s17;
	v63 =	vmul.f32 v23, v9;
	[tilespmem:s18+$0xFAB0] =	vst.add.f32.msk $0xffff, v62  }
0x208: {  	[tilespmem:s18+$0xFAA0] =	vst.add.f32.msk $0xffff, v11;
	v11 =	vmul.f32 v22, v8  }
0x209: {  	s17 =	sadd.s32 s10, s17;
	[tilespmem:s18+$0xFAD0] =	vst.add.f32.msk $0xffff, v63;
	v12 =	vmul.f32 v60, v13  }
0x20a: {  	p0 =	sgt.u32 s15, $0x3C;
	s17 =	smul.u32 $0x1E, s17;
	[tilespmem:s18+$0xFAC0] =	vst.add.f32.msk $0xffff, v11;
	v11 =	vmul.f32 v59, v10  }
0x20b: {  	s16 =	sadd.s32 @!p0 s16, s22;
	[tilespmem:s18+$0xFA30] =	vst.add.f32.msk $0xffff, v12  }
0x20c: {  	s17 =	sadd.s32 s9, s17;
	[tilespmem:s18+$0xFAE0] =	vst.add.f32.msk $0xffff, v11;
	s18 =	smul.u32 @!p0 $0x1E, s16  }
0x20d: {  	[hbm4b:s17+s6] =	stream.linear.scatter [tilespmem:s11], [sflag:$0x6], $0x4B00, $0x38;
	[tilespmem:$0x195A0] =	vst v63  }
.Ltmp9:
0x20e: {  	s19 =	simm.s32 @!p0 $0x4B00;
	(pc) =	sbr.rel .LBB2_11-.Ltmp9, $4  }
0x20f: {  	s16 =	sshrl.u32 @!p0 s16, $0x3;
	s17 =	sadd.s32 @!p0 s1, s18;
	s18 =	simm.s32 @!p0 $0x0  }
0x210: {  	[tilespmem:s19], [sflag:$0x2] =	stream.linear.gather @!p0 [hbm4b:s17+s18], $0x4B00, $0x38;
	[tilespmem:$0x195A0] =	vst v63  }
0x211: {  	s16 =	sadd.s32 @!p0 s3, s16;
	s17 =	simm.s32 @!p0 $0x16D50  }
0x212: {  	[tilespmem:s17], [sflag:$0x2] =	stream.linear.gather @!p0 [hbm4b:s16+s18], $0x50, $0x38;
	[tilespmem:$0x195A0] =	vst v63  }
.LBB2_13:
0x213: {  	_ =	sfence.sel $0x180000  }
0x214: {  	[bflag:$0x0] =	sbarrier.arrive $0xFFFF  }
0x215: {  	_ =	strace $0x9000004A  }
0x216: {  	s0 =	stileid.u32;
	[bflag:$0x2] =	sbarrier.arrive $0xFFFF  }
0x217: {  	p0 =	sne.s32 s0, $0x0;
	s0 =	rddreg [dreg:$0x5]  }
0x218: {  	s0 =	sadd.s32 @!p0 $0x100000, s0  }
0x219: {  	[sflag:s0] =	ssyncadd.tile.s32 @!p0 $0x1;
	_ =	shalt  }
.Lfunc_end2:
_tile_overlayer_lowered:
.L_overlay_start_2:
0x21a: {  	(tag) =	ssettag $0x2  }
0x21b: {  	s0 =	rddreg [dreg:$0x0];
	s2 =	stileid.u32  }
0x21c: {  	s1 =	rddreg [dreg:$0x1];
	p0 =	sne.s32 s2, $0x0  }
0x21d: {  	s3 =	rddreg [dreg:$0x2];
	[bflag:$0x3] =	sbarrier.arrive $0xFFFF;
	s2 =	simm.s32 @!p0 $0x1C07  }
0x21e: {  	[timem:s3], [sflag:s2] =	dma.local @!p0 [hbm:s0], s1  }
0x21f: {  	s0 =	simm.s32 @!p0 $0x7  }
0x220: {  	_ =	swait.ge @!p0 [sflag:s0], s1  }
0x221: {  	s1 =	ssub.s32 @!p0 $0x0, s1;
	[sflag:s0] =	ssyncset.done @!p0 $0x0  }
0x222: {  	[sflag:s0] =	ssyncadd.s32 @!p0 s1  }
0x223: {  	[bflag:$0x3] =	sbarrier.arrive $0xFFFF  }
0x224: {  	_ =	shalt  }

// kernel: sparse-core-data-format-call.cloned.1.call-start
scs
called_computation_lowered:
.L_overlay_start_0:
0x0: {  	s2 =	sld [smem:$0x3FD9]  }
0x1: {  	s3 =	sld [smem:$0x3FFE];
	_ =	sdelay $0x1  }
0x2: {  	s1 =	srdreg.scid  }
0x3: {  	s0 =	sand.u32 $0x1, s1  }
0x4: {  	s18 =	sshll.u32 s0, $0xA;
	s2 =	sadd.s32 s3, s2  }
0x5: {  	s2 =	sadd.s32 s2, s18  }
0x6: {  	[smem:$0x3FC4] =	sst s2  }
0x7: {  	_ = 	snop  }
0x8: {  	s2 =	sld [smem:$0x3FD0];
	(tm) =	ssettm $0x1  }
0x9: {  	s19 =	sld [smem:$0x3FFB];
	_ =	sdelay $0x3  }
0xa: {  	_ =	strace s19  }
0xb: {  	s3 =	sld [smem:$0x3FFC];
	_ =	sdelay $0x3  }
0xc: {  	_ =	strace s3  }
0xd: {  	s3 =	sld [smem:$0x3FFD];
	_ =	sdelay $0x3  }
0xe: {  	_ =	strace s3  }
0xf: {  	_ =	strace $0x8FFFFFFF  }
0x10: {  	s20 =	sld [smem:$0x3FDB];
	_ =	sdelay $0x1  }
0x11: {  	s4 =	simm.s32 $_scs_section_size  }
0x12: {  	s5 =	simm.s32 $_size__tile_overlayer_lowered;
	s6 =	simm.s32 $_tile_overlayer_lowered  }
0x13: {  	s23 =	simm.s32 $0x1BFF;
	s22 =	sshll.u32 s6, $0x1;
	s3 =	sadd.s32 s4, s20  }
0x14: {  	s7 =	simm.s32 $0x0;
	s21 =	sshll.u32 s5, $0x1;
	s5 =	sadd.s32 s22, s3  }
0x15: {  	[timem:s7], [sflag:s23] =	dma.local [hbm:s5], s21  }
0x16: {  	_ =	swait.ge [sflag:s23], s21  }
0x17: {  	s4 =	ssub.s32 $0x0, s21;
	[sflag:s23] =	ssyncset.done $0x0  }
0x18: {  	[sflag:s23] =	ssyncadd.s32 s4;
	_ =	sdelay $0x1  }
0x19: {  	s24 =	simm.s32 $0x1B8B  }
0x1a: {  	_ =	swait.ge [sflag:s24], $0x1  }
0x1b: {  	[sflag:s24] =	ssyncset.done $0x0  }
0x1c: {  	s26 =	simm.s32 $0x1B8E;
	s25 =	sld [smem:$0x3FFE];
	[sflag:s24] =	ssyncadd.s32 $0xFFFFFFFF  }
0x1d: {  	s27 =	simm.s32 $execute0_lowered;
	[smem:$0x3FD2] =	sst s26  }
0x1e: {  	s5 =	sshll.u32 s27, $0x1;
	_ =	strace $0x8000004C;
	[dreg:$0x1] =	wrdreg $0xFFFFFFFF  }
0x1f: {  	s28 =	simm.s32 $_size_execute0_lowered;
	s3 =	sadd.s32 s3, s5;
	[dreg:$0x0] =	wrdreg $0x0  }
0x20: {  	s5 =	sshll.u32 s28, $0x1;
	[dreg:$0x2] =	wrdreg s3  }
0x21: {  	[dreg:$0x3] =	wrdreg s5  }
0x22: {  	[dreg:$0x4] =	wrdreg $0xC0  }
0x23: {  	_ =	task [dreg:s7], $0x5FFFF  }
0x24: {  	[dreg:$0x1] =	wrdreg $0xFFFFFFFF  }
0x25: {  	[dreg:$0x0] =	wrdreg $0x60  }
0x26: {  	[dreg:$0x2] =	wrdreg s25  }
0x27: {  	[dreg:$0x3] =	wrdreg s2  }
0x28: {  	[dreg:$0x4] =	wrdreg $0x9  }
0x29: {  	_ =	task.clear_ibuf [dreg:s7], $0x5FFFF;
	_ =	strace $0x9000004C  }
0x2a: {  	s29 =	simm.s32 $0x9;
	_ =	strace $0x8000004E  }
0x2b: {  	_ =	swait.ge [sflag:s29], $0x1  }
0x2c: {  	[sflag:s29] =	ssyncadd.s32 $0xFFFFFFFF  }
0x2d: {  	_ =	strace $0x9000004E  }
0x2e: {  	_ =	sfence  }
0x2f: {  	s30 =	sld [smem:$0x0];
	_ =	sdelay $0x2  }
0x30: {  	s31 =	sshll.u32 s1, $0xD;
	s1 =	sshrl.u32 s1, $0x2  }
0x31: {  	s3 =	sand.u32 $0x4000, s31;
	s1 =	sadd.s32 s1, s30  }
0x32: {  	s0 =	sor.u32 s3, s0;
	s1 =	sshll.u32 s1, $0x11  }
0x33: {  	s0 =	sor.u32 s1, s0  }
0x34: {  	s0 =	sadd.s32 $0x8F2B, s0  }
0x35: {  	[sflag:s0] =	ssyncadd.remote.s32 $0x1  }
0x36: {  	_ =	sfence.sel $0xFFFF  }
0x37: {  	[dreg:$0x0] =	wrdreg $0xFFFFFFFF;
	(pc) =	sbr.abs _section_cstart, $3  }
0x38: {  	[dreg:$0x1] =	wrdreg $0xFFFFFFFF  }
0x39: {  	_ =	task.clear_ibuf [dreg:s7], $0x2FFFF;
	_ =	strace $0x9FFFFFFF  }
0x3a: {  	(tm) =	ssettm $0x7FFFFFFF  }
0x3b: {  	_ =	shalt  }
tec
execute0_lowered:
.L_overlay_start_1:
0x0: {  	(tag) =	ssettag $0x1  }
0x1: {  	s4 =	rddreg [dreg:$0x0]  }
0x2: {  	s2 =	rddreg [dreg:$0x1]  }
0x3: {  	s0 =	rddreg [dreg:$0x2];
	s1 =	stileid.u32;
	_ =	strace $0x8000004D  }
0x4: {  	s5 =	srdreg.scid;
	s9 =	simm.s32 $0x2;
	s14 =	simm.s32 $0x0  }
0x5: {  	s16 =	simm.s32 $0x0;
	s11 =	simm.s32 $0x0;
	s12 =	simm.s32 $0x0  }
0x6: {  	s15 =	simm.s32 $0x0;
	s3 =	sshll.u32 s1, $0x7;
	s4 =	sadd.s32 $0x938400, s4  }
0x7: {  	s7 =	sshll.u32 s5, $0x7;
	s5 =	simm.s32 $0x1;
	s6 =	ssub.s32 $0x4E200, s3  }
.Ltmp0:
0x8: {  	[sflag:s5] =	ssyncpa.u1 $0x0;
	s8 =	sand.u32 $0x780, s6;
	(pc) =	sbr.rel .LBB1_1-.Ltmp0, $4  }
0x9: {  	s13 =	smov.u32 s3;
	p0 =	sne.s32 s8, $0x0;
	s8 =	simm.s32 $0x1  }
0xa: {  	s10 =	sshrl.u32 s6, $0xB;
	s6 =	sand.u32 $0x80, s7;
	s8 =	simm.s32 @!p0 $0x0  }
0xb: {  	[sflag:s9] =	ssyncpa.u1 $0x0;
	p0 =	por $0x0, $0x0;
	s7 =	sadd.s32 s8, s10  }
0xc: {  	s8 =	sshll.u32 s6, $0x3;
	s10 =	simm.s32 $0x271000;
	s9 =	sadd.s32 $0x1, s7  }
.LBB1_4:
0xd: {  	s22 =	sshrl.u32 s11, $0x3  }
0xe: {  	s23 =	sshll.u32 s12, $0x3;
	s22 =	smul.u32 $0x271000, s22  }
0xf: {  	s23 =	sand.u32 $0xFFFFFC00, s23  }
0x10: {  	s24 =	sand.u32 $0x7F, s12;
	s22 =	sadd.s32 s23, s22  }
0x11: {  	s23 =	sor.u32 s24, s22;
	s22 =	smulhi.u32 $0xD1B71759, s22  }
0x12: {  	v5 =	vld [tilespmem:s18+$0xFFFFFFD0];
	[tilespmem:s20+$0x2040 ss:$0x81] =	vst.msk $0xffff, v4;
	p1 =	sgt.s32 s12, $0x4E180;
	s25 =	smov.u32 s12;
	s26 =	sshra.s32 s12, $0x1F  }
0x13: {  	v58 =	vld [tilespmem:s18+$0xFFFFFFE0];
	[tilespmem:s20+$0x2850 ss:$0x81] =	vst.msk $0xffff, v3;
	s25 =	simm.s32 @!p1 $0x4E180;
	s26 =	sand.u32 s26, s12;
	s22 =	sshrl.u32 s22, $0x12  }
0x14: {  	s21 =	sshra.s32 s21, $0x2;
	v59 =	vld [tilespmem:s18+$0xFFFFFFF0];
	[tilespmem:s20+$0x3060 ss:$0x81] =	vst.msk $0xffff, v2;
	s29 =	ssub.s32 s25, s26;
	s27 =	smul.u32 $0x4445, s22  }
0x15: {  	[tilespmem:s20+$0x0 ss:$0x81] =	vst.msk $0xffff, v0;
	v60 =	vld [tilespmem:s18+$0x0];
	s19 =	sadd.s32 s21, s19;
	s25 =	sadd.s32 $0xFFFB1E80, s29;
	s24 =	smulhi.u32 $0xD1B71759, s23  }
0x16: {  	v61 =	vld [tilespmem:s18+$0x10];
	p1 =	sgt.s32 s11, $0x70;
	[tilespmem:s19+$0x3870 ss:$0x81] =	vst.msk $0xffff, v1;
	p2 =	sgt.s32 s25, $0x7F;
	s31 =	sshrl.u32 s27, $0x16  }
0x17: {  	v62 =	vld [tilespmem:s18+$0x20];
	s25 =	smov.u32 s11;
	[tilespmem:s19+$0x810 ss:$0x81] =	vst.msk $0xffff, v5;
	s30 =	sshrl.u32 s24, $0x12;
	s24 =	smul.u32 $0xF0, s31  }
0x18: {  	v63 =	vld [tilespmem:s18+$0xFFFFFFC0];
	s20 =	ssub.s32 $0x4E200, s29;
	s25 =	simm.s32 @!p1 $0x70;
	[tilespmem:s19+$0x1020 ss:$0x81] =	vst.msk $0xffff, v58;
	s26 =	smul.u32 $0x4E200, s30  }
0x19: {  	[tilespmem:s19+$0x1830 ss:$0x81] =	vst.msk $0xffff, v59;
	s20 =	simm.s32 @p2 $0x0;
	s28 =	ssub.s32 $0xF0, s25;
	s27 =	ssub.s32 s22, s24  }
0x1a: {  	[tilespmem:s19+$0x2040 ss:$0x81] =	vst.msk $0xffff, v60;
	s20 =	smul.u32 s28, s20;
	s18 =	ssub.s32 s23, s26;
	s21 =	sand.u32 $0xFFFF, s27  }
0x1b: {  	[tilespmem:s19+$0x2850 ss:$0x81] =	vst.msk $0xffff, v61;
	s29 =	sshrl.u32 s18, $0x3;
	s18 =	sand.u32 $0x7, s18;
	s21 =	smul.u32 $0x9C40, s21  }
0x1c: {  	[tilespmem:s19+$0x3060 ss:$0x81] =	vst.msk $0xffff, v62;
	s22 =	sadd.s32 s2, s29;
	s18 =	sshll.u32 s18, $0x12  }
0x1d: {  	[tilespmem:s19+$0x0 ss:$0x81] =	vst.msk $0xffff, v63;
	s30 =	sand.u32 $0x3FFFFFF0, s20;
	s18 =	sor.u32 $0x400, s18;
	s31 =	sadd.s32 s21, s22  }
0x1e: {  	[hbm4b:s31+s18] =	stream.strided.scatter [tilespmem:s17], [sflag:$0x2], s30, s10, s18, $0x20;
	[tilespmem:$0x10100] =	vst v63  }
.LBB1_5:
0x1f: {  	p1 =	slt.u32 s15, $0x2  }
0x20: {  	p2 =	sgt.s32 @!p1 s16, $0x4E180  }
0x21: {  	s17 =	smov.u32 s16;
	s18 =	sshra.s32 @!p1 s16, $0x1F;
	p2 =	por !p2, p1  }
0x22: {  	s16 =	sand.u32 @!p1 s18, s16;
	s17 =	simm.s32 @p2 $0x4E180  }
0x23: {  	s16 =	ssub.s32 @!p1 s17, s16  }
0x24: {  	p2 =	sgt.s32 @!p1 s14, $0x70;
	s17 =	sadd.s32 @!p1 $0xFFFB1E80, s16  }
0x25: {  	s18 =	sadd.s32 $0x800, s13;
	p2 =	por !p2, p1;
	p3 =	sgt.s32 @!p1 s17, $0x7F  }
0x26: {  	s14 =	simm.s32 @p2 $0x70;
	s16 =	ssub.s32 @!p1 $0x4E200, s16;
	p2 =	por !p3, p1  }
0x27: {  	s14 =	ssub.s32 @!p1 $0xF0, s14;
	s16 =	simm.s32 @!p2 $0x0;
	p2 =	sgt.s32 s18, $0x4E1FF  }
0x28: {  	s14 =	smul.u32 @!p1 s14, s16;
	s18 =	smov.u32 @p2 s3;
	p2 =	sne.s32 s15, s9  }
.Ltmp1:
0x29: {  	s20 =	sadd.s32 $0x1, s15;
	p0 =	por !p0, !p0;
	(pc) =	sbr.rel @!p2 .LBB1_6-.Ltmp1, $4  }
0x2a: {  	s17 =	simm.s32 @!p1 $0x2;
	s16 =	smov.u32 s12;
	s14 =	sand.u32 @!p1 $0x3FFFFFFF, s14  }
0x2b: {  	s12 =	smov.u32 s13;
	s15 =	smov.u32 s20;
	_ =	swait.ge @!p1 [sflag:s17], s14  }
0x2c: {  	s13 =	smov.u32 s18;
	s19 =	ssub.s32 @!p1 $0x0, s14;
	[sflag:s17] =	ssyncset.done @!p1 $0x0  }
0x2d: {  	s14 =	smov.u32 s11;
	s11 =	smov.u32 s6;
	[sflag:s17] =	ssyncadd.s32 @!p1 s19  }
.LBB1_1:
0x2e: {  	p1 =	sge.u32 s15, s7  }
0x2f: {  	s17 =	sshll.u32 @!p1 s13, $0x8  }
0x30: {  	s18 =	sshll.u32 @!p1 s13, $0x7;
	s17 =	sand.u32 @!p1 $0xFFFFF800, s17  }
0x31: {  	s18 =	sand.u32 @!p1 $0x300, s18;
	s17 =	sor.u32 @!p1 s8, s17  }
0x32: {  	s17 =	sor.u32 @!p1 s18, s17  }
0x33: {  	s17 =	sshrl.u32 @!p1 s17, $0x8  }
0x34: {  	s18 =	smulhi.u32 @!p1 $0x1A36E3, s17;
	_ =	sdelay $0x1  }
0x35: {  	s18 =	sshrl.u32 @!p1 s18, $0x7  }
0x36: {  	s18 =	smul.u32 @!p1 $0x4E200, s18  }
0x37: {  	s31 =	sadd.s32 $0xFFFFFFFF, s15;
	s19 =	sxor.u32 @!p1 $0xFFFFFFFF, s15;
	s20 =	sshll.u32 @!p1 s13, $0x4  }
0x38: {  	s19 =	sshll.u32 @!p1 s19, $0xE;
	s17 =	ssub.s32 @!p1 s17, s18;
	s18 =	sand.u32 @!p1 $0x10, s20  }
0x39: {  	s19 =	sand.u32 @!p1 $0x4000, s19;
	s17 =	sshll.u32 @!p1 s17, $0x5;
	s18 =	sadd.s32 @!p1 s4, s18  }
0x3a: {  	s20 =	simm.s32 @!p1 $0x800;
	s17 =	sadd.s32 @!p1 s17, s18;
	s18 =	simm.s32 @!p1 $0x400  }
0x3b: {  	[tilespmem:s19], [sflag:$0x1] =	stream.strided.gather @!p1 [hbm4b:s17+s18], $0x4000, s20, s18, $0x38;
	[tilespmem:$0x10100] =	vst v63  }
0x3c: {  	p1 =	sge.u32 s31, s7  }
.Ltmp2:
0x3d: {  	_ = 	snop;
	(pc) =	sbr.rel @p1 .LBB1_5-.Ltmp2, $1  }
0x3e: {  	_ =	sdelay $0x3  }
0x3f: {  	s17 =	simm.s32 $0x1  }
0x40: {  	_ =	swait.ge [sflag:s5], $0x4000;
	s17 =	simm.s32 @!p0 $0x0  }
0x41: {  	[sflag:s5] =	ssyncset.done $0x0;
	s18 =	sshll.u32 s17, $0xE  }
0x42: {  	[sflag:s5] =	ssyncadd.s32 $0xFFFFC000;
	s18 =	sor.u32 $0x40, s18  }
0x43: {  	s17 =	smul.u32 $0x10200, s17;
	v0 =	vld [tilespmem:s18+$0x30]  }
0x44: {  	v1 =	vld [tilespmem:s18+$0xFFFFFFD0]  }
0x45: {  	s17 =	sshrl.u32 s17, $0x2;
	v5 =	vld [tilespmem:s18+$0xFFFFFFE0]  }
0x46: {  	v6 =	vld [tilespmem:s18+$0xFFFFFFF0];
	s19 =	sor.u32 $0x8000, s17  }
0x47: {  	s31 =	sand.u32 $0x1, s15;
	v4 =	vld [tilespmem:s18+$0x0];
	s20 =	sadd.s32 $0x0, s19  }
0x48: {  	v3 =	vld [tilespmem:s18+$0x10];
	s17 =	smul.u32 $0x10200, s31;
	[tilespmem:s20+$0x3870 ss:$0x81] =	vst.msk $0xffff, v0  }
0x49: {  	v2 =	vld [tilespmem:s18+$0x20];
	[tilespmem:s20+$0x810 ss:$0x81] =	vst.msk $0xffff, v1  }
0x4a: {  	s17 =	sshrl.u32 s17, $0x2;
	v0 =	vld [tilespmem:s18+$0xFFFFFFC0];
	[tilespmem:s20+$0x1020 ss:$0x81] =	vst.msk $0xffff, v5;
	s18 =	sadd.s32 $0x80, s18  }
0x4b: {  	s21 =	simm.s32 $0x4;
	s22 =	simm.s32 $0x8;
	s17 =	sor.u32 $0x8000, s17;
	[tilespmem:s20+$0x1830 ss:$0x81] =	vst.msk $0xffff, v6;
	v1 =	vld [tilespmem:s18+$0x30]  }
.LBB1_3:
0x4c: {  	p1 =	sne.s32 s22, $0x1FC;
	v5 =	vld [tilespmem:s18+$0xFFFFFFD0];
	[tilespmem:s20+$0x2040 ss:$0x81] =	vst.msk $0xffff, v4  }
0x4d: {  	v6 =	vld [tilespmem:s18+$0xFFFFFFE0];
	[tilespmem:s20+$0x2850 ss:$0x81] =	vst.msk $0xffff, v3  }
0x4e: {  	s23 =	sshra.s32 s21, $0x2;
	s21 =	smov.u32 s22;
	v7 =	vld [tilespmem:s18+$0xFFFFFFF0];
	[tilespmem:s20+$0x3060 ss:$0x81] =	vst.msk $0xffff, v2  }
.Ltmp3:
0x4f: {  	v4 =	vld [tilespmem:s18+$0x0];
	[tilespmem:s20+$0x0 ss:$0x81] =	vst.msk $0xffff, v0;
	s20 =	sadd.s32 s23, s19;
	(pc) =	sbr.rel @p1 .LBB1_3-.Ltmp3, $4  }
0x50: {  	v3 =	vld [tilespmem:s18+$0x10];
	[tilespmem:s20+$0x3870 ss:$0x81] =	vst.msk $0xffff, v1  }
0x51: {  	[tilespmem:s20+$0x810 ss:$0x81] =	vst.msk $0xffff, v5;
	v2 =	vld [tilespmem:s18+$0x20]  }
0x52: {  	v0 =	vld [tilespmem:s18+$0xFFFFFFC0];
	[tilespmem:s20+$0x1020 ss:$0x81] =	vst.msk $0xffff, v6;
	s18 =	sadd.s32 $0x80, s18  }
0x53: {  	s22 =	sadd.s32 $0x4, s22;
	v1 =	vld [tilespmem:s18+$0x30];
	[tilespmem:s20+$0x1830 ss:$0x81] =	vst.msk $0xffff, v7  }
.Ltmp4:
0x54: {  	_ = 	snop;
	(pc) =	sbr.rel .LBB1_4-.Ltmp4, $1  }
0x55: {  	_ =	sdelay $0x3  }
.LBB1_6:
0x56: {  	_ =	sfence.sel $0x180000  }
0x57: {  	s2 =	simm.s32 $0x1;
	[bflag:$0x0] =	sbarrier.arrive $0xFFFF  }
0x58: {  	s31 =	simm.s32 $0x2;
	[sflag:s2] =	ssyncpa.u1 $0x1  }
0x59: {  	[sflag:s31] =	ssyncpa.u1 $0x1  }
0x5a: {  	p0 =	sne.s32 s1, $0x0;
	_ =	strace $0x9000004D  }
0x5b: {  	s0 =	sadd.s32 @!p0 $0x100000, s0;
	[bflag:$0x2] =	sbarrier.arrive $0xFFFF  }
0x5c: {  	[sflag:s0] =	ssyncadd.tile.s32 @!p0 $0x1;
	_ =	shalt  }
.Lfunc_end1:
_tile_overlayer_lowered:
.L_overlay_start_2:
0x5d: {  	(tag) =	ssettag $0x2  }
0x5e: {  	s0 =	rddreg [dreg:$0x0];
	s2 =	stileid.u32  }
0x5f: {  	s1 =	rddreg [dreg:$0x1];
	p0 =	sne.s32 s2, $0x0  }
0x60: {  	s3 =	rddreg [dreg:$0x2];
	[bflag:$0x3] =	sbarrier.arrive $0xFFFF;
	s2 =	simm.s32 @!p0 $0x1C01  }
0x61: {  	[timem:s3], [sflag:s2] =	dma.local @!p0 [hbm:s0], s1  }
0x62: {  	s0 =	simm.s32 @!p0 $0x1  }
0x63: {  	_ =	swait.ge @!p0 [sflag:s0], s1  }
0x64: {  	s1 =	ssub.s32 @!p0 $0x0, s1;
	[sflag:s0] =	ssyncset.done @!p0 $0x0  }
0x65: {  	[sflag:s0] =	ssyncadd.s32 @!p0 s1  }
0x66: {  	[bflag:$0x3] =	sbarrier.arrive $0xFFFF  }
0x67: {  	_ =	shalt  }

</sc_bundles>
